<compile_context>
chip_gen: v7x
topology: tpu7x:2x2x1
jax: 0.10.2.dev20260603
libtpu: 0.0.44.dev20260713+nightly
codegen_flags: <defaults>
</compile_context>

<pallas_src>
import jax
import jax.numpy as jnp
from jax import lax
from jax.experimental import pallas as pl
from jax.experimental.pallas import tpu as pltpu
from jax.experimental.pallas import tpu_sc as plsc

N = 10000
E = 320000
D = 128
H = 128
C = 10
G = 128

NP = 10240
NW = 32
ROWS_S = NP // 16
K = 128
NCHUNK = E // K
CH_W = NCHUNK // NW
TAIL = NCHUNK - CH_W * NW

BN = 1024
NB = NP // BN

_PREC = lax.Precision.HIGHEST


def _fill_f32(ref, n, val):
    def body(i, c):
        ref[pl.ds(i * 16, 16)] = jnp.full((16,), val, jnp.float32)
        return c
    lax.fori_loop(0, n // 16, body, 0)


def _fill2d_f32(ref, rows, val):
    def body(k, c):
        ref[k // 8, pl.ds((k % 8) * 16, 16)] = jnp.full((16,), val, jnp.float32)
        return c
    lax.fori_loop(0, rows * 8, body, 0)


def _deg_body(edge_hbm, out_hbm, acc, ones_v, zv, idx0, idx1, sx0, sx1,
              i0, i1, s0, s1):
    c = lax.axis_index("c")
    s = lax.axis_index("s")
    w = c * 16 + s
    idx = (idx0, idx1)
    sidx = (sx0, sx1)
    isem = (i0, i1)
    ssem = (s0, s1)
    _fill_f32(ones_v, K, 1.0)
    _fill_f32(zv, ROWS_S, 0.0)
    nck = CH_W + jnp.where(w < TAIL, 1, 0)

    def start_idx(j, b):
        off = (j * NW + w) * K
        pltpu.async_copy(edge_hbm.at[1, pl.ds(off, K)], idx[b], isem[b])

    def wait_idx(b):
        pltpu.make_async_copy(edge_hbm.at[1, pl.ds(0, K)], idx[b],
                              isem[b]).wait()

    def copy_idx(b):
        for t in range(K // 16):
            sidx[b][pl.ds(t * 16, 16)] = idx[b][pl.ds(t * 16, 16)]

    def start_scatter(b):
        pltpu.async_copy(ones_v, acc.at[sidx[b]], ssem[b], add=True)

    def wait_scatter(b):
        pltpu.make_async_copy(ones_v, acc.at[sidx[b]], ssem[b]).wait()

    start_idx(0, 0)
    start_idx(1, 1)
    pltpu.sync_copy(zv, acc.at[pl.ds(s * ROWS_S, ROWS_S)])
    plsc.subcore_barrier()

    def pair(p, carry):
        j0 = 2 * p
        wait_idx(0)

        @pl.when(p > 0)
        def _():
            wait_scatter(0)

        copy_idx(0)
        start_scatter(0)

        @pl.when(j0 + 2 < nck)
        def _():
            start_idx(j0 + 2, 0)

        wait_idx(1)

        @pl.when(p > 0)
        def _():
            wait_scatter(1)

        copy_idx(1)
        start_scatter(1)

        @pl.when(j0 + 3 < nck)
        def _():
            start_idx(j0 + 3, 1)

        return carry

    lax.fori_loop(0, CH_W // 2, pair, 0)
    wait_scatter(0)
    wait_scatter(1)

    @pl.when(w < TAIL)
    def _():
        wait_idx(0)
        copy_idx(0)
        start_scatter(0)
        wait_scatter(0)

    plsc.subcore_barrier()
    pltpu.sync_copy(acc.at[pl.ds(s * ROWS_S, ROWS_S)],
                    out_hbm.at[c, pl.ds(s * ROWS_S, ROWS_S)])


_deg_call = pl.kernel(
    _deg_body,
    out_type=jax.ShapeDtypeStruct((2, NP), jnp.float32),
    mesh=plsc.VectorSubcoreMesh(core_axis_name="c", subcore_axis_name="s"),
    scratch_types=[
        pltpu.VMEM_SHARED((NP,), jnp.float32),
        pltpu.VMEM((K,), jnp.float32),
        pltpu.VMEM((ROWS_S,), jnp.float32),
        pltpu.VMEM((K,), jnp.int32),
        pltpu.VMEM((K,), jnp.int32),
        pltpu.VMEM((K,), jnp.int32),
        pltpu.VMEM((K,), jnp.int32),
        pltpu.SemaphoreType.DMA,
        pltpu.SemaphoreType.DMA,
        pltpu.SemaphoreType.DMA,
        pltpu.SemaphoreType.DMA,
    ],
)


def _agg_body(y_hbm, edge_hbm, out_hbm, acc,
              sidx0, sidx1, didx0, didx1, sdidx0, sdidx1, rows0, rows1,
              is0, is1, id0, id1, gs0, gs1, ss0, ss1):
    c = lax.axis_index("c")
    s = lax.axis_index("s")
    w = c * 16 + s
    sidx = (sidx0, sidx1)
    didx = (didx0, didx1)
    sdidx = (sdidx0, sdidx1)
    rows = (rows0, rows1)
    isem = (is0, is1)
    dsem = (id0, id1)
    gsem = (gs0, gs1)
    ssem = (ss0, ss1)

    _fill2d_f32(rows0, K, 0.0)
    for t in range(ROWS_S // K):
        pltpu.async_copy(rows0, acc.at[pl.ds(s * ROWS_S + t * K, K), :], gs0)

    def start_idx(j, b):
        off = (j * NW + w) * K
        pltpu.async_copy(edge_hbm.at[0, pl.ds(off, K)], sidx[b], isem[b])
        pltpu.async_copy(edge_hbm.at[1, pl.ds(off, K)], didx[b], dsem[b])

    def wait_idx(b):
        pltpu.make_async_copy(edge_hbm.at[0, pl.ds(0, K)], sidx[b],
                              isem[b]).wait()
        pltpu.make_async_copy(edge_hbm.at[1, pl.ds(0, K)], didx[b],
                              dsem[b]).wait()

    def start_gather(b):
        pltpu.async_copy(y_hbm.at[sidx[b]], rows[b], gsem[b])

    def wait_gather(b):
        pltpu.make_async_copy(y_hbm.at[sidx[b]], rows[b], gsem[b]).wait()

    def copy_didx(b):
        for t in range(K // 16):
            sdidx[b][pl.ds(t * 16, 16)] = didx[b][pl.ds(t * 16, 16)]

    def start_scatter(b):
        pltpu.async_copy(rows[b], acc.at[sdidx[b]], ssem[b], add=True)

    def wait_scatter(b):
        pltpu.make_async_copy(rows[b], acc.at[sdidx[b]], ssem[b]).wait()

    nck = CH_W + jnp.where(w < TAIL, 1, 0)

    start_idx(0, 0)
    start_idx(1, 1)
    for t in range(ROWS_S // K):
        pltpu.make_async_copy(rows0,
                              acc.at[pl.ds(s * ROWS_S + t * K, K), :],
                              gs0).wait()
    plsc.subcore_barrier()
    wait_idx(0)
    start_gather(0)

    def pair(p, carry):
        j0 = 2 * p
        wait_gather(0)

        @pl.when(p > 0)
        def _():
            wait_scatter(1)

        wait_idx(1)
        start_gather(1)
        copy_didx(0)
        start_scatter(0)

        @pl.when(j0 + 2 < nck)
        def _():
            start_idx(j0 + 2, 0)

        wait_gather(1)
        wait_scatter(0)

        @pl.when(j0 + 2 < nck)
        def _():
            wait_idx(0)
            start_gather(0)

        copy_didx(1)
        start_scatter(1)

        @pl.when(j0 + 3 < nck)
        def _():
            start_idx(j0 + 3, 1)

        return carry

    lax.fori_loop(0, CH_W // 2, pair, 0)

    wait_scatter(1)

    @pl.when(w < TAIL)
    def _():
        wait_gather(0)
        copy_didx(0)
        start_scatter(0)
        wait_scatter(0)

    plsc.subcore_barrier()
    pltpu.sync_copy(acc.at[pl.ds(s * ROWS_S, ROWS_S), :],
                    out_hbm.at[c, pl.ds(s * ROWS_S, ROWS_S), :])


_agg_call = pl.kernel(
    _agg_body,
    out_type=jax.ShapeDtypeStruct((2, NP, D), jnp.float32),
    mesh=plsc.VectorSubcoreMesh(core_axis_name="c", subcore_axis_name="s"),
    scratch_types=[
        pltpu.VMEM_SHARED((NP, D), jnp.float32),
        pltpu.VMEM((K,), jnp.int32),
        pltpu.VMEM((K,), jnp.int32),
        pltpu.VMEM((K,), jnp.int32),
        pltpu.VMEM((K,), jnp.int32),
        pltpu.VMEM((K,), jnp.int32),
        pltpu.VMEM((K,), jnp.int32),
        pltpu.VMEM((K, D), jnp.float32),
        pltpu.VMEM((K, D), jnp.float32),
        pltpu.SemaphoreType.DMA,
        pltpu.SemaphoreType.DMA,
        pltpu.SemaphoreType.DMA,
        pltpu.SemaphoreType.DMA,
        pltpu.SemaphoreType.DMA,
        pltpu.SemaphoreType.DMA,
        pltpu.SemaphoreType.DMA,
        pltpu.SemaphoreType.DMA,
    ],
)


def _tc1b_body(degp, x_ref, w_ref, y_ref):
    deg = degp[0, :] + degp[1, :] + 1.0
    dinv = lax.rsqrt(deg)
    xw = jnp.dot(x_ref[...], w_ref[...], precision=_PREC,
                 preferred_element_type=jnp.float32)
    y_ref[...] = xw * dinv[:, None]


def _tc1b(degp, xp, W1):
    return pl.pallas_call(
        _tc1b_body,
        grid=(NB,),
        in_specs=[
            pl.BlockSpec((2, BN), lambda i: (0, i)),
            pl.BlockSpec((BN, D), lambda i: (i, 0)),
            pl.BlockSpec((D, H), lambda i: (0, 0)),
        ],
        out_specs=pl.BlockSpec((BN, H), lambda i: (i, 0)),
        out_shape=jax.ShapeDtypeStruct((NP, H), jnp.float32),
    )(degp, xp, W1)


def _tc2_body(degp, aggp, y_ref, b_ref, w_ref, out_ref):
    deg = degp[0, :] + degp[1, :] + 1.0
    dinv = lax.rsqrt(deg)
    agg = aggp[0] + aggp[1] + y_ref[...]
    h = jnp.maximum(agg * dinv[:, None] + b_ref[...], 0.0)
    hw = jnp.dot(h, w_ref[...], precision=_PREC,
                 preferred_element_type=jnp.float32)
    out_ref[...] = hw * dinv[:, None]


def _tc2(degp, aggp, y, b, W):
    return pl.pallas_call(
        _tc2_body,
        grid=(NB,),
        in_specs=[
            pl.BlockSpec((2, BN), lambda i: (0, i)),
            pl.BlockSpec((2, BN, D), lambda i: (0, i, 0)),
            pl.BlockSpec((BN, D), lambda i: (i, 0)),
            pl.BlockSpec((1, H), lambda i: (0, 0)),
            pl.BlockSpec((H, H), lambda i: (0, 0)),
        ],
        out_specs=pl.BlockSpec((BN, H), lambda i: (i, 0)),
        out_shape=jax.ShapeDtypeStruct((NP, H), jnp.float32),
    )(degp, aggp, y, b, W)


def _tc3_body(degp, aggp, y_ref, b_ref, wa_ref, ba_ref, wg_ref, bg_ref,
              batch_ref, wl_ref, bl_ref, out_ref,
              h2s, gates, m_acc, num_acc, den_acc):
    t = pl.program_id(0)
    i = pl.program_id(1)
    b = batch_ref[0, :]
    eq = b[:, None] == lax.broadcasted_iota(jnp.int32, (BN, G), 1)

    @pl.when(t == 0)
    def _():
        @pl.when(i == 0)
        def _():
            m_acc[...] = jnp.full((1, G), -jnp.inf, jnp.float32)

        deg = degp[0, :] + degp[1, :] + 1.0
        dinv = lax.rsqrt(deg)
        agg = aggp[0] + aggp[1] + y_ref[...]
        h2 = jnp.maximum(agg * dinv[:, None] + b_ref[...], 0.0)
        h2s[pl.ds(i * BN, BN), :] = h2
        a = jnp.maximum(jnp.dot(h2, wa_ref[...], precision=_PREC,
                                preferred_element_type=jnp.float32)
                        + ba_ref[...], 0.0)
        g = jnp.sum(a * wg_ref[...], axis=1) + bg_ref[0, 0]
        gates[0, pl.ds(i * BN, BN)] = g
        contrib = jnp.where(eq, g[:, None], -jnp.inf)
        m_acc[...] = jnp.maximum(m_acc[...], jnp.max(contrib, axis=0)[None, :])

    @pl.when(t == 1)
    def _():
        @pl.when(i == 0)
        def _():
            num_acc[...] = jnp.zeros((G, D), jnp.float32)
            den_acc[...] = jnp.zeros((G, D), jnp.float32)

        g = gates[0, pl.ds(i * BN, BN)]
        mm = m_acc[0, :]
        mm = jnp.where(mm == -jnp.inf, 0.0, mm)
        eqf = eq.astype(jnp.float32)
        mb = jnp.sum(eqf * mm[None, :], axis=1)
        e = jnp.where(b >= 0, jnp.exp(g - mb), 0.0)
        ew = eqf * e[:, None]
        dn = (((0,), (0,)), ((), ()))
        num_acc[...] += lax.dot_general(ew, h2s[pl.ds(i * BN, BN), :],
                                        dimension_numbers=dn, precision=_PREC,
                                        preferred_element_type=jnp.float32)
        den_acc[...] += lax.dot_general(ew, jnp.ones((BN, D), jnp.float32),
                                        dimension_numbers=dn, precision=_PREC,
                                        preferred_element_type=jnp.float32)

        @pl.when(i == NB - 1)
        def _():
            pooled = num_acc[...] / jnp.maximum(den_acc[...], 1e-16)
            out_ref[...] = jnp.dot(pooled, wl_ref[...], precision=_PREC,
                                   preferred_element_type=jnp.float32) \
                + bl_ref[...]


def _tc3(degp, aggp, y2, b2, Wa, ba, Wg, bg, batchp, Wl, bl):
    zero = lambda t, i: (0, 0)
    row = lambda t, i: (i, 0)
    rowt = lambda t, i: (0, i)
    return pl.pallas_call(
        _tc3_body,
        grid=(2, NB),
        in_specs=[
            pl.BlockSpec((2, BN), rowt),
            pl.BlockSpec((2, BN, D), lambda t, i: (0, i, 0)),
            pl.BlockSpec((BN, D), row),
            pl.BlockSpec((1, H), zero),
            pl.BlockSpec((H, H), zero),
            pl.BlockSpec((1, H), zero),
            pl.BlockSpec((1, H), zero),
            pl.BlockSpec((1, 1), zero),
            pl.BlockSpec((1, BN), rowt),
            pl.BlockSpec((H, C), zero),
            pl.BlockSpec((1, C), zero),
        ],
        out_specs=pl.BlockSpec((G, C), zero),
        out_shape=jax.ShapeDtypeStruct((G, C), jnp.float32),
        scratch_shapes=[pltpu.VMEM((NP, D), jnp.float32),
                        pltpu.VMEM((1, NP), jnp.float32),
                        pltpu.VMEM((1, G), jnp.float32),
                        pltpu.VMEM((G, D), jnp.float32),
                        pltpu.VMEM((G, D), jnp.float32)],
    )(degp, aggp, y2, b2, Wa, ba, Wg, bg, batchp, Wl, bl)


@jax.jit
def kernel(x, edge_index, batch, W1, b1, W2, b2, Wa, ba, Wg, bg, Wl, bl):
    xp = jnp.pad(x, ((0, NP - N), (0, 0)))
    batchp = jnp.pad(batch, (0, NP - N), constant_values=-1).reshape(1, NP)

    degp = _deg_call(edge_index)
    y1 = _tc1b(degp, xp, W1)
    aggp1 = _agg_call(y1, edge_index)
    y2 = _tc2(degp, aggp1, y1, b1.reshape(1, H), W2)
    aggp2 = _agg_call(y2, edge_index)
    out = _tc3(degp, aggp2, y2, b2.reshape(1, H), Wa, ba.reshape(1, H),
               Wg.reshape(1, H), bg.reshape(1, 1), batchp, Wl,
               bl.reshape(1, C))
    return out

# --- scband reference (transcript-rebuilt; emitter-appended) ---
"""Pipeline reference for scband-gnnglobal-attention-807453851813 (READ-ONLY COPY).

The authoritative reference and input builder live on the scoring server;
editing this copy changes nothing except your own understanding.
"""

import jax, jax.numpy as jnp
import numpy as np

N = 10000
E = 320000
D = 128
H = 128
C = 10
G = 128


def setup_inputs(seed: int = 0) -> dict:
    key = jax.random.key(seed)
    ks = jax.random.split(key, 16)
    x = jax.random.normal(ks[0], (N, D), dtype=jnp.float32)
    edge_index = jax.random.randint(ks[1], (2, E), 0, N, dtype=jnp.int32)
    batch = jnp.sort(jax.random.randint(ks[2], (N,), 0, G, dtype=jnp.int32))
    s = 0.05
    W1 = s * jax.random.normal(ks[3], (D, H), dtype=jnp.float32)
    b1 = jnp.zeros((H,), dtype=jnp.float32)
    W2 = s * jax.random.normal(ks[4], (H, H), dtype=jnp.float32)
    b2 = jnp.zeros((H,), dtype=jnp.float32)
    Wa = s * jax.random.normal(ks[5], (H, H), dtype=jnp.float32)
    ba = jnp.zeros((H,), dtype=jnp.float32)
    Wg = s * jax.random.normal(ks[6], (H, 1), dtype=jnp.float32)
    bg = jnp.zeros((1,), dtype=jnp.float32)
    Wl = s * jax.random.normal(ks[7], (H, C), dtype=jnp.float32)
    bl = jnp.zeros((C,), dtype=jnp.float32)
    return {"x": x, "edge_index": edge_index, "batch": batch,
            "W1": W1, "b1": b1, "W2": W2, "b2": b2,
            "Wa": Wa, "ba": ba, "Wg": Wg, "bg": bg,
            "Wl": Wl, "bl": bl}


def _gcn_conv(x, edge_index, W, b):
    # PyG GCNConv: add self-loops, symmetric normalization D^-1/2 A_hat D^-1/2 (X W) + b
    loop = jnp.arange(N, dtype=edge_index.dtype)
    src = jnp.concatenate([edge_index[0], loop])
    dst = jnp.concatenate([edge_index[1], loop])
    ones = jnp.ones(src.shape[0], dtype=x.dtype)
    deg = jax.ops.segment_sum(ones, dst, num_segments=N)
    dinv = jnp.where(deg > 0, jax.lax.rsqrt(deg), 0.0)
    norm = dinv[src] * dinv[dst]
    xw = x @ W
    msgs = xw[src] * norm[:, None]
    out = jax.ops.segment_sum(msgs, dst, num_segments=N)
    return out + b


def _global_attention(x, batch, Wa, ba, Wg, bg):
    gate = jax.nn.relu(x @ Wa + ba) @ Wg + bg  # [N, 1]
    g = gate[:, 0]
    m = jax.ops.segment_max(g, batch, num_segments=G)
    m = jnp.where(jnp.isneginf(m), 0.0, m)
    e = jnp.exp(g - m[batch])
    denom = jax.ops.segment_sum(e, batch, num_segments=G)
    alpha = e / jnp.maximum(denom[batch], 1e-16)
    return jax.ops.segment_sum(alpha[:, None] * x, batch, num_segments=G)  # [G, H]


def reference(x, edge_index, batch, W1, b1, W2, b2, Wa, ba, Wg, bg, Wl, bl):
    h = jax.nn.relu(_gcn_conv(x, edge_index, W1, b1))
    h = jax.nn.relu(_gcn_conv(h, edge_index, W2, b2))
    pooled = _global_attention(h, batch, Wa, ba, Wg, bg)
    return pooled @ Wl + bl

if __name__ == "__main__":
    import jax
    _d = setup_inputs()
    print(jax.jit(kernel)(*tuple(_d.values())))

</pallas_src>

<mosaic_0001>
#map = affine_map<(d0, d1) -> (0, 0)>
module attributes {stable_mosaic.version = 14 : i64} {
  func.func @_deg_body(%arg0: i32, %arg1: i32, %arg2: memref<2x320000xi32, #tpu.memory_space<hbm>>, %arg3: memref<2x10240xf32, #tpu.memory_space<hbm>>, %arg4: memref<10240xf32, #tpu.memory_space<vmem_shared>>, %arg5: memref<128xf32, #tpu.memory_space<vmem>>, %arg6: memref<640xf32, #tpu.memory_space<vmem>>, %arg7: memref<128xi32, #tpu.memory_space<vmem>>, %arg8: memref<128xi32, #tpu.memory_space<vmem>>, %arg9: memref<128xi32, #tpu.memory_space<vmem>>, %arg10: memref<128xi32, #tpu.memory_space<vmem>>, %arg11: memref<!tpu.dma_semaphore, #tpu.memory_space<semaphore_mem>>, %arg12: memref<!tpu.dma_semaphore, #tpu.memory_space<semaphore_mem>>, %arg13: memref<!tpu.dma_semaphore, #tpu.memory_space<semaphore_mem>>, %arg14: memref<!tpu.dma_semaphore, #tpu.memory_space<semaphore_mem>>) attributes {dimension_semantics = [#tpu.dimension_semantics<core_parallel>, #tpu.dimension_semantics<subcore_parallel>], iteration_bounds = array<i64: 2, 16>, scalar_prefetch = 0 : i64, scratch_operands = 11 : i64, tpu.core_type = #tpu.core_type<sc_vector_subcore>, window_params = [{transform_indices = #map}, {transform_indices = #map}]} {
    %mul3A = arith.constant 16 : i32
    %mul3A_0 = arith.muli %arg0, %mul3A : i32
    %add3A = arith.addi %mul3A_0, %arg1 : i32
    %scan3A = arith.constant 0 : i32
    %scan3A_1 = arith.constant 0 : i32
    %scan3A_2 = arith.constant 8 : i32
    %scan3A_3 = arith.addi %scan3A_1, %scan3A_2 : i32
    %scan3A_4 = arith.constant 1 : i32
    scf.for %scan3A_52 = %scan3A_1 to %scan3A_3 step %scan3A_4  : i32 {
      %broadcast_in_dim3A = arith.constant 1.000000e+00 : f32
      %broadcast_in_dim3A_53 = vector.broadcast %broadcast_in_dim3A : f32 to vector<16xf32>
      %mul3A_54 = arith.constant 16 : i32
      %mul3A_55 = arith.muli %scan3A_52, %mul3A_54 : i32
      %swap3A = arith.index_cast %mul3A_55 : i32 to index
      %swap3A_56 = tpu.vector_load %arg5[%swap3A] {strides = array<i32>} : memref<128xf32, #tpu.memory_space<vmem>>, vector<16xf32>,
      %swap3A_57 = vector.shape_cast %swap3A_56 : vector<16xf32> to vector<16xf32>
      %swap3A_58 = vector.shape_cast %broadcast_in_dim3A_53 : vector<16xf32> to vector<16xf32>
      tpu.vector_store %arg5[%swap3A], %swap3A_58 {strides = array<i32>} : memref<128xf32, #tpu.memory_space<vmem>>, vector<16xf32>,
    }
    %scan3A_5 = arith.constant 8 : i32
    %scan3A_6 = arith.constant 0 : i32
    %scan3A_7 = arith.constant 0 : i32
    %scan3A_8 = arith.constant 40 : i32
    %scan3A_9 = arith.addi %scan3A_7, %scan3A_8 : i32
    %scan3A_10 = arith.constant 1 : i32
    scf.for %scan3A_52 = %scan3A_7 to %scan3A_9 step %scan3A_10  : i32 {
      %broadcast_in_dim3A = arith.constant 0.000000e+00 : f32
      %broadcast_in_dim3A_53 = vector.broadcast %broadcast_in_dim3A : f32 to vector<16xf32>
      %mul3A_54 = arith.constant 16 : i32
      %mul3A_55 = arith.muli %scan3A_52, %mul3A_54 : i32
      %swap3A = arith.index_cast %mul3A_55 : i32 to index
      %swap3A_56 = tpu.vector_load %arg6[%swap3A] {strides = array<i32>} : memref<640xf32, #tpu.memory_space<vmem>>, vector<16xf32>,
      %swap3A_57 = vector.shape_cast %swap3A_56 : vector<16xf32> to vector<16xf32>
      %swap3A_58 = vector.shape_cast %broadcast_in_dim3A_53 : vector<16xf32> to vector<16xf32>
      tpu.vector_store %arg6[%swap3A], %swap3A_58 {strides = array<i32>} : memref<640xf32, #tpu.memory_space<vmem>>, vector<16xf32>,
    }
    %scan3A_11 = arith.constant 40 : i32
    %lt3A = arith.constant 4 : i32
    %lt3A_12 = arith.cmpi slt, %add3A, %lt3A : i32
    %jit3A = arith.constant 1 : i32
    %jit3A_13 = arith.constant 0 : i32
    %select_n3A = arith.select %lt3A_12, %jit3A, %jit3A_13 : i32
    %add3A_14 = arith.constant 78 : i32
    %add3A_15 = arith.addi %add3A_14, %select_n3A : i32
    %add3A_16 = arith.constant 0 : i32
    %add3A_17 = arith.addi %add3A_16, %add3A : i32
    %mul3A_18 = arith.constant 128 : i32
    %mul3A_19 = arith.muli %add3A_17, %mul3A_18 : i32
    %dma_start3A = arith.constant 1 : i32
    %dma_start3A_20 = tpu.memref_slice %arg2[%dma_start3A, %mul3A_19] : memref<2x320000xi32, #tpu.memory_space<hbm>> -> memref<1x128xi32, #tpu.memory_space<hbm>>
    %dma_start3A_21 = tpu.memref_squeeze %dma_start3A_20 : memref<1x128xi32, #tpu.memory_space<hbm>> -> memref<128xi32, #tpu.memory_space<hbm>>
    %dma_start3A_22 = tpu.memref_slice %arg2[%dma_start3A, %mul3A_19] : memref<2x320000xi32, #tpu.memory_space<hbm>> -> memref<1x128xi32, #tpu.memory_space<hbm>>
    %dma_start3A_23 = tpu.memref_squeeze %dma_start3A_22 : memref<1x128xi32, #tpu.memory_space<hbm>> -> memref<128xi32, #tpu.memory_space<hbm>>
    tpu.enqueue_dma source(%dma_start3A_23 : memref<128xi32, #tpu.memory_space<hbm>>) target(%arg7 : memref<128xi32, #tpu.memory_space<vmem>>) target_semaphore(%arg11 : memref<!tpu.dma_semaphore, #tpu.memory_space<semaphore_mem>>)
    %add3A_24 = arith.constant 32 : i32
    %add3A_25 = arith.addi %add3A_24, %add3A : i32
    %mul3A_26 = arith.constant 128 : i32
    %mul3A_27 = arith.muli %add3A_25, %mul3A_26 : i32
    %dma_start3A_28 = arith.constant 1 : i32
    %dma_start3A_29 = tpu.memref_slice %arg2[%dma_start3A_28, %mul3A_27] : memref<2x320000xi32, #tpu.memory_space<hbm>> -> memref<1x128xi32, #tpu.memory_space<hbm>>
    %dma_start3A_30 = tpu.memref_squeeze %dma_start3A_29 : memref<1x128xi32, #tpu.memory_space<hbm>> -> memref<128xi32, #tpu.memory_space<hbm>>
    %dma_start3A_31 = tpu.memref_slice %arg2[%dma_start3A_28, %mul3A_27] : memref<2x320000xi32, #tpu.memory_space<hbm>> -> memref<1x128xi32, #tpu.memory_space<hbm>>
    %dma_start3A_32 = tpu.memref_squeeze %dma_start3A_31 : memref<1x128xi32, #tpu.memory_space<hbm>> -> memref<128xi32, #tpu.memory_space<hbm>>
    tpu.enqueue_dma source(%dma_start3A_32 : memref<128xi32, #tpu.memory_space<hbm>>) target(%arg8 : memref<128xi32, #tpu.memory_space<vmem>>) target_semaphore(%arg12 : memref<!tpu.dma_semaphore, #tpu.memory_space<semaphore_mem>>)
    %mul3A_33 = arith.constant 640 : i32
    %mul3A_34 = arith.muli %arg1, %mul3A_33 : i32
    "tpu.region"() ({
      %run_scoped3A = tpu.sem_alloc : memref<!tpu.dma_semaphore, #tpu.memory_space<semaphore_mem>>
      %dma_start3A_52 = tpu.memref_slice %arg4[%mul3A_34] : memref<10240xf32, #tpu.memory_space<vmem_shared>> -> memref<640xf32, #tpu.memory_space<vmem_shared>>
      %dma_start3A_53 = tpu.memref_slice %arg4[%mul3A_34] : memref<10240xf32, #tpu.memory_space<vmem_shared>> -> memref<640xf32, #tpu.memory_space<vmem_shared>>
      tpu.enqueue_dma source(%arg6 : memref<640xf32, #tpu.memory_space<vmem>>) target(%dma_start3A_53 : memref<640xf32, #tpu.memory_space<vmem_shared>>) target_semaphore(%run_scoped3A : memref<!tpu.dma_semaphore, #tpu.memory_space<semaphore_mem>>)
      %dma_wait3A_54 = tpu.memref_slice %arg4[%mul3A_34] : memref<10240xf32, #tpu.memory_space<vmem_shared>> -> memref<640xf32, #tpu.memory_space<vmem_shared>>
      %dma_wait3A_55 = tpu.memref_slice %arg4[%mul3A_34] : memref<10240xf32, #tpu.memory_space<vmem_shared>> -> memref<640xf32, #tpu.memory_space<vmem_shared>>
      tpu.wait_dma2 semaphore(%run_scoped3A : memref<!tpu.dma_semaphore, #tpu.memory_space<semaphore_mem>>) src(%arg6 : memref<640xf32, #tpu.memory_space<vmem>>) dst(%dma_wait3A_55 : memref<640xf32, #tpu.memory_space<vmem_shared>>)
      tpu.yield
    }) : () -> ()
    %barrier3A = arith.constant 0 : index
    tpu.barrier barrier_id(%barrier3A)
    %scan3A_35 = arith.constant 0 : i32
    %scan3A_36 = arith.constant 0 : i32
    %scan3A_37 = arith.constant 39 : i32
    %scan3A_38 = arith.addi %scan3A_36, %scan3A_37 : i32
    %scan3A_39 = arith.constant 1 : i32
    scf.for %scan3A_52 = %scan3A_36 to %scan3A_38 step %scan3A_39  : i32 {
      %mul3A_53 = arith.constant 2 : i32
      %mul3A_54 = arith.muli %mul3A_53, %scan3A_52 : i32
      %dma_wait3A_55 = arith.constant 1 : i32
      %dma_wait3A_56 = arith.constant 0 : i32
      %dma_wait3A_57 = tpu.memref_slice %arg2[%dma_wait3A_55, %dma_wait3A_56] : memref<2x320000xi32, #tpu.memory_space<hbm>> -> memref<1x128xi32, #tpu.memory_space<hbm>>
      %dma_wait3A_58 = tpu.memref_squeeze %dma_wait3A_57 : memref<1x128xi32, #tpu.memory_space<hbm>> -> memref<128xi32, #tpu.memory_space<hbm>>
      %dma_wait3A_59 = arith.constant 0 : i32
      %dma_wait3A_60 = tpu.memref_slice %arg2[%dma_wait3A_55, %dma_wait3A_59] : memref<2x320000xi32, #tpu.memory_space<hbm>> -> memref<1x128xi32, #tpu.memory_space<hbm>>
      %dma_wait3A_61 = tpu.memref_squeeze %dma_wait3A_60 : memref<1x128xi32, #tpu.memory_space<hbm>> -> memref<128xi32, #tpu.memory_space<hbm>>
      tpu.wait_dma2 semaphore(%arg11 : memref<!tpu.dma_semaphore, #tpu.memory_space<semaphore_mem>>) src(%dma_wait3A_61 : memref<128xi32, #tpu.memory_space<hbm>>) dst(%arg7 : memref<128xi32, #tpu.memory_space<vmem>>)
      %gt3A = arith.constant 0 : i32
      %gt3A_62 = arith.cmpi sgt, %scan3A_52, %gt3A : i32
      %convert_element_type3A_63 = arith.extui %gt3A_62 : i1 to i32
      %cond3A_64 = arith.constant 0 : i32
      %cond3A_65 = arith.cmpi ne, %convert_element_type3A_63, %cond3A_64 : i32
      scf.if %cond3A_65 {
        %dma_wait3A_204 = arith.constant 0 : i32
        %dma_wait3A_205 = tpu.memref_slice %arg4[%dma_wait3A_204] : memref<10240xf32, #tpu.memory_space<vmem_shared>> -> memref<10240xf32, #tpu.memory_space<vmem_shared>>
        tpu.wait_indirect_dma semaphore(%arg13 : memref<!tpu.dma_semaphore, #tpu.memory_space<semaphore_mem>>) src(%arg5 : memref<128xf32, #tpu.memory_space<vmem>>) dst(%dma_wait3A_205 : memref<10240xf32, #tpu.memory_space<vmem_shared>>)
      } else {
      }
      %get3A = arith.constant 0 : index
      %get3A_66 = tpu.vector_load %arg7[%get3A] {strides = array<i32>} : memref<128xi32, #tpu.memory_space<vmem>>, vector<16xi32>,
      %get3A_67 = vector.shape_cast %get3A_66 : vector<16xi32> to vector<16xi32>
      %swap3A = arith.constant 0 : index
      %swap3A_68 = tpu.vector_load %arg9[%swap3A] {strides = array<i32>} : memref<128xi32, #tpu.memory_space<vmem>>, vector<16xi32>,
      %swap3A_69 = vector.shape_cast %swap3A_68 : vector<16xi32> to vector<16xi32>
      %swap3A_70 = vector.shape_cast %get3A_67 : vector<16xi32> to vector<16xi32>
      tpu.vector_store %arg9[%swap3A], %swap3A_70 {strides = array<i32>} : memref<128xi32, #tpu.memory_space<vmem>>, vector<16xi32>,
      %get3A_71 = arith.constant 16 : index
      %get3A_72 = tpu.vector_load %arg7[%get3A_71] {strides = array<i32>} : memref<128xi32, #tpu.memory_space<vmem>>, vector<16xi32>,
      %get3A_73 = vector.shape_cast %get3A_72 : vector<16xi32> to vector<16xi32>
      %swap3A_74 = arith.constant 16 : index
      %swap3A_75 = tpu.vector_load %arg9[%swap3A_74] {strides = array<i32>} : memref<128xi32, #tpu.memory_space<vmem>>, vector<16xi32>,
      %swap3A_76 = vector.shape_cast %swap3A_75 : vector<16xi32> to vector<16xi32>
      %swap3A_77 = vector.shape_cast %get3A_73 : vector<16xi32> to vector<16xi32>
      tpu.vector_store %arg9[%swap3A_74], %swap3A_77 {strides = array<i32>} : memref<128xi32, #tpu.memory_space<vmem>>, vector<16xi32>,
      %get3A_78 = arith.constant 32 : index
      %get3A_79 = tpu.vector_load %arg7[%get3A_78] {strides = array<i32>} : memref<128xi32, #tpu.memory_space<vmem>>, vector<16xi32>,
      %get3A_80 = vector.shape_cast %get3A_79 : vector<16xi32> to vector<16xi32>
      %swap3A_81 = arith.constant 32 : index
      %swap3A_82 = tpu.vector_load %arg9[%swap3A_81] {strides = array<i32>} : memref<128xi32, #tpu.memory_space<vmem>>, vector<16xi32>,
      %swap3A_83 = vector.shape_cast %swap3A_82 : vector<16xi32> to vector<16xi32>
      %swap3A_84 = vector.shape_cast %get3A_80 : vector<16xi32> to vector<16xi32>
      tpu.vector_store %arg9[%swap3A_81], %swap3A_84 {strides = array<i32>} : memref<128xi32, #tpu.memory_space<vmem>>, vector<16xi32>,
      %get3A_85 = arith.constant 48 : index
      %get3A_86 = tpu.vector_load %arg7[%get3A_85] {strides = array<i32>} : memref<128xi32, #tpu.memory_space<vmem>>, vector<16xi32>,
      %get3A_87 = vector.shape_cast %get3A_86 : vector<16xi32> to vector<16xi32>
      %swap3A_88 = arith.constant 48 : index
      %swap3A_89 = tpu.vector_load %arg9[%swap3A_88] {strides = array<i32>} : memref<128xi32, #tpu.memory_space<vmem>>, vector<16xi32>,
      %swap3A_90 = vector.shape_cast %swap3A_89 : vector<16xi32> to vector<16xi32>
      %swap3A_91 = vector.shape_cast %get3A_87 : vector<16xi32> to vector<16xi32>
      tpu.vector_store %arg9[%swap3A_88], %swap3A_91 {strides = array<i32>} : memref<128xi32, #tpu.memory_space<vmem>>, vector<16xi32>,
      %get3A_92 = arith.constant 64 : index
      %get3A_93 = tpu.vector_load %arg7[%get3A_92] {strides = array<i32>} : memref<128xi32, #tpu.memory_space<vmem>>, vector<16xi32>,
      %get3A_94 = vector.shape_cast %get3A_93 : vector<16xi32> to vector<16xi32>
      %swap3A_95 = arith.constant 64 : index
      %swap3A_96 = tpu.vector_load %arg9[%swap3A_95] {strides = array<i32>} : memref<128xi32, #tpu.memory_space<vmem>>, vector<16xi32>,
      %swap3A_97 = vector.shape_cast %swap3A_96 : vector<16xi32> to vector<16xi32>
      %swap3A_98 = vector.shape_cast %get3A_94 : vector<16xi32> to vector<16xi32>
      tpu.vector_store %arg9[%swap3A_95], %swap3A_98 {strides = array<i32>} : memref<128xi32, #tpu.memory_space<vmem>>, vector<16xi32>,
      %get3A_99 = arith.constant 80 : index
      %get3A_100 = tpu.vector_load %arg7[%get3A_99] {strides = array<i32>} : memref<128xi32, #tpu.memory_space<vmem>>, vector<16xi32>,
      %get3A_101 = vector.shape_cast %get3A_100 : vector<16xi32> to vector<16xi32>
      %swap3A_102 = arith.constant 80 : index
      %swap3A_103 = tpu.vector_load %arg9[%swap3A_102] {strides = array<i32>} : memref<128xi32, #tpu.memory_space<vmem>>, vector<16xi32>,
      %swap3A_104 = vector.shape_cast %swap3A_103 : vector<16xi32> to vector<16xi32>
      %swap3A_105 = vector.shape_cast %get3A_101 : vector<16xi32> to vector<16xi32>
      tpu.vector_store %arg9[%swap3A_102], %swap3A_105 {strides = array<i32>} : memref<128xi32, #tpu.memory_space<vmem>>, vector<16xi32>,
      %get3A_106 = arith.constant 96 : index
      %get3A_107 = tpu.vector_load %arg7[%get3A_106] {strides = array<i32>} : memref<128xi32, #tpu.memory_space<vmem>>, vector<16xi32>,
      %get3A_108 = vector.shape_cast %get3A_107 : vector<16xi32> to vector<16xi32>
      %swap3A_109 = arith.constant 96 : index
      %swap3A_110 = tpu.vector_load %arg9[%swap3A_109] {strides = array<i32>} : memref<128xi32, #tpu.memory_space<vmem>>, vector<16xi32>,
      %swap3A_111 = vector.shape_cast %swap3A_110 : vector<16xi32> to vector<16xi32>
      %swap3A_112 = vector.shape_cast %get3A_108 : vector<16xi32> to vector<16xi32>
      tpu.vector_store %arg9[%swap3A_109], %swap3A_112 {strides = array<i32>} : memref<128xi32, #tpu.memory_space<vmem>>, vector<16xi32>,
      %get3A_113 = arith.constant 112 : index
      %get3A_114 = tpu.vector_load %arg7[%get3A_113] {strides = array<i32>} : memref<128xi32, #tpu.memory_space<vmem>>, vector<16xi32>,
      %get3A_115 = vector.shape_cast %get3A_114 : vector<16xi32> to vector<16xi32>
      %swap3A_116 = arith.constant 112 : index
      %swap3A_117 = tpu.vector_load %arg9[%swap3A_116] {strides = array<i32>} : memref<128xi32, #tpu.memory_space<vmem>>, vector<16xi32>,
      %swap3A_118 = vector.shape_cast %swap3A_117 : vector<16xi32> to vector<16xi32>
      %swap3A_119 = vector.shape_cast %get3A_115 : vector<16xi32> to vector<16xi32>
      tpu.vector_store %arg9[%swap3A_116], %swap3A_119 {strides = array<i32>} : memref<128xi32, #tpu.memory_space<vmem>>, vector<16xi32>,
      %dma_start3A_120 = arith.constant 0 : i32
      %dma_start3A_121 = tpu.memref_slice %arg4[%dma_start3A_120] : memref<10240xf32, #tpu.memory_space<vmem_shared>> -> memref<10240xf32, #tpu.memory_space<vmem_shared>>
      tpu.enqueue_indirect_dma source(%arg5 : memref<128xf32, #tpu.memory_space<vmem>>) target(%dma_start3A_121 : memref<10240xf32, #tpu.memory_space<vmem_shared>>) offsets(%arg9 : memref<128xi32, #tpu.memory_space<vmem>>) semaphore(%arg13 : memref<!tpu.dma_semaphore, #tpu.memory_space<semaphore_mem>>) {add = true}
      %add3A_122 = arith.constant 2 : i32
      %add3A_123 = arith.addi %mul3A_54, %add3A_122 : i32
      %lt3A_124 = arith.cmpi slt, %add3A_123, %add3A_15 : i32
      %convert_element_type3A_125 = arith.extui %lt3A_124 : i1 to i32
      %cond3A_126 = arith.constant 0 : i32
      %cond3A_127 = arith.cmpi ne, %convert_element_type3A_125, %cond3A_126 : i32
      scf.if %cond3A_127 {
        %add3A_204 = arith.constant 2 : i32
        %add3A_205 = arith.addi %mul3A_54, %add3A_204 : i32
        %mul3A_206 = arith.constant 32 : i32
        %mul3A_207 = arith.muli %add3A_205, %mul3A_206 : i32
        %add3A_208 = arith.addi %mul3A_207, %add3A : i32
        %mul3A_209 = arith.constant 128 : i32
        %mul3A_210 = arith.muli %add3A_208, %mul3A_209 : i32
        %dma_start3A_211 = arith.constant 1 : i32
        %dma_start3A_212 = tpu.memref_slice %arg2[%dma_start3A_211, %mul3A_210] : memref<2x320000xi32, #tpu.memory_space<hbm>> -> memref<1x128xi32, #tpu.memory_space<hbm>>
        %dma_start3A_213 = tpu.memref_squeeze %dma_start3A_212 : memref<1x128xi32, #tpu.memory_space<hbm>> -> memref<128xi32, #tpu.memory_space<hbm>>
        %dma_start3A_214 = tpu.memref_slice %arg2[%dma_start3A_211, %mul3A_210] : memref<2x320000xi32, #tpu.memory_space<hbm>> -> memref<1x128xi32, #tpu.memory_space<hbm>>
        %dma_start3A_215 = tpu.memref_squeeze %dma_start3A_214 : memref<1x128xi32, #tpu.memory_space<hbm>> -> memref<128xi32, #tpu.memory_space<hbm>>
        tpu.enqueue_dma source(%dma_start3A_215 : memref<128xi32, #tpu.memory_space<hbm>>) target(%arg7 : memref<128xi32, #tpu.memory_space<vmem>>) target_semaphore(%arg11 : memref<!tpu.dma_semaphore, #tpu.memory_space<semaphore_mem>>)
      } else {
      }
      %dma_wait3A_128 = arith.constant 1 : i32
      %dma_wait3A_129 = arith.constant 0 : i32
      %dma_wait3A_130 = tpu.memref_slice %arg2[%dma_wait3A_128, %dma_wait3A_129] : memref<2x320000xi32, #tpu.memory_space<hbm>> -> memref<1x128xi32, #tpu.memory_space<hbm>>
      %dma_wait3A_131 = tpu.memref_squeeze %dma_wait3A_130 : memref<1x128xi32, #tpu.memory_space<hbm>> -> memref<128xi32, #tpu.memory_space<hbm>>
      %dma_wait3A_132 = arith.constant 0 : i32
      %dma_wait3A_133 = tpu.memref_slice %arg2[%dma_wait3A_128, %dma_wait3A_132] : memref<2x320000xi32, #tpu.memory_space<hbm>> -> memref<1x128xi32, #tpu.memory_space<hbm>>
      %dma_wait3A_134 = tpu.memref_squeeze %dma_wait3A_133 : memref<1x128xi32, #tpu.memory_space<hbm>> -> memref<128xi32, #tpu.memory_space<hbm>>
      tpu.wait_dma2 semaphore(%arg12 : memref<!tpu.dma_semaphore, #tpu.memory_space<semaphore_mem>>) src(%dma_wait3A_134 : memref<128xi32, #tpu.memory_space<hbm>>) dst(%arg8 : memref<128xi32, #tpu.memory_space<vmem>>)
      %gt3A_135 = arith.constant 0 : i32
      %gt3A_136 = arith.cmpi sgt, %scan3A_52, %gt3A_135 : i32
      %convert_element_type3A_137 = arith.extui %gt3A_136 : i1 to i32
      %cond3A_138 = arith.constant 0 : i32
      %cond3A_139 = arith.cmpi ne, %convert_element_type3A_137, %cond3A_138 : i32
      scf.if %cond3A_139 {
        %dma_wait3A_204 = arith.constant 0 : i32
        %dma_wait3A_205 = tpu.memref_slice %arg4[%dma_wait3A_204] : memref<10240xf32, #tpu.memory_space<vmem_shared>> -> memref<10240xf32, #tpu.memory_space<vmem_shared>>
        tpu.wait_indirect_dma semaphore(%arg14 : memref<!tpu.dma_semaphore, #tpu.memory_space<semaphore_mem>>) src(%arg5 : memref<128xf32, #tpu.memory_space<vmem>>) dst(%dma_wait3A_205 : memref<10240xf32, #tpu.memory_space<vmem_shared>>)
      } else {
      }
      %get3A_140 = arith.constant 0 : index
      %get3A_141 = tpu.vector_load %arg8[%get3A_140] {strides = array<i32>} : memref<128xi32, #tpu.memory_space<vmem>>, vector<16xi32>,
      %get3A_142 = vector.shape_cast %get3A_141 : vector<16xi32> to vector<16xi32>
      %swap3A_143 = arith.constant 0 : index
      %swap3A_144 = tpu.vector_load %arg10[%swap3A_143] {strides = array<i32>} : memref<128xi32, #tpu.memory_space<vmem>>, vector<16xi32>,
      %swap3A_145 = vector.shape_cast %swap3A_144 : vector<16xi32> to vector<16xi32>
      %swap3A_146 = vector.shape_cast %get3A_142 : vector<16xi32> to vector<16xi32>
      tpu.vector_store %arg10[%swap3A_143], %swap3A_146 {strides = array<i32>} : memref<128xi32, #tpu.memory_space<vmem>>, vector<16xi32>,
      %get3A_147 = arith.constant 16 : index
      %get3A_148 = tpu.vector_load %arg8[%get3A_147] {strides = array<i32>} : memref<128xi32, #tpu.memory_space<vmem>>, vector<16xi32>,
      %get3A_149 = vector.shape_cast %get3A_148 : vector<16xi32> to vector<16xi32>
      %swap3A_150 = arith.constant 16 : index
      %swap3A_151 = tpu.vector_load %arg10[%swap3A_150] {strides = array<i32>} : memref<128xi32, #tpu.memory_space<vmem>>, vector<16xi32>,
      %swap3A_152 = vector.shape_cast %swap3A_151 : vector<16xi32> to vector<16xi32>
      %swap3A_153 = vector.shape_cast %get3A_149 : vector<16xi32> to vector<16xi32>
      tpu.vector_store %arg10[%swap3A_150], %swap3A_153 {strides = array<i32>} : memref<128xi32, #tpu.memory_space<vmem>>, vector<16xi32>,
      %get3A_154 = arith.constant 32 : index
      %get3A_155 = tpu.vector_load %arg8[%get3A_154] {strides = array<i32>} : memref<128xi32, #tpu.memory_space<vmem>>, vector<16xi32>,
      %get3A_156 = vector.shape_cast %get3A_155 : vector<16xi32> to vector<16xi32>
      %swap3A_157 = arith.constant 32 : index
      %swap3A_158 = tpu.vector_load %arg10[%swap3A_157] {strides = array<i32>} : memref<128xi32, #tpu.memory_space<vmem>>, vector<16xi32>,
      %swap3A_159 = vector.shape_cast %swap3A_158 : vector<16xi32> to vector<16xi32>
      %swap3A_160 = vector.shape_cast %get3A_156 : vector<16xi32> to vector<16xi32>
      tpu.vector_store %arg10[%swap3A_157], %swap3A_160 {strides = array<i32>} : memref<128xi32, #tpu.memory_space<vmem>>, vector<16xi32>,
      %get3A_161 = arith.constant 48 : index
      %get3A_162 = tpu.vector_load %arg8[%get3A_161] {strides = array<i32>} : memref<128xi32, #tpu.memory_space<vmem>>, vector<16xi32>,
      %get3A_163 = vector.shape_cast %get3A_162 : vector<16xi32> to vector<16xi32>
      %swap3A_164 = arith.constant 48 : index
      %swap3A_165 = tpu.vector_load %arg10[%swap3A_164] {strides = array<i32>} : memref<128xi32, #tpu.memory_space<vmem>>, vector<16xi32>,
      %swap3A_166 = vector.shape_cast %swap3A_165 : vector<16xi32> to vector<16xi32>
      %swap3A_167 = vector.shape_cast %get3A_163 : vector<16xi32> to vector<16xi32>
      tpu.vector_store %arg10[%swap3A_164], %swap3A_167 {strides = array<i32>} : memref<128xi32, #tpu.memory_space<vmem>>, vector<16xi32>,
      %get3A_168 = arith.constant 64 : index
      %get3A_169 = tpu.vector_load %arg8[%get3A_168] {strides = array<i32>} : memref<128xi32, #tpu.memory_space<vmem>>, vector<16xi32>,
      %get3A_170 = vector.shape_cast %get3A_169 : vector<16xi32> to vector<16xi32>
      %swap3A_171 = arith.constant 64 : index
      %swap3A_172 = tpu.vector_load %arg10[%swap3A_171] {strides = array<i32>} : memref<128xi32, #tpu.memory_space<vmem>>, vector<16xi32>,
      %swap3A_173 = vector.shape_cast %swap3A_172 : vector<16xi32> to vector<16xi32>
      %swap3A_174 = vector.shape_cast %get3A_170 : vector<16xi32> to vector<16xi32>
      tpu.vector_store %arg10[%swap3A_171], %swap3A_174 {strides = array<i32>} : memref<128xi32, #tpu.memory_space<vmem>>, vector<16xi32>,
      %get3A_175 = arith.constant 80 : index
      %get3A_176 = tpu.vector_load %arg8[%get3A_175] {strides = array<i32>} : memref<128xi32, #tpu.memory_space<vmem>>, vector<16xi32>,
      %get3A_177 = vector.shape_cast %get3A_176 : vector<16xi32> to vector<16xi32>
      %swap3A_178 = arith.constant 80 : index
      %swap3A_179 = tpu.vector_load %arg10[%swap3A_178] {strides = array<i32>} : memref<128xi32, #tpu.memory_space<vmem>>, vector<16xi32>,
      %swap3A_180 = vector.shape_cast %swap3A_179 : vector<16xi32> to vector<16xi32>
      %swap3A_181 = vector.shape_cast %get3A_177 : vector<16xi32> to vector<16xi32>
      tpu.vector_store %arg10[%swap3A_178], %swap3A_181 {strides = array<i32>} : memref<128xi32, #tpu.memory_space<vmem>>, vector<16xi32>,
      %get3A_182 = arith.constant 96 : index
      %get3A_183 = tpu.vector_load %arg8[%get3A_182] {strides = array<i32>} : memref<128xi32, #tpu.memory_space<vmem>>, vector<16xi32>,
      %get3A_184 = vector.shape_cast %get3A_183 : vector<16xi32> to vector<16xi32>
      %swap3A_185 = arith.constant 96 : index
      %swap3A_186 = tpu.vector_load %arg10[%swap3A_185] {strides = array<i32>} : memref<128xi32, #tpu.memory_space<vmem>>, vector<16xi32>,
      %swap3A_187 = vector.shape_cast %swap3A_186 : vector<16xi32> to vector<16xi32>
      %swap3A_188 = vector.shape_cast %get3A_184 : vector<16xi32> to vector<16xi32>
      tpu.vector_store %arg10[%swap3A_185], %swap3A_188 {strides = array<i32>} : memref<128xi32, #tpu.memory_space<vmem>>, vector<16xi32>,
      %get3A_189 = arith.constant 112 : index
      %get3A_190 = tpu.vector_load %arg8[%get3A_189] {strides = array<i32>} : memref<128xi32, #tpu.memory_space<vmem>>, vector<16xi32>,
      %get3A_191 = vector.shape_cast %get3A_190 : vector<16xi32> to vector<16xi32>
      %swap3A_192 = arith.constant 112 : index
      %swap3A_193 = tpu.vector_load %arg10[%swap3A_192] {strides = array<i32>} : memref<128xi32, #tpu.memory_space<vmem>>, vector<16xi32>,
      %swap3A_194 = vector.shape_cast %swap3A_193 : vector<16xi32> to vector<16xi32>
      %swap3A_195 = vector.shape_cast %get3A_191 : vector<16xi32> to vector<16xi32>
      tpu.vector_store %arg10[%swap3A_192], %swap3A_195 {strides = array<i32>} : memref<128xi32, #tpu.memory_space<vmem>>, vector<16xi32>,
      %dma_start3A_196 = arith.constant 0 : i32
      %dma_start3A_197 = tpu.memref_slice %arg4[%dma_start3A_196] : memref<10240xf32, #tpu.memory_space<vmem_shared>> -> memref<10240xf32, #tpu.memory_space<vmem_shared>>
      tpu.enqueue_indirect_dma source(%arg5 : memref<128xf32, #tpu.memory_space<vmem>>) target(%dma_start3A_197 : memref<10240xf32, #tpu.memory_space<vmem_shared>>) offsets(%arg10 : memref<128xi32, #tpu.memory_space<vmem>>) semaphore(%arg14 : memref<!tpu.dma_semaphore, #tpu.memory_space<semaphore_mem>>) {add = true}
      %add3A_198 = arith.constant 3 : i32
      %add3A_199 = arith.addi %mul3A_54, %add3A_198 : i32
      %lt3A_200 = arith.cmpi slt, %add3A_199, %add3A_15 : i32
      %convert_element_type3A_201 = arith.extui %lt3A_200 : i1 to i32
      %cond3A_202 = arith.constant 0 : i32
      %cond3A_203 = arith.cmpi ne, %convert_element_type3A_201, %cond3A_202 : i32
      scf.if %cond3A_203 {
        %add3A_204 = arith.constant 3 : i32
        %add3A_205 = arith.addi %mul3A_54, %add3A_204 : i32
        %mul3A_206 = arith.constant 32 : i32
        %mul3A_207 = arith.muli %add3A_205, %mul3A_206 : i32
        %add3A_208 = arith.addi %mul3A_207, %add3A : i32
        %mul3A_209 = arith.constant 128 : i32
        %mul3A_210 = arith.muli %add3A_208, %mul3A_209 : i32
        %dma_start3A_211 = arith.constant 1 : i32
        %dma_start3A_212 = tpu.memref_slice %arg2[%dma_start3A_211, %mul3A_210] : memref<2x320000xi32, #tpu.memory_space<hbm>> -> memref<1x128xi32, #tpu.memory_space<hbm>>
        %dma_start3A_213 = tpu.memref_squeeze %dma_start3A_212 : memref<1x128xi32, #tpu.memory_space<hbm>> -> memref<128xi32, #tpu.memory_space<hbm>>
        %dma_start3A_214 = tpu.memref_slice %arg2[%dma_start3A_211, %mul3A_210] : memref<2x320000xi32, #tpu.memory_space<hbm>> -> memref<1x128xi32, #tpu.memory_space<hbm>>
        %dma_start3A_215 = tpu.memref_squeeze %dma_start3A_214 : memref<1x128xi32, #tpu.memory_space<hbm>> -> memref<128xi32, #tpu.memory_space<hbm>>
        tpu.enqueue_dma source(%dma_start3A_215 : memref<128xi32, #tpu.memory_space<hbm>>) target(%arg8 : memref<128xi32, #tpu.memory_space<vmem>>) target_semaphore(%arg12 : memref<!tpu.dma_semaphore, #tpu.memory_space<semaphore_mem>>)
      } else {
      }
    }
    %scan3A_40 = arith.constant 39 : i32
    %dma_wait3A = arith.constant 0 : i32
    %dma_wait3A_41 = tpu.memref_slice %arg4[%dma_wait3A] : memref<10240xf32, #tpu.memory_space<vmem_shared>> -> memref<10240xf32, #tpu.memory_space<vmem_shared>>
    tpu.wait_indirect_dma semaphore(%arg13 : memref<!tpu.dma_semaphore, #tpu.memory_space<semaphore_mem>>) src(%arg5 : memref<128xf32, #tpu.memory_space<vmem>>) dst(%dma_wait3A_41 : memref<10240xf32, #tpu.memory_space<vmem_shared>>)
    %dma_wait3A_42 = arith.constant 0 : i32
    %dma_wait3A_43 = tpu.memref_slice %arg4[%dma_wait3A_42] : memref<10240xf32, #tpu.memory_space<vmem_shared>> -> memref<10240xf32, #tpu.memory_space<vmem_shared>>
    tpu.wait_indirect_dma semaphore(%arg14 : memref<!tpu.dma_semaphore, #tpu.memory_space<semaphore_mem>>) src(%arg5 : memref<128xf32, #tpu.memory_space<vmem>>) dst(%dma_wait3A_43 : memref<10240xf32, #tpu.memory_space<vmem_shared>>)
    %lt3A_44 = arith.constant 4 : i32
    %lt3A_45 = arith.cmpi slt, %add3A, %lt3A_44 : i32
    %convert_element_type3A = arith.extui %lt3A_45 : i1 to i32
    %cond3A = arith.constant 0 : i32
    %cond3A_46 = arith.cmpi ne, %convert_element_type3A, %cond3A : i32
    scf.if %cond3A_46 {
      %dma_wait3A_52 = arith.constant 1 : i32
      %dma_wait3A_53 = arith.constant 0 : i32
      %dma_wait3A_54 = tpu.memref_slice %arg2[%dma_wait3A_52, %dma_wait3A_53] : memref<2x320000xi32, #tpu.memory_space<hbm>> -> memref<1x128xi32, #tpu.memory_space<hbm>>
      %dma_wait3A_55 = tpu.memref_squeeze %dma_wait3A_54 : memref<1x128xi32, #tpu.memory_space<hbm>> -> memref<128xi32, #tpu.memory_space<hbm>>
      %dma_wait3A_56 = arith.constant 0 : i32
      %dma_wait3A_57 = tpu.memref_slice %arg2[%dma_wait3A_52, %dma_wait3A_56] : memref<2x320000xi32, #tpu.memory_space<hbm>> -> memref<1x128xi32, #tpu.memory_space<hbm>>
      %dma_wait3A_58 = tpu.memref_squeeze %dma_wait3A_57 : memref<1x128xi32, #tpu.memory_space<hbm>> -> memref<128xi32, #tpu.memory_space<hbm>>
      tpu.wait_dma2 semaphore(%arg11 : memref<!tpu.dma_semaphore, #tpu.memory_space<semaphore_mem>>) src(%dma_wait3A_58 : memref<128xi32, #tpu.memory_space<hbm>>) dst(%arg7 : memref<128xi32, #tpu.memory_space<vmem>>)
      %get3A = arith.constant 0 : index
      %get3A_59 = tpu.vector_load %arg7[%get3A] {strides = array<i32>} : memref<128xi32, #tpu.memory_space<vmem>>, vector<16xi32>,
      %get3A_60 = vector.shape_cast %get3A_59 : vector<16xi32> to vector<16xi32>
      %swap3A = arith.constant 0 : index
      %swap3A_61 = tpu.vector_load %arg9[%swap3A] {strides = array<i32>} : memref<128xi32, #tpu.memory_space<vmem>>, vector<16xi32>,
      %swap3A_62 = vector.shape_cast %swap3A_61 : vector<16xi32> to vector<16xi32>
      %swap3A_63 = vector.shape_cast %get3A_60 : vector<16xi32> to vector<16xi32>
      tpu.vector_store %arg9[%swap3A], %swap3A_63 {strides = array<i32>} : memref<128xi32, #tpu.memory_space<vmem>>, vector<16xi32>,
      %get3A_64 = arith.constant 16 : index
      %get3A_65 = tpu.vector_load %arg7[%get3A_64] {strides = array<i32>} : memref<128xi32, #tpu.memory_space<vmem>>, vector<16xi32>,
      %get3A_66 = vector.shape_cast %get3A_65 : vector<16xi32> to vector<16xi32>
      %swap3A_67 = arith.constant 16 : index
      %swap3A_68 = tpu.vector_load %arg9[%swap3A_67] {strides = array<i32>} : memref<128xi32, #tpu.memory_space<vmem>>, vector<16xi32>,
      %swap3A_69 = vector.shape_cast %swap3A_68 : vector<16xi32> to vector<16xi32>
      %swap3A_70 = vector.shape_cast %get3A_66 : vector<16xi32> to vector<16xi32>
      tpu.vector_store %arg9[%swap3A_67], %swap3A_70 {strides = array<i32>} : memref<128xi32, #tpu.memory_space<vmem>>, vector<16xi32>,
      %get3A_71 = arith.constant 32 : index
      %get3A_72 = tpu.vector_load %arg7[%get3A_71] {strides = array<i32>} : memref<128xi32, #tpu.memory_space<vmem>>, vector<16xi32>,
      %get3A_73 = vector.shape_cast %get3A_72 : vector<16xi32> to vector<16xi32>
      %swap3A_74 = arith.constant 32 : index
      %swap3A_75 = tpu.vector_load %arg9[%swap3A_74] {strides = array<i32>} : memref<128xi32, #tpu.memory_space<vmem>>, vector<16xi32>,
      %swap3A_76 = vector.shape_cast %swap3A_75 : vector<16xi32> to vector<16xi32>
      %swap3A_77 = vector.shape_cast %get3A_73 : vector<16xi32> to vector<16xi32>
      tpu.vector_store %arg9[%swap3A_74], %swap3A_77 {strides = array<i32>} : memref<128xi32, #tpu.memory_space<vmem>>, vector<16xi32>,
      %get3A_78 = arith.constant 48 : index
      %get3A_79 = tpu.vector_load %arg7[%get3A_78] {strides = array<i32>} : memref<128xi32, #tpu.memory_space<vmem>>, vector<16xi32>,
      %get3A_80 = vector.shape_cast %get3A_79 : vector<16xi32> to vector<16xi32>
      %swap3A_81 = arith.constant 48 : index
      %swap3A_82 = tpu.vector_load %arg9[%swap3A_81] {strides = array<i32>} : memref<128xi32, #tpu.memory_space<vmem>>, vector<16xi32>,
      %swap3A_83 = vector.shape_cast %swap3A_82 : vector<16xi32> to vector<16xi32>
      %swap3A_84 = vector.shape_cast %get3A_80 : vector<16xi32> to vector<16xi32>
      tpu.vector_store %arg9[%swap3A_81], %swap3A_84 {strides = array<i32>} : memref<128xi32, #tpu.memory_space<vmem>>, vector<16xi32>,
      %get3A_85 = arith.constant 64 : index
      %get3A_86 = tpu.vector_load %arg7[%get3A_85] {strides = array<i32>} : memref<128xi32, #tpu.memory_space<vmem>>, vector<16xi32>,
      %get3A_87 = vector.shape_cast %get3A_86 : vector<16xi32> to vector<16xi32>
      %swap3A_88 = arith.constant 64 : index
      %swap3A_89 = tpu.vector_load %arg9[%swap3A_88] {strides = array<i32>} : memref<128xi32, #tpu.memory_space<vmem>>, vector<16xi32>,
      %swap3A_90 = vector.shape_cast %swap3A_89 : vector<16xi32> to vector<16xi32>
      %swap3A_91 = vector.shape_cast %get3A_87 : vector<16xi32> to vector<16xi32>
      tpu.vector_store %arg9[%swap3A_88], %swap3A_91 {strides = array<i32>} : memref<128xi32, #tpu.memory_space<vmem>>, vector<16xi32>,
      %get3A_92 = arith.constant 80 : index
      %get3A_93 = tpu.vector_load %arg7[%get3A_92] {strides = array<i32>} : memref<128xi32, #tpu.memory_space<vmem>>, vector<16xi32>,
      %get3A_94 = vector.shape_cast %get3A_93 : vector<16xi32> to vector<16xi32>
      %swap3A_95 = arith.constant 80 : index
      %swap3A_96 = tpu.vector_load %arg9[%swap3A_95] {strides = array<i32>} : memref<128xi32, #tpu.memory_space<vmem>>, vector<16xi32>,
      %swap3A_97 = vector.shape_cast %swap3A_96 : vector<16xi32> to vector<16xi32>
      %swap3A_98 = vector.shape_cast %get3A_94 : vector<16xi32> to vector<16xi32>
      tpu.vector_store %arg9[%swap3A_95], %swap3A_98 {strides = array<i32>} : memref<128xi32, #tpu.memory_space<vmem>>, vector<16xi32>,
      %get3A_99 = arith.constant 96 : index
      %get3A_100 = tpu.vector_load %arg7[%get3A_99] {strides = array<i32>} : memref<128xi32, #tpu.memory_space<vmem>>, vector<16xi32>,
      %get3A_101 = vector.shape_cast %get3A_100 : vector<16xi32> to vector<16xi32>
      %swap3A_102 = arith.constant 96 : index
      %swap3A_103 = tpu.vector_load %arg9[%swap3A_102] {strides = array<i32>} : memref<128xi32, #tpu.memory_space<vmem>>, vector<16xi32>,
      %swap3A_104 = vector.shape_cast %swap3A_103 : vector<16xi32> to vector<16xi32>
      %swap3A_105 = vector.shape_cast %get3A_101 : vector<16xi32> to vector<16xi32>
      tpu.vector_store %arg9[%swap3A_102], %swap3A_105 {strides = array<i32>} : memref<128xi32, #tpu.memory_space<vmem>>, vector<16xi32>,
      %get3A_106 = arith.constant 112 : index
      %get3A_107 = tpu.vector_load %arg7[%get3A_106] {strides = array<i32>} : memref<128xi32, #tpu.memory_space<vmem>>, vector<16xi32>,
      %get3A_108 = vector.shape_cast %get3A_107 : vector<16xi32> to vector<16xi32>
      %swap3A_109 = arith.constant 112 : index
      %swap3A_110 = tpu.vector_load %arg9[%swap3A_109] {strides = array<i32>} : memref<128xi32, #tpu.memory_space<vmem>>, vector<16xi32>,
      %swap3A_111 = vector.shape_cast %swap3A_110 : vector<16xi32> to vector<16xi32>
      %swap3A_112 = vector.shape_cast %get3A_108 : vector<16xi32> to vector<16xi32>
      tpu.vector_store %arg9[%swap3A_109], %swap3A_112 {strides = array<i32>} : memref<128xi32, #tpu.memory_space<vmem>>, vector<16xi32>,
      %dma_start3A_113 = arith.constant 0 : i32
      %dma_start3A_114 = tpu.memref_slice %arg4[%dma_start3A_113] : memref<10240xf32, #tpu.memory_space<vmem_shared>> -> memref<10240xf32, #tpu.memory_space<vmem_shared>>
      tpu.enqueue_indirect_dma source(%arg5 : memref<128xf32, #tpu.memory_space<vmem>>) target(%dma_start3A_114 : memref<10240xf32, #tpu.memory_space<vmem_shared>>) offsets(%arg9 : memref<128xi32, #tpu.memory_space<vmem>>) semaphore(%arg13 : memref<!tpu.dma_semaphore, #tpu.memory_space<semaphore_mem>>) {add = true}
      %dma_wait3A_115 = arith.constant 0 : i32
      %dma_wait3A_116 = tpu.memref_slice %arg4[%dma_wait3A_115] : memref<10240xf32, #tpu.memory_space<vmem_shared>> -> memref<10240xf32, #tpu.memory_space<vmem_shared>>
      tpu.wait_indirect_dma semaphore(%arg13 : memref<!tpu.dma_semaphore, #tpu.memory_space<semaphore_mem>>) src(%arg5 : memref<128xf32, #tpu.memory_space<vmem>>) dst(%dma_wait3A_116 : memref<10240xf32, #tpu.memory_space<vmem_shared>>)
    } else {
    }
    %barrier3A_47 = arith.constant 0 : index
    tpu.barrier barrier_id(%barrier3A_47)
    %mul3A_48 = arith.constant 640 : i32
    %mul3A_49 = arith.muli %arg1, %mul3A_48 : i32
    %mul3A_50 = arith.constant 640 : i32
    %mul3A_51 = arith.muli %arg1, %mul3A_50 : i32
    "tpu.region"() ({
      %run_scoped3A = tpu.sem_alloc : memref<!tpu.dma_semaphore, #tpu.memory_space<semaphore_mem>>
      %dma_start3A_52 = tpu.memref_slice %arg3[%arg0, %mul3A_51] : memref<2x10240xf32, #tpu.memory_space<hbm>> -> memref<1x640xf32, #tpu.memory_space<hbm>>
      %dma_start3A_53 = tpu.memref_squeeze %dma_start3A_52 : memref<1x640xf32, #tpu.memory_space<hbm>> -> memref<640xf32, #tpu.memory_space<hbm>>
      %dma_start3A_54 = tpu.memref_slice %arg4[%mul3A_49] : memref<10240xf32, #tpu.memory_space<vmem_shared>> -> memref<640xf32, #tpu.memory_space<vmem_shared>>
      tpu.enqueue_dma source(%dma_start3A_54 : memref<640xf32, #tpu.memory_space<vmem_shared>>) target(%dma_start3A_53 : memref<640xf32, #tpu.memory_space<hbm>>) target_semaphore(%run_scoped3A : memref<!tpu.dma_semaphore, #tpu.memory_space<semaphore_mem>>)
      %dma_wait3A_55 = tpu.memref_slice %arg3[%arg0, %mul3A_51] : memref<2x10240xf32, #tpu.memory_space<hbm>> -> memref<1x640xf32, #tpu.memory_space<hbm>>
      %dma_wait3A_56 = tpu.memref_squeeze %dma_wait3A_55 : memref<1x640xf32, #tpu.memory_space<hbm>> -> memref<640xf32, #tpu.memory_space<hbm>>
      %dma_wait3A_57 = tpu.memref_slice %arg4[%mul3A_49] : memref<10240xf32, #tpu.memory_space<vmem_shared>> -> memref<640xf32, #tpu.memory_space<vmem_shared>>
      tpu.wait_dma2 semaphore(%run_scoped3A : memref<!tpu.dma_semaphore, #tpu.memory_space<semaphore_mem>>) src(%dma_wait3A_57 : memref<640xf32, #tpu.memory_space<vmem_shared>>) dst(%dma_wait3A_56 : memref<640xf32, #tpu.memory_space<hbm>>)
      tpu.yield
    }) : () -> ()
    return
  }
}

#map = affine_map<(d0, d1) -> (0, 0)>
#map1 = affine_map<(d0, d1) -> (0, 0, 0)>
module attributes {stable_mosaic.version = 14 : i64} {
  func.func @_agg_body(%arg0: i32, %arg1: i32, %arg2: memref<10240x128xf32, #tpu.memory_space<hbm>>, %arg3: memref<2x320000xi32, #tpu.memory_space<hbm>>, %arg4: memref<2x10240x128xf32, #tpu.memory_space<hbm>>, %arg5: memref<10240x128xf32, #tpu.memory_space<vmem_shared>>, %arg6: memref<128xi32, #tpu.memory_space<vmem>>, %arg7: memref<128xi32, #tpu.memory_space<vmem>>, %arg8: memref<128xi32, #tpu.memory_space<vmem>>, %arg9: memref<128xi32, #tpu.memory_space<vmem>>, %arg10: memref<128xi32, #tpu.memory_space<vmem>>, %arg11: memref<128xi32, #tpu.memory_space<vmem>>, %arg12: memref<128x128xf32, #tpu.memory_space<vmem>>, %arg13: memref<128x128xf32, #tpu.memory_space<vmem>>, %arg14: memref<!tpu.dma_semaphore, #tpu.memory_space<semaphore_mem>>, %arg15: memref<!tpu.dma_semaphore, #tpu.memory_space<semaphore_mem>>, %arg16: memref<!tpu.dma_semaphore, #tpu.memory_space<semaphore_mem>>, %arg17: memref<!tpu.dma_semaphore, #tpu.memory_space<semaphore_mem>>, %arg18: memref<!tpu.dma_semaphore, #tpu.memory_space<semaphore_mem>>, %arg19: memref<!tpu.dma_semaphore, #tpu.memory_space<semaphore_mem>>, %arg20: memref<!tpu.dma_semaphore, #tpu.memory_space<semaphore_mem>>, %arg21: memref<!tpu.dma_semaphore, #tpu.memory_space<semaphore_mem>>) attributes {dimension_semantics = [#tpu.dimension_semantics<core_parallel>, #tpu.dimension_semantics<subcore_parallel>], iteration_bounds = array<i64: 2, 16>, scalar_prefetch = 0 : i64, scratch_operands = 17 : i64, tpu.core_type = #tpu.core_type<sc_vector_subcore>, window_params = [{transform_indices = #map}, {transform_indices = #map}, {transform_indices = #map1}]} {
    %mul3A = arith.constant 16 : i32
    %mul3A_0 = arith.muli %arg0, %mul3A : i32
    %add3A = arith.addi %mul3A_0, %arg1 : i32
    %scan3A = arith.constant 0 : i32
    %scan3A_1 = arith.constant 0 : i32
    %scan3A_2 = arith.constant 1024 : i32
    %scan3A_3 = arith.addi %scan3A_1, %scan3A_2 : i32
    %scan3A_4 = arith.constant 1 : i32
    scf.for %scan3A_150 = %scan3A_1 to %scan3A_3 step %scan3A_4  : i32 {
      %broadcast_in_dim3A = arith.constant 0.000000e+00 : f32
      %broadcast_in_dim3A_151 = vector.broadcast %broadcast_in_dim3A : f32 to vector<16xf32>
      %jit3A_152 = arith.constant 8 : i32
      %div3A = arith.divsi %scan3A_150, %jit3A_152 : i32
      %sign3A = arith.constant 0 : i32
      %sign3A_153 = arith.cmpi sgt, %scan3A_150, %sign3A : i32
      %sign3A_154 = arith.extui %sign3A_153 : i1 to i32
      %sign3A_155 = arith.constant 0 : i32
      %sign3A_156 = arith.cmpi slt, %scan3A_150, %sign3A_155 : i32
      %sign3A_157 = arith.extui %sign3A_156 : i1 to i32
      %sign3A_158 = arith.subi %sign3A_154, %sign3A_157 : i32
      %sign3A_159 = arith.constant 0 : i32
      %sign3A_160 = arith.cmpi sgt, %jit3A_152, %sign3A_159 : i32
      %sign3A_161 = arith.extui %sign3A_160 : i1 to i32
      %sign3A_162 = arith.constant 0 : i32
      %sign3A_163 = arith.cmpi slt, %jit3A_152, %sign3A_162 : i32
      %sign3A_164 = arith.extui %sign3A_163 : i1 to i32
      %sign3A_165 = arith.subi %sign3A_161, %sign3A_164 : i32
      %ne3A = arith.cmpi ne, %sign3A_158, %sign3A_165 : i32
      %rem3A = arith.remsi %scan3A_150, %jit3A_152 : i32
      %ne3A_166 = arith.constant 0 : i32
      %ne3A_167 = arith.cmpi ne, %rem3A, %ne3A_166 : i32
      %and3A = arith.andi %ne3A, %ne3A_167 : i1
      %sub3A = arith.constant 1 : i32
      %sub3A_168 = arith.subi %div3A, %sub3A : i32
      %select_n3A_169 = arith.select %and3A, %sub3A_168, %div3A : i32
      %jit3A_170 = arith.constant 8 : i32
      %eq3A = arith.constant 0 : i32
      %eq3A_171 = arith.cmpi eq, %jit3A_170, %eq3A : i32
      %jit3A_172 = arith.constant 1 : i32
      %select_n3A_173 = arith.select %eq3A_171, %jit3A_172, %jit3A_170 : i32
      %rem3A_174 = arith.remsi %scan3A_150, %select_n3A_173 : i32
      %ne3A_175 = arith.constant 0 : i32
      %ne3A_176 = arith.cmpi ne, %rem3A_174, %ne3A_175 : i32
      %lt3A_177 = arith.constant 0 : i32
      %lt3A_178 = arith.cmpi slt, %rem3A_174, %lt3A_177 : i32
      %lt3A_179 = arith.constant 0 : i32
      %lt3A_180 = arith.cmpi slt, %select_n3A_173, %lt3A_179 : i32
      %ne3A_181 = arith.xori %lt3A_178, %lt3A_180 : i1
      %and3A_182 = arith.andi %ne3A_181, %ne3A_176 : i1
      %add3A_183 = arith.addi %rem3A_174, %select_n3A_173 : i32
      %select_n3A_184 = arith.select %and3A_182, %add3A_183, %rem3A_174 : i32
      %mul3A_185 = arith.constant 16 : i32
      %mul3A_186 = arith.muli %select_n3A_184, %mul3A_185 : i32
      %swap3A = arith.index_cast %select_n3A_169 : i32 to index
      %swap3A_187 = arith.index_cast %mul3A_186 : i32 to index
      %swap3A_188 = tpu.vector_load %arg12[%swap3A, %swap3A_187] {strides = array<i32>} : memref<128x128xf32, #tpu.memory_space<vmem>>, vector<1x16xf32>,
      %swap3A_189 = vector.shape_cast %swap3A_188 : vector<1x16xf32> to vector<16xf32>
      %swap3A_190 = vector.shape_cast %broadcast_in_dim3A_151 : vector<16xf32> to vector<1x16xf32>
      tpu.vector_store %arg12[%swap3A, %swap3A_187], %swap3A_190 {strides = array<i32>} : memref<128x128xf32, #tpu.memory_space<vmem>>, vector<1x16xf32>,
    }
    %scan3A_5 = arith.constant 1024 : i32
    %mul3A_6 = arith.constant 640 : i32
    %mul3A_7 = arith.muli %arg1, %mul3A_6 : i32
    %add3A_8 = arith.constant 0 : i32
    %add3A_9 = arith.addi %mul3A_7, %add3A_8 : i32
    %dma_start3A = arith.constant 0 : i32
    %dma_start3A_10 = tpu.memref_slice %arg5[%add3A_9, %dma_start3A] : memref<10240x128xf32, #tpu.memory_space<vmem_shared>> -> memref<128x128xf32, #tpu.memory_space<vmem_shared>>
    %dma_start3A_11 = arith.constant 0 : i32
    %dma_start3A_12 = tpu.memref_slice %arg5[%add3A_9, %dma_start3A_11] : memref<10240x128xf32, #tpu.memory_space<vmem_shared>> -> memref<128x128xf32, #tpu.memory_space<vmem_shared>>
    tpu.enqueue_dma source(%arg12 : memref<128x128xf32, #tpu.memory_space<vmem>>) target(%dma_start3A_12 : memref<128x128xf32, #tpu.memory_space<vmem_shared>>) target_semaphore(%arg18 : memref<!tpu.dma_semaphore, #tpu.memory_space<semaphore_mem>>)
    %mul3A_13 = arith.constant 640 : i32
    %mul3A_14 = arith.muli %arg1, %mul3A_13 : i32
    %add3A_15 = arith.constant 128 : i32
    %add3A_16 = arith.addi %mul3A_14, %add3A_15 : i32
    %dma_start3A_17 = arith.constant 0 : i32
    %dma_start3A_18 = tpu.memref_slice %arg5[%add3A_16, %dma_start3A_17] : memref<10240x128xf32, #tpu.memory_space<vmem_shared>> -> memref<128x128xf32, #tpu.memory_space<vmem_shared>>
    %dma_start3A_19 = arith.constant 0 : i32
    %dma_start3A_20 = tpu.memref_slice %arg5[%add3A_16, %dma_start3A_19] : memref<10240x128xf32, #tpu.memory_space<vmem_shared>> -> memref<128x128xf32, #tpu.memory_space<vmem_shared>>
    tpu.enqueue_dma source(%arg12 : memref<128x128xf32, #tpu.memory_space<vmem>>) target(%dma_start3A_20 : memref<128x128xf32, #tpu.memory_space<vmem_shared>>) target_semaphore(%arg18 : memref<!tpu.dma_semaphore, #tpu.memory_space<semaphore_mem>>)
    %mul3A_21 = arith.constant 640 : i32
    %mul3A_22 = arith.muli %arg1, %mul3A_21 : i32
    %add3A_23 = arith.constant 256 : i32
    %add3A_24 = arith.addi %mul3A_22, %add3A_23 : i32
    %dma_start3A_25 = arith.constant 0 : i32
    %dma_start3A_26 = tpu.memref_slice %arg5[%add3A_24, %dma_start3A_25] : memref<10240x128xf32, #tpu.memory_space<vmem_shared>> -> memref<128x128xf32, #tpu.memory_space<vmem_shared>>
    %dma_start3A_27 = arith.constant 0 : i32
    %dma_start3A_28 = tpu.memref_slice %arg5[%add3A_24, %dma_start3A_27] : memref<10240x128xf32, #tpu.memory_space<vmem_shared>> -> memref<128x128xf32, #tpu.memory_space<vmem_shared>>
    tpu.enqueue_dma source(%arg12 : memref<128x128xf32, #tpu.memory_space<vmem>>) target(%dma_start3A_28 : memref<128x128xf32, #tpu.memory_space<vmem_shared>>) target_semaphore(%arg18 : memref<!tpu.dma_semaphore, #tpu.memory_space<semaphore_mem>>)
    %mul3A_29 = arith.constant 640 : i32
    %mul3A_30 = arith.muli %arg1, %mul3A_29 : i32
    %add3A_31 = arith.constant 384 : i32
    %add3A_32 = arith.addi %mul3A_30, %add3A_31 : i32
    %dma_start3A_33 = arith.constant 0 : i32
    %dma_start3A_34 = tpu.memref_slice %arg5[%add3A_32, %dma_start3A_33] : memref<10240x128xf32, #tpu.memory_space<vmem_shared>> -> memref<128x128xf32, #tpu.memory_space<vmem_shared>>
    %dma_start3A_35 = arith.constant 0 : i32
    %dma_start3A_36 = tpu.memref_slice %arg5[%add3A_32, %dma_start3A_35] : memref<10240x128xf32, #tpu.memory_space<vmem_shared>> -> memref<128x128xf32, #tpu.memory_space<vmem_shared>>
    tpu.enqueue_dma source(%arg12 : memref<128x128xf32, #tpu.memory_space<vmem>>) target(%dma_start3A_36 : memref<128x128xf32, #tpu.memory_space<vmem_shared>>) target_semaphore(%arg18 : memref<!tpu.dma_semaphore, #tpu.memory_space<semaphore_mem>>)
    %mul3A_37 = arith.constant 640 : i32
    %mul3A_38 = arith.muli %arg1, %mul3A_37 : i32
    %add3A_39 = arith.constant 512 : i32
    %add3A_40 = arith.addi %mul3A_38, %add3A_39 : i32
    %dma_start3A_41 = arith.constant 0 : i32
    %dma_start3A_42 = tpu.memref_slice %arg5[%add3A_40, %dma_start3A_41] : memref<10240x128xf32, #tpu.memory_space<vmem_shared>> -> memref<128x128xf32, #tpu.memory_space<vmem_shared>>
    %dma_start3A_43 = arith.constant 0 : i32
    %dma_start3A_44 = tpu.memref_slice %arg5[%add3A_40, %dma_start3A_43] : memref<10240x128xf32, #tpu.memory_space<vmem_shared>> -> memref<128x128xf32, #tpu.memory_space<vmem_shared>>
    tpu.enqueue_dma source(%arg12 : memref<128x128xf32, #tpu.memory_space<vmem>>) target(%dma_start3A_44 : memref<128x128xf32, #tpu.memory_space<vmem_shared>>) target_semaphore(%arg18 : memref<!tpu.dma_semaphore, #tpu.memory_space<semaphore_mem>>)
    %lt3A = arith.constant 4 : i32
    %lt3A_45 = arith.cmpi slt, %add3A, %lt3A : i32
    %jit3A = arith.constant 1 : i32
    %jit3A_46 = arith.constant 0 : i32
    %select_n3A = arith.select %lt3A_45, %jit3A, %jit3A_46 : i32
    %add3A_47 = arith.constant 78 : i32
    %add3A_48 = arith.addi %add3A_47, %select_n3A : i32
    %add3A_49 = arith.constant 0 : i32
    %add3A_50 = arith.addi %add3A_49, %add3A : i32
    %mul3A_51 = arith.constant 128 : i32
    %mul3A_52 = arith.muli %add3A_50, %mul3A_51 : i32
    %dma_start3A_53 = arith.constant 0 : i32
    %dma_start3A_54 = tpu.memref_slice %arg3[%dma_start3A_53, %mul3A_52] : memref<2x320000xi32, #tpu.memory_space<hbm>> -> memref<1x128xi32, #tpu.memory_space<hbm>>
    %dma_start3A_55 = tpu.memref_squeeze %dma_start3A_54 : memref<1x128xi32, #tpu.memory_space<hbm>> -> memref<128xi32, #tpu.memory_space<hbm>>
    %dma_start3A_56 = tpu.memref_slice %arg3[%dma_start3A_53, %mul3A_52] : memref<2x320000xi32, #tpu.memory_space<hbm>> -> memref<1x128xi32, #tpu.memory_space<hbm>>
    %dma_start3A_57 = tpu.memref_squeeze %dma_start3A_56 : memref<1x128xi32, #tpu.memory_space<hbm>> -> memref<128xi32, #tpu.memory_space<hbm>>
    tpu.enqueue_dma source(%dma_start3A_57 : memref<128xi32, #tpu.memory_space<hbm>>) target(%arg6 : memref<128xi32, #tpu.memory_space<vmem>>) target_semaphore(%arg14 : memref<!tpu.dma_semaphore, #tpu.memory_space<semaphore_mem>>)
    %dma_start3A_58 = arith.constant 1 : i32
    %dma_start3A_59 = tpu.memref_slice %arg3[%dma_start3A_58, %mul3A_52] : memref<2x320000xi32, #tpu.memory_space<hbm>> -> memref<1x128xi32, #tpu.memory_space<hbm>>
    %dma_start3A_60 = tpu.memref_squeeze %dma_start3A_59 : memref<1x128xi32, #tpu.memory_space<hbm>> -> memref<128xi32, #tpu.memory_space<hbm>>
    %dma_start3A_61 = tpu.memref_slice %arg3[%dma_start3A_58, %mul3A_52] : memref<2x320000xi32, #tpu.memory_space<hbm>> -> memref<1x128xi32, #tpu.memory_space<hbm>>
    %dma_start3A_62 = tpu.memref_squeeze %dma_start3A_61 : memref<1x128xi32, #tpu.memory_space<hbm>> -> memref<128xi32, #tpu.memory_space<hbm>>
    tpu.enqueue_dma source(%dma_start3A_62 : memref<128xi32, #tpu.memory_space<hbm>>) target(%arg8 : memref<128xi32, #tpu.memory_space<vmem>>) target_semaphore(%arg16 : memref<!tpu.dma_semaphore, #tpu.memory_space<semaphore_mem>>)
    %add3A_63 = arith.constant 32 : i32
    %add3A_64 = arith.addi %add3A_63, %add3A : i32
    %mul3A_65 = arith.constant 128 : i32
    %mul3A_66 = arith.muli %add3A_64, %mul3A_65 : i32
    %dma_start3A_67 = arith.constant 0 : i32
    %dma_start3A_68 = tpu.memref_slice %arg3[%dma_start3A_67, %mul3A_66] : memref<2x320000xi32, #tpu.memory_space<hbm>> -> memref<1x128xi32, #tpu.memory_space<hbm>>
    %dma_start3A_69 = tpu.memref_squeeze %dma_start3A_68 : memref<1x128xi32, #tpu.memory_space<hbm>> -> memref<128xi32, #tpu.memory_space<hbm>>
    %dma_start3A_70 = tpu.memref_slice %arg3[%dma_start3A_67, %mul3A_66] : memref<2x320000xi32, #tpu.memory_space<hbm>> -> memref<1x128xi32, #tpu.memory_space<hbm>>
    %dma_start3A_71 = tpu.memref_squeeze %dma_start3A_70 : memref<1x128xi32, #tpu.memory_space<hbm>> -> memref<128xi32, #tpu.memory_space<hbm>>
    tpu.enqueue_dma source(%dma_start3A_71 : memref<128xi32, #tpu.memory_space<hbm>>) target(%arg7 : memref<128xi32, #tpu.memory_space<vmem>>) target_semaphore(%arg15 : memref<!tpu.dma_semaphore, #tpu.memory_space<semaphore_mem>>)
    %dma_start3A_72 = arith.constant 1 : i32
    %dma_start3A_73 = tpu.memref_slice %arg3[%dma_start3A_72, %mul3A_66] : memref<2x320000xi32, #tpu.memory_space<hbm>> -> memref<1x128xi32, #tpu.memory_space<hbm>>
    %dma_start3A_74 = tpu.memref_squeeze %dma_start3A_73 : memref<1x128xi32, #tpu.memory_space<hbm>> -> memref<128xi32, #tpu.memory_space<hbm>>
    %dma_start3A_75 = tpu.memref_slice %arg3[%dma_start3A_72, %mul3A_66] : memref<2x320000xi32, #tpu.memory_space<hbm>> -> memref<1x128xi32, #tpu.memory_space<hbm>>
    %dma_start3A_76 = tpu.memref_squeeze %dma_start3A_75 : memref<1x128xi32, #tpu.memory_space<hbm>> -> memref<128xi32, #tpu.memory_space<hbm>>
    tpu.enqueue_dma source(%dma_start3A_76 : memref<128xi32, #tpu.memory_space<hbm>>) target(%arg9 : memref<128xi32, #tpu.memory_space<vmem>>) target_semaphore(%arg17 : memref<!tpu.dma_semaphore, #tpu.memory_space<semaphore_mem>>)
    %mul3A_77 = arith.constant 640 : i32
    %mul3A_78 = arith.muli %arg1, %mul3A_77 : i32
    %add3A_79 = arith.constant 0 : i32
    %add3A_80 = arith.addi %mul3A_78, %add3A_79 : i32
    %dma_wait3A = arith.constant 0 : i32
    %dma_wait3A_81 = tpu.memref_slice %arg5[%add3A_80, %dma_wait3A] : memref<10240x128xf32, #tpu.memory_space<vmem_shared>> -> memref<128x128xf32, #tpu.memory_space<vmem_shared>>
    %dma_wait3A_82 = arith.constant 0 : i32
    %dma_wait3A_83 = tpu.memref_slice %arg5[%add3A_80, %dma_wait3A_82] : memref<10240x128xf32, #tpu.memory_space<vmem_shared>> -> memref<128x128xf32, #tpu.memory_space<vmem_shared>>
    tpu.wait_dma2 semaphore(%arg18 : memref<!tpu.dma_semaphore, #tpu.memory_space<semaphore_mem>>) src(%arg12 : memref<128x128xf32, #tpu.memory_space<vmem>>) dst(%dma_wait3A_83 : memref<128x128xf32, #tpu.memory_space<vmem_shared>>)
    %mul3A_84 = arith.constant 640 : i32
    %mul3A_85 = arith.muli %arg1, %mul3A_84 : i32
    %add3A_86 = arith.constant 128 : i32
    %add3A_87 = arith.addi %mul3A_85, %add3A_86 : i32
    %dma_wait3A_88 = arith.constant 0 : i32
    %dma_wait3A_89 = tpu.memref_slice %arg5[%add3A_87, %dma_wait3A_88] : memref<10240x128xf32, #tpu.memory_space<vmem_shared>> -> memref<128x128xf32, #tpu.memory_space<vmem_shared>>
    %dma_wait3A_90 = arith.constant 0 : i32
    %dma_wait3A_91 = tpu.memref_slice %arg5[%add3A_87, %dma_wait3A_90] : memref<10240x128xf32, #tpu.memory_space<vmem_shared>> -> memref<128x128xf32, #tpu.memory_space<vmem_shared>>
    tpu.wait_dma2 semaphore(%arg18 : memref<!tpu.dma_semaphore, #tpu.memory_space<semaphore_mem>>) src(%arg12 : memref<128x128xf32, #tpu.memory_space<vmem>>) dst(%dma_wait3A_91 : memref<128x128xf32, #tpu.memory_space<vmem_shared>>)
    %mul3A_92 = arith.constant 640 : i32
    %mul3A_93 = arith.muli %arg1, %mul3A_92 : i32
    %add3A_94 = arith.constant 256 : i32
    %add3A_95 = arith.addi %mul3A_93, %add3A_94 : i32
    %dma_wait3A_96 = arith.constant 0 : i32
    %dma_wait3A_97 = tpu.memref_slice %arg5[%add3A_95, %dma_wait3A_96] : memref<10240x128xf32, #tpu.memory_space<vmem_shared>> -> memref<128x128xf32, #tpu.memory_space<vmem_shared>>
    %dma_wait3A_98 = arith.constant 0 : i32
    %dma_wait3A_99 = tpu.memref_slice %arg5[%add3A_95, %dma_wait3A_98] : memref<10240x128xf32, #tpu.memory_space<vmem_shared>> -> memref<128x128xf32, #tpu.memory_space<vmem_shared>>
    tpu.wait_dma2 semaphore(%arg18 : memref<!tpu.dma_semaphore, #tpu.memory_space<semaphore_mem>>) src(%arg12 : memref<128x128xf32, #tpu.memory_space<vmem>>) dst(%dma_wait3A_99 : memref<128x128xf32, #tpu.memory_space<vmem_shared>>)
    %mul3A_100 = arith.constant 640 : i32
    %mul3A_101 = arith.muli %arg1, %mul3A_100 : i32
    %add3A_102 = arith.constant 384 : i32
    %add3A_103 = arith.addi %mul3A_101, %add3A_102 : i32
    %dma_wait3A_104 = arith.constant 0 : i32
    %dma_wait3A_105 = tpu.memref_slice %arg5[%add3A_103, %dma_wait3A_104] : memref<10240x128xf32, #tpu.memory_space<vmem_shared>> -> memref<128x128xf32, #tpu.memory_space<vmem_shared>>
    %dma_wait3A_106 = arith.constant 0 : i32
    %dma_wait3A_107 = tpu.memref_slice %arg5[%add3A_103, %dma_wait3A_106] : memref<10240x128xf32, #tpu.memory_space<vmem_shared>> -> memref<128x128xf32, #tpu.memory_space<vmem_shared>>
    tpu.wait_dma2 semaphore(%arg18 : memref<!tpu.dma_semaphore, #tpu.memory_space<semaphore_mem>>) src(%arg12 : memref<128x128xf32, #tpu.memory_space<vmem>>) dst(%dma_wait3A_107 : memref<128x128xf32, #tpu.memory_space<vmem_shared>>)
    %mul3A_108 = arith.constant 640 : i32
    %mul3A_109 = arith.muli %arg1, %mul3A_108 : i32
    %add3A_110 = arith.constant 512 : i32
    %add3A_111 = arith.addi %mul3A_109, %add3A_110 : i32
    %dma_wait3A_112 = arith.constant 0 : i32
    %dma_wait3A_113 = tpu.memref_slice %arg5[%add3A_111, %dma_wait3A_112] : memref<10240x128xf32, #tpu.memory_space<vmem_shared>> -> memref<128x128xf32, #tpu.memory_space<vmem_shared>>
    %dma_wait3A_114 = arith.constant 0 : i32
    %dma_wait3A_115 = tpu.memref_slice %arg5[%add3A_111, %dma_wait3A_114] : memref<10240x128xf32, #tpu.memory_space<vmem_shared>> -> memref<128x128xf32, #tpu.memory_space<vmem_shared>>
    tpu.wait_dma2 semaphore(%arg18 : memref<!tpu.dma_semaphore, #tpu.memory_space<semaphore_mem>>) src(%arg12 : memref<128x128xf32, #tpu.memory_space<vmem>>) dst(%dma_wait3A_115 : memref<128x128xf32, #tpu.memory_space<vmem_shared>>)
    %barrier3A = arith.constant 0 : index
    tpu.barrier barrier_id(%barrier3A)
    %dma_wait3A_116 = arith.constant 0 : i32
    %dma_wait3A_117 = arith.constant 0 : i32
    %dma_wait3A_118 = tpu.memref_slice %arg3[%dma_wait3A_116, %dma_wait3A_117] : memref<2x320000xi32, #tpu.memory_space<hbm>> -> memref<1x128xi32, #tpu.memory_space<hbm>>
    %dma_wait3A_119 = tpu.memref_squeeze %dma_wait3A_118 : memref<1x128xi32, #tpu.memory_space<hbm>> -> memref<128xi32, #tpu.memory_space<hbm>>
    %dma_wait3A_120 = arith.constant 0 : i32
    %dma_wait3A_121 = tpu.memref_slice %arg3[%dma_wait3A_116, %dma_wait3A_120] : memref<2x320000xi32, #tpu.memory_space<hbm>> -> memref<1x128xi32, #tpu.memory_space<hbm>>
    %dma_wait3A_122 = tpu.memref_squeeze %dma_wait3A_121 : memref<1x128xi32, #tpu.memory_space<hbm>> -> memref<128xi32, #tpu.memory_space<hbm>>
    tpu.wait_dma2 semaphore(%arg14 : memref<!tpu.dma_semaphore, #tpu.memory_space<semaphore_mem>>) src(%dma_wait3A_122 : memref<128xi32, #tpu.memory_space<hbm>>) dst(%arg6 : memref<128xi32, #tpu.memory_space<vmem>>)
    %dma_wait3A_123 = arith.constant 1 : i32
    %dma_wait3A_124 = arith.constant 0 : i32
    %dma_wait3A_125 = tpu.memref_slice %arg3[%dma_wait3A_123, %dma_wait3A_124] : memref<2x320000xi32, #tpu.memory_space<hbm>> -> memref<1x128xi32, #tpu.memory_space<hbm>>
    %dma_wait3A_126 = tpu.memref_squeeze %dma_wait3A_125 : memref<1x128xi32, #tpu.memory_space<hbm>> -> memref<128xi32, #tpu.memory_space<hbm>>
    %dma_wait3A_127 = arith.constant 0 : i32
    %dma_wait3A_128 = tpu.memref_slice %arg3[%dma_wait3A_123, %dma_wait3A_127] : memref<2x320000xi32, #tpu.memory_space<hbm>> -> memref<1x128xi32, #tpu.memory_space<hbm>>
    %dma_wait3A_129 = tpu.memref_squeeze %dma_wait3A_128 : memref<1x128xi32, #tpu.memory_space<hbm>> -> memref<128xi32, #tpu.memory_space<hbm>>
    tpu.wait_dma2 semaphore(%arg16 : memref<!tpu.dma_semaphore, #tpu.memory_space<semaphore_mem>>) src(%dma_wait3A_129 : memref<128xi32, #tpu.memory_space<hbm>>) dst(%arg8 : memref<128xi32, #tpu.memory_space<vmem>>)
    %dma_start3A_130 = arith.constant 0 : i32
    %dma_start3A_131 = arith.constant 0 : i32
    %dma_start3A_132 = tpu.memref_slice %arg2[%dma_start3A_130, %dma_start3A_131] : memref<10240x128xf32, #tpu.memory_space<hbm>> -> memref<10240x128xf32, #tpu.memory_space<hbm>>
    tpu.enqueue_indirect_dma source(%dma_start3A_132 : memref<10240x128xf32, #tpu.memory_space<hbm>>) target(%arg12 : memref<128x128xf32, #tpu.memory_space<vmem>>) offsets(%arg6 : memref<128xi32, #tpu.memory_space<vmem>>) semaphore(%arg18 : memref<!tpu.dma_semaphore, #tpu.memory_space<semaphore_mem>>)
    %scan3A_133 = arith.constant 0 : i32
    %scan3A_134 = arith.constant 0 : i32
    %scan3A_135 = arith.constant 39 : i32
    %scan3A_136 = arith.addi %scan3A_134, %scan3A_135 : i32
    %scan3A_137 = arith.constant 1 : i32
    scf.for %scan3A_150 = %scan3A_134 to %scan3A_136 step %scan3A_137  : i32 {
      %mul3A_151 = arith.constant 2 : i32
      %mul3A_152 = arith.muli %mul3A_151, %scan3A_150 : i32
      %dma_wait3A_153 = arith.constant 0 : i32
      %dma_wait3A_154 = arith.constant 0 : i32
      %dma_wait3A_155 = tpu.memref_slice %arg2[%dma_wait3A_153, %dma_wait3A_154] : memref<10240x128xf32, #tpu.memory_space<hbm>> -> memref<10240x128xf32, #tpu.memory_space<hbm>>
      tpu.wait_indirect_dma semaphore(%arg18 : memref<!tpu.dma_semaphore, #tpu.memory_space<semaphore_mem>>) src(%dma_wait3A_155 : memref<10240x128xf32, #tpu.memory_space<hbm>>) dst(%arg12 : memref<128x128xf32, #tpu.memory_space<vmem>>)
      %gt3A = arith.constant 0 : i32
      %gt3A_156 = arith.cmpi sgt, %scan3A_150, %gt3A : i32
      %convert_element_type3A_157 = arith.extui %gt3A_156 : i1 to i32
      %cond3A_158 = arith.constant 0 : i32
      %cond3A_159 = arith.cmpi ne, %convert_element_type3A_157, %cond3A_158 : i32
      scf.if %cond3A_159 {
        %dma_wait3A_317 = arith.constant 0 : i32
        %dma_wait3A_318 = arith.constant 0 : i32
        %dma_wait3A_319 = tpu.memref_slice %arg5[%dma_wait3A_317, %dma_wait3A_318] : memref<10240x128xf32, #tpu.memory_space<vmem_shared>> -> memref<10240x128xf32, #tpu.memory_space<vmem_shared>>
        tpu.wait_indirect_dma semaphore(%arg21 : memref<!tpu.dma_semaphore, #tpu.memory_space<semaphore_mem>>) src(%arg13 : memref<128x128xf32, #tpu.memory_space<vmem>>) dst(%dma_wait3A_319 : memref<10240x128xf32, #tpu.memory_space<vmem_shared>>)
      } else {
      }
      %dma_wait3A_160 = arith.constant 0 : i32
      %dma_wait3A_161 = arith.constant 0 : i32
      %dma_wait3A_162 = tpu.memref_slice %arg3[%dma_wait3A_160, %dma_wait3A_161] : memref<2x320000xi32, #tpu.memory_space<hbm>> -> memref<1x128xi32, #tpu.memory_space<hbm>>
      %dma_wait3A_163 = tpu.memref_squeeze %dma_wait3A_162 : memref<1x128xi32, #tpu.memory_space<hbm>> -> memref<128xi32, #tpu.memory_space<hbm>>
      %dma_wait3A_164 = arith.constant 0 : i32
      %dma_wait3A_165 = tpu.memref_slice %arg3[%dma_wait3A_160, %dma_wait3A_164] : memref<2x320000xi32, #tpu.memory_space<hbm>> -> memref<1x128xi32, #tpu.memory_space<hbm>>
      %dma_wait3A_166 = tpu.memref_squeeze %dma_wait3A_165 : memref<1x128xi32, #tpu.memory_space<hbm>> -> memref<128xi32, #tpu.memory_space<hbm>>
      tpu.wait_dma2 semaphore(%arg15 : memref<!tpu.dma_semaphore, #tpu.memory_space<semaphore_mem>>) src(%dma_wait3A_166 : memref<128xi32, #tpu.memory_space<hbm>>) dst(%arg7 : memref<128xi32, #tpu.memory_space<vmem>>)
      %dma_wait3A_167 = arith.constant 1 : i32
      %dma_wait3A_168 = arith.constant 0 : i32
      %dma_wait3A_169 = tpu.memref_slice %arg3[%dma_wait3A_167, %dma_wait3A_168] : memref<2x320000xi32, #tpu.memory_space<hbm>> -> memref<1x128xi32, #tpu.memory_space<hbm>>
      %dma_wait3A_170 = tpu.memref_squeeze %dma_wait3A_169 : memref<1x128xi32, #tpu.memory_space<hbm>> -> memref<128xi32, #tpu.memory_space<hbm>>
      %dma_wait3A_171 = arith.constant 0 : i32
      %dma_wait3A_172 = tpu.memref_slice %arg3[%dma_wait3A_167, %dma_wait3A_171] : memref<2x320000xi32, #tpu.memory_space<hbm>> -> memref<1x128xi32, #tpu.memory_space<hbm>>
      %dma_wait3A_173 = tpu.memref_squeeze %dma_wait3A_172 : memref<1x128xi32, #tpu.memory_space<hbm>> -> memref<128xi32, #tpu.memory_space<hbm>>
      tpu.wait_dma2 semaphore(%arg17 : memref<!tpu.dma_semaphore, #tpu.memory_space<semaphore_mem>>) src(%dma_wait3A_173 : memref<128xi32, #tpu.memory_space<hbm>>) dst(%arg9 : memref<128xi32, #tpu.memory_space<vmem>>)
      %dma_start3A_174 = arith.constant 0 : i32
      %dma_start3A_175 = arith.constant 0 : i32
      %dma_start3A_176 = tpu.memref_slice %arg2[%dma_start3A_174, %dma_start3A_175] : memref<10240x128xf32, #tpu.memory_space<hbm>> -> memref<10240x128xf32, #tpu.memory_space<hbm>>
      tpu.enqueue_indirect_dma source(%dma_start3A_176 : memref<10240x128xf32, #tpu.memory_space<hbm>>) target(%arg13 : memref<128x128xf32, #tpu.memory_space<vmem>>) offsets(%arg7 : memref<128xi32, #tpu.memory_space<vmem>>) semaphore(%arg19 : memref<!tpu.dma_semaphore, #tpu.memory_space<semaphore_mem>>)
      %get3A = arith.constant 0 : index
      %get3A_177 = tpu.vector_load %arg8[%get3A] {strides = array<i32>} : memref<128xi32, #tpu.memory_space<vmem>>, vector<16xi32>,
      %get3A_178 = vector.shape_cast %get3A_177 : vector<16xi32> to vector<16xi32>
      %swap3A = arith.constant 0 : index
      %swap3A_179 = tpu.vector_load %arg10[%swap3A] {strides = array<i32>} : memref<128xi32, #tpu.memory_space<vmem>>, vector<16xi32>,
      %swap3A_180 = vector.shape_cast %swap3A_179 : vector<16xi32> to vector<16xi32>
      %swap3A_181 = vector.shape_cast %get3A_178 : vector<16xi32> to vector<16xi32>
      tpu.vector_store %arg10[%swap3A], %swap3A_181 {strides = array<i32>} : memref<128xi32, #tpu.memory_space<vmem>>, vector<16xi32>,
      %get3A_182 = arith.constant 16 : index
      %get3A_183 = tpu.vector_load %arg8[%get3A_182] {strides = array<i32>} : memref<128xi32, #tpu.memory_space<vmem>>, vector<16xi32>,
      %get3A_184 = vector.shape_cast %get3A_183 : vector<16xi32> to vector<16xi32>
      %swap3A_185 = arith.constant 16 : index
      %swap3A_186 = tpu.vector_load %arg10[%swap3A_185] {strides = array<i32>} : memref<128xi32, #tpu.memory_space<vmem>>, vector<16xi32>,
      %swap3A_187 = vector.shape_cast %swap3A_186 : vector<16xi32> to vector<16xi32>
      %swap3A_188 = vector.shape_cast %get3A_184 : vector<16xi32> to vector<16xi32>
      tpu.vector_store %arg10[%swap3A_185], %swap3A_188 {strides = array<i32>} : memref<128xi32, #tpu.memory_space<vmem>>, vector<16xi32>,
      %get3A_189 = arith.constant 32 : index
      %get3A_190 = tpu.vector_load %arg8[%get3A_189] {strides = array<i32>} : memref<128xi32, #tpu.memory_space<vmem>>, vector<16xi32>,
      %get3A_191 = vector.shape_cast %get3A_190 : vector<16xi32> to vector<16xi32>
      %swap3A_192 = arith.constant 32 : index
      %swap3A_193 = tpu.vector_load %arg10[%swap3A_192] {strides = array<i32>} : memref<128xi32, #tpu.memory_space<vmem>>, vector<16xi32>,
      %swap3A_194 = vector.shape_cast %swap3A_193 : vector<16xi32> to vector<16xi32>
      %swap3A_195 = vector.shape_cast %get3A_191 : vector<16xi32> to vector<16xi32>
      tpu.vector_store %arg10[%swap3A_192], %swap3A_195 {strides = array<i32>} : memref<128xi32, #tpu.memory_space<vmem>>, vector<16xi32>,
      %get3A_196 = arith.constant 48 : index
      %get3A_197 = tpu.vector_load %arg8[%get3A_196] {strides = array<i32>} : memref<128xi32, #tpu.memory_space<vmem>>, vector<16xi32>,
      %get3A_198 = vector.shape_cast %get3A_197 : vector<16xi32> to vector<16xi32>
      %swap3A_199 = arith.constant 48 : index
      %swap3A_200 = tpu.vector_load %arg10[%swap3A_199] {strides = array<i32>} : memref<128xi32, #tpu.memory_space<vmem>>, vector<16xi32>,
      %swap3A_201 = vector.shape_cast %swap3A_200 : vector<16xi32> to vector<16xi32>
      %swap3A_202 = vector.shape_cast %get3A_198 : vector<16xi32> to vector<16xi32>
      tpu.vector_store %arg10[%swap3A_199], %swap3A_202 {strides = array<i32>} : memref<128xi32, #tpu.memory_space<vmem>>, vector<16xi32>,
      %get3A_203 = arith.constant 64 : index
      %get3A_204 = tpu.vector_load %arg8[%get3A_203] {strides = array<i32>} : memref<128xi32, #tpu.memory_space<vmem>>, vector<16xi32>,
      %get3A_205 = vector.shape_cast %get3A_204 : vector<16xi32> to vector<16xi32>
      %swap3A_206 = arith.constant 64 : index
      %swap3A_207 = tpu.vector_load %arg10[%swap3A_206] {strides = array<i32>} : memref<128xi32, #tpu.memory_space<vmem>>, vector<16xi32>,
      %swap3A_208 = vector.shape_cast %swap3A_207 : vector<16xi32> to vector<16xi32>
      %swap3A_209 = vector.shape_cast %get3A_205 : vector<16xi32> to vector<16xi32>
      tpu.vector_store %arg10[%swap3A_206], %swap3A_209 {strides = array<i32>} : memref<128xi32, #tpu.memory_space<vmem>>, vector<16xi32>,
      %get3A_210 = arith.constant 80 : index
      %get3A_211 = tpu.vector_load %arg8[%get3A_210] {strides = array<i32>} : memref<128xi32, #tpu.memory_space<vmem>>, vector<16xi32>,
      %get3A_212 = vector.shape_cast %get3A_211 : vector<16xi32> to vector<16xi32>
      %swap3A_213 = arith.constant 80 : index
      %swap3A_214 = tpu.vector_load %arg10[%swap3A_213] {strides = array<i32>} : memref<128xi32, #tpu.memory_space<vmem>>, vector<16xi32>,
      %swap3A_215 = vector.shape_cast %swap3A_214 : vector<16xi32> to vector<16xi32>
      %swap3A_216 = vector.shape_cast %get3A_212 : vector<16xi32> to vector<16xi32>
      tpu.vector_store %arg10[%swap3A_213], %swap3A_216 {strides = array<i32>} : memref<128xi32, #tpu.memory_space<vmem>>, vector<16xi32>,
      %get3A_217 = arith.constant 96 : index
      %get3A_218 = tpu.vector_load %arg8[%get3A_217] {strides = array<i32>} : memref<128xi32, #tpu.memory_space<vmem>>, vector<16xi32>,
      %get3A_219 = vector.shape_cast %get3A_218 : vector<16xi32> to vector<16xi32>
      %swap3A_220 = arith.constant 96 : index
      %swap3A_221 = tpu.vector_load %arg10[%swap3A_220] {strides = array<i32>} : memref<128xi32, #tpu.memory_space<vmem>>, vector<16xi32>,
      %swap3A_222 = vector.shape_cast %swap3A_221 : vector<16xi32> to vector<16xi32>
      %swap3A_223 = vector.shape_cast %get3A_219 : vector<16xi32> to vector<16xi32>
      tpu.vector_store %arg10[%swap3A_220], %swap3A_223 {strides = array<i32>} : memref<128xi32, #tpu.memory_space<vmem>>, vector<16xi32>,
      %get3A_224 = arith.constant 112 : index
      %get3A_225 = tpu.vector_load %arg8[%get3A_224] {strides = array<i32>} : memref<128xi32, #tpu.memory_space<vmem>>, vector<16xi32>,
      %get3A_226 = vector.shape_cast %get3A_225 : vector<16xi32> to vector<16xi32>
      %swap3A_227 = arith.constant 112 : index
      %swap3A_228 = tpu.vector_load %arg10[%swap3A_227] {strides = array<i32>} : memref<128xi32, #tpu.memory_space<vmem>>, vector<16xi32>,
      %swap3A_229 = vector.shape_cast %swap3A_228 : vector<16xi32> to vector<16xi32>
      %swap3A_230 = vector.shape_cast %get3A_226 : vector<16xi32> to vector<16xi32>
      tpu.vector_store %arg10[%swap3A_227], %swap3A_230 {strides = array<i32>} : memref<128xi32, #tpu.memory_space<vmem>>, vector<16xi32>,
      %dma_start3A_231 = arith.constant 0 : i32
      %dma_start3A_232 = arith.constant 0 : i32
      %dma_start3A_233 = tpu.memref_slice %arg5[%dma_start3A_231, %dma_start3A_232] : memref<10240x128xf32, #tpu.memory_space<vmem_shared>> -> memref<10240x128xf32, #tpu.memory_space<vmem_shared>>
      tpu.enqueue_indirect_dma source(%arg12 : memref<128x128xf32, #tpu.memory_space<vmem>>) target(%dma_start3A_233 : memref<10240x128xf32, #tpu.memory_space<vmem_shared>>) offsets(%arg10 : memref<128xi32, #tpu.memory_space<vmem>>) semaphore(%arg20 : memref<!tpu.dma_semaphore, #tpu.memory_space<semaphore_mem>>) {add = true}
      %add3A_234 = arith.constant 2 : i32
      %add3A_235 = arith.addi %mul3A_152, %add3A_234 : i32
      %lt3A_236 = arith.cmpi slt, %add3A_235, %add3A_48 : i32
      %convert_element_type3A_237 = arith.extui %lt3A_236 : i1 to i32
      %cond3A_238 = arith.constant 0 : i32
      %cond3A_239 = arith.cmpi ne, %convert_element_type3A_237, %cond3A_238 : i32
      scf.if %cond3A_239 {
        %add3A_317 = arith.constant 2 : i32
        %add3A_318 = arith.addi %mul3A_152, %add3A_317 : i32
        %mul3A_319 = arith.constant 32 : i32
        %mul3A_320 = arith.muli %add3A_318, %mul3A_319 : i32
        %add3A_321 = arith.addi %mul3A_320, %add3A : i32
        %mul3A_322 = arith.constant 128 : i32
        %mul3A_323 = arith.muli %add3A_321, %mul3A_322 : i32
        %dma_start3A_324 = arith.constant 0 : i32
        %dma_start3A_325 = tpu.memref_slice %arg3[%dma_start3A_324, %mul3A_323] : memref<2x320000xi32, #tpu.memory_space<hbm>> -> memref<1x128xi32, #tpu.memory_space<hbm>>
        %dma_start3A_326 = tpu.memref_squeeze %dma_start3A_325 : memref<1x128xi32, #tpu.memory_space<hbm>> -> memref<128xi32, #tpu.memory_space<hbm>>
        %dma_start3A_327 = tpu.memref_slice %arg3[%dma_start3A_324, %mul3A_323] : memref<2x320000xi32, #tpu.memory_space<hbm>> -> memref<1x128xi32, #tpu.memory_space<hbm>>
        %dma_start3A_328 = tpu.memref_squeeze %dma_start3A_327 : memref<1x128xi32, #tpu.memory_space<hbm>> -> memref<128xi32, #tpu.memory_space<hbm>>
        tpu.enqueue_dma source(%dma_start3A_328 : memref<128xi32, #tpu.memory_space<hbm>>) target(%arg6 : memref<128xi32, #tpu.memory_space<vmem>>) target_semaphore(%arg14 : memref<!tpu.dma_semaphore, #tpu.memory_space<semaphore_mem>>)
        %dma_start3A_329 = arith.constant 1 : i32
        %dma_start3A_330 = tpu.memref_slice %arg3[%dma_start3A_329, %mul3A_323] : memref<2x320000xi32, #tpu.memory_space<hbm>> -> memref<1x128xi32, #tpu.memory_space<hbm>>
        %dma_start3A_331 = tpu.memref_squeeze %dma_start3A_330 : memref<1x128xi32, #tpu.memory_space<hbm>> -> memref<128xi32, #tpu.memory_space<hbm>>
        %dma_start3A_332 = tpu.memref_slice %arg3[%dma_start3A_329, %mul3A_323] : memref<2x320000xi32, #tpu.memory_space<hbm>> -> memref<1x128xi32, #tpu.memory_space<hbm>>
        %dma_start3A_333 = tpu.memref_squeeze %dma_start3A_332 : memref<1x128xi32, #tpu.memory_space<hbm>> -> memref<128xi32, #tpu.memory_space<hbm>>
        tpu.enqueue_dma source(%dma_start3A_333 : memref<128xi32, #tpu.memory_space<hbm>>) target(%arg8 : memref<128xi32, #tpu.memory_space<vmem>>) target_semaphore(%arg16 : memref<!tpu.dma_semaphore, #tpu.memory_space<semaphore_mem>>)
      } else {
      }
      %dma_wait3A_240 = arith.constant 0 : i32
      %dma_wait3A_241 = arith.constant 0 : i32
      %dma_wait3A_242 = tpu.memref_slice %arg2[%dma_wait3A_240, %dma_wait3A_241] : memref<10240x128xf32, #tpu.memory_space<hbm>> -> memref<10240x128xf32, #tpu.memory_space<hbm>>
      tpu.wait_indirect_dma semaphore(%arg19 : memref<!tpu.dma_semaphore, #tpu.memory_space<semaphore_mem>>) src(%dma_wait3A_242 : memref<10240x128xf32, #tpu.memory_space<hbm>>) dst(%arg13 : memref<128x128xf32, #tpu.memory_space<vmem>>)
      %dma_wait3A_243 = arith.constant 0 : i32
      %dma_wait3A_244 = arith.constant 0 : i32
      %dma_wait3A_245 = tpu.memref_slice %arg5[%dma_wait3A_243, %dma_wait3A_244] : memref<10240x128xf32, #tpu.memory_space<vmem_shared>> -> memref<10240x128xf32, #tpu.memory_space<vmem_shared>>
      tpu.wait_indirect_dma semaphore(%arg20 : memref<!tpu.dma_semaphore, #tpu.memory_space<semaphore_mem>>) src(%arg12 : memref<128x128xf32, #tpu.memory_space<vmem>>) dst(%dma_wait3A_245 : memref<10240x128xf32, #tpu.memory_space<vmem_shared>>)
      %add3A_246 = arith.constant 2 : i32
      %add3A_247 = arith.addi %mul3A_152, %add3A_246 : i32
      %lt3A_248 = arith.cmpi slt, %add3A_247, %add3A_48 : i32
      %convert_element_type3A_249 = arith.extui %lt3A_248 : i1 to i32
      %cond3A_250 = arith.constant 0 : i32
      %cond3A_251 = arith.cmpi ne, %convert_element_type3A_249, %cond3A_250 : i32
      scf.if %cond3A_251 {
        %dma_wait3A_317 = arith.constant 0 : i32
        %dma_wait3A_318 = arith.constant 0 : i32
        %dma_wait3A_319 = tpu.memref_slice %arg3[%dma_wait3A_317, %dma_wait3A_318] : memref<2x320000xi32, #tpu.memory_space<hbm>> -> memref<1x128xi32, #tpu.memory_space<hbm>>
        %dma_wait3A_320 = tpu.memref_squeeze %dma_wait3A_319 : memref<1x128xi32, #tpu.memory_space<hbm>> -> memref<128xi32, #tpu.memory_space<hbm>>
        %dma_wait3A_321 = arith.constant 0 : i32
        %dma_wait3A_322 = tpu.memref_slice %arg3[%dma_wait3A_317, %dma_wait3A_321] : memref<2x320000xi32, #tpu.memory_space<hbm>> -> memref<1x128xi32, #tpu.memory_space<hbm>>
        %dma_wait3A_323 = tpu.memref_squeeze %dma_wait3A_322 : memref<1x128xi32, #tpu.memory_space<hbm>> -> memref<128xi32, #tpu.memory_space<hbm>>
        tpu.wait_dma2 semaphore(%arg14 : memref<!tpu.dma_semaphore, #tpu.memory_space<semaphore_mem>>) src(%dma_wait3A_323 : memref<128xi32, #tpu.memory_space<hbm>>) dst(%arg6 : memref<128xi32, #tpu.memory_space<vmem>>)
        %dma_wait3A_324 = arith.constant 1 : i32
        %dma_wait3A_325 = arith.constant 0 : i32
        %dma_wait3A_326 = tpu.memref_slice %arg3[%dma_wait3A_324, %dma_wait3A_325] : memref<2x320000xi32, #tpu.memory_space<hbm>> -> memref<1x128xi32, #tpu.memory_space<hbm>>
        %dma_wait3A_327 = tpu.memref_squeeze %dma_wait3A_326 : memref<1x128xi32, #tpu.memory_space<hbm>> -> memref<128xi32, #tpu.memory_space<hbm>>
        %dma_wait3A_328 = arith.constant 0 : i32
        %dma_wait3A_329 = tpu.memref_slice %arg3[%dma_wait3A_324, %dma_wait3A_328] : memref<2x320000xi32, #tpu.memory_space<hbm>> -> memref<1x128xi32, #tpu.memory_space<hbm>>
        %dma_wait3A_330 = tpu.memref_squeeze %dma_wait3A_329 : memref<1x128xi32, #tpu.memory_space<hbm>> -> memref<128xi32, #tpu.memory_space<hbm>>
        tpu.wait_dma2 semaphore(%arg16 : memref<!tpu.dma_semaphore, #tpu.memory_space<semaphore_mem>>) src(%dma_wait3A_330 : memref<128xi32, #tpu.memory_space<hbm>>) dst(%arg8 : memref<128xi32, #tpu.memory_space<vmem>>)
        %dma_start3A_331 = arith.constant 0 : i32
        %dma_start3A_332 = arith.constant 0 : i32
        %dma_start3A_333 = tpu.memref_slice %arg2[%dma_start3A_331, %dma_start3A_332] : memref<10240x128xf32, #tpu.memory_space<hbm>> -> memref<10240x128xf32, #tpu.memory_space<hbm>>
        tpu.enqueue_indirect_dma source(%dma_start3A_333 : memref<10240x128xf32, #tpu.memory_space<hbm>>) target(%arg12 : memref<128x128xf32, #tpu.memory_space<vmem>>) offsets(%arg6 : memref<128xi32, #tpu.memory_space<vmem>>) semaphore(%arg18 : memref<!tpu.dma_semaphore, #tpu.memory_space<semaphore_mem>>)
      } else {
      }
      %get3A_252 = arith.constant 0 : index
      %get3A_253 = tpu.vector_load %arg9[%get3A_252] {strides = array<i32>} : memref<128xi32, #tpu.memory_space<vmem>>, vector<16xi32>,
      %get3A_254 = vector.shape_cast %get3A_253 : vector<16xi32> to vector<16xi32>
      %swap3A_255 = arith.constant 0 : index
      %swap3A_256 = tpu.vector_load %arg11[%swap3A_255] {strides = array<i32>} : memref<128xi32, #tpu.memory_space<vmem>>, vector<16xi32>,
      %swap3A_257 = vector.shape_cast %swap3A_256 : vector<16xi32> to vector<16xi32>
      %swap3A_258 = vector.shape_cast %get3A_254 : vector<16xi32> to vector<16xi32>
      tpu.vector_store %arg11[%swap3A_255], %swap3A_258 {strides = array<i32>} : memref<128xi32, #tpu.memory_space<vmem>>, vector<16xi32>,
      %get3A_259 = arith.constant 16 : index
      %get3A_260 = tpu.vector_load %arg9[%get3A_259] {strides = array<i32>} : memref<128xi32, #tpu.memory_space<vmem>>, vector<16xi32>,
      %get3A_261 = vector.shape_cast %get3A_260 : vector<16xi32> to vector<16xi32>
      %swap3A_262 = arith.constant 16 : index
      %swap3A_263 = tpu.vector_load %arg11[%swap3A_262] {strides = array<i32>} : memref<128xi32, #tpu.memory_space<vmem>>, vector<16xi32>,
      %swap3A_264 = vector.shape_cast %swap3A_263 : vector<16xi32> to vector<16xi32>
      %swap3A_265 = vector.shape_cast %get3A_261 : vector<16xi32> to vector<16xi32>
      tpu.vector_store %arg11[%swap3A_262], %swap3A_265 {strides = array<i32>} : memref<128xi32, #tpu.memory_space<vmem>>, vector<16xi32>,
      %get3A_266 = arith.constant 32 : index
      %get3A_267 = tpu.vector_load %arg9[%get3A_266] {strides = array<i32>} : memref<128xi32, #tpu.memory_space<vmem>>, vector<16xi32>,
      %get3A_268 = vector.shape_cast %get3A_267 : vector<16xi32> to vector<16xi32>
      %swap3A_269 = arith.constant 32 : index
      %swap3A_270 = tpu.vector_load %arg11[%swap3A_269] {strides = array<i32>} : memref<128xi32, #tpu.memory_space<vmem>>, vector<16xi32>,
      %swap3A_271 = vector.shape_cast %swap3A_270 : vector<16xi32> to vector<16xi32>
      %swap3A_272 = vector.shape_cast %get3A_268 : vector<16xi32> to vector<16xi32>
      tpu.vector_store %arg11[%swap3A_269], %swap3A_272 {strides = array<i32>} : memref<128xi32, #tpu.memory_space<vmem>>, vector<16xi32>,
      %get3A_273 = arith.constant 48 : index
      %get3A_274 = tpu.vector_load %arg9[%get3A_273] {strides = array<i32>} : memref<128xi32, #tpu.memory_space<vmem>>, vector<16xi32>,
      %get3A_275 = vector.shape_cast %get3A_274 : vector<16xi32> to vector<16xi32>
      %swap3A_276 = arith.constant 48 : index
      %swap3A_277 = tpu.vector_load %arg11[%swap3A_276] {strides = array<i32>} : memref<128xi32, #tpu.memory_space<vmem>>, vector<16xi32>,
      %swap3A_278 = vector.shape_cast %swap3A_277 : vector<16xi32> to vector<16xi32>
      %swap3A_279 = vector.shape_cast %get3A_275 : vector<16xi32> to vector<16xi32>
      tpu.vector_store %arg11[%swap3A_276], %swap3A_279 {strides = array<i32>} : memref<128xi32, #tpu.memory_space<vmem>>, vector<16xi32>,
      %get3A_280 = arith.constant 64 : index
      %get3A_281 = tpu.vector_load %arg9[%get3A_280] {strides = array<i32>} : memref<128xi32, #tpu.memory_space<vmem>>, vector<16xi32>,
      %get3A_282 = vector.shape_cast %get3A_281 : vector<16xi32> to vector<16xi32>
      %swap3A_283 = arith.constant 64 : index
      %swap3A_284 = tpu.vector_load %arg11[%swap3A_283] {strides = array<i32>} : memref<128xi32, #tpu.memory_space<vmem>>, vector<16xi32>,
      %swap3A_285 = vector.shape_cast %swap3A_284 : vector<16xi32> to vector<16xi32>
      %swap3A_286 = vector.shape_cast %get3A_282 : vector<16xi32> to vector<16xi32>
      tpu.vector_store %arg11[%swap3A_283], %swap3A_286 {strides = array<i32>} : memref<128xi32, #tpu.memory_space<vmem>>, vector<16xi32>,
      %get3A_287 = arith.constant 80 : index
      %get3A_288 = tpu.vector_load %arg9[%get3A_287] {strides = array<i32>} : memref<128xi32, #tpu.memory_space<vmem>>, vector<16xi32>,
      %get3A_289 = vector.shape_cast %get3A_288 : vector<16xi32> to vector<16xi32>
      %swap3A_290 = arith.constant 80 : index
      %swap3A_291 = tpu.vector_load %arg11[%swap3A_290] {strides = array<i32>} : memref<128xi32, #tpu.memory_space<vmem>>, vector<16xi32>,
      %swap3A_292 = vector.shape_cast %swap3A_291 : vector<16xi32> to vector<16xi32>
      %swap3A_293 = vector.shape_cast %get3A_289 : vector<16xi32> to vector<16xi32>
      tpu.vector_store %arg11[%swap3A_290], %swap3A_293 {strides = array<i32>} : memref<128xi32, #tpu.memory_space<vmem>>, vector<16xi32>,
      %get3A_294 = arith.constant 96 : index
      %get3A_295 = tpu.vector_load %arg9[%get3A_294] {strides = array<i32>} : memref<128xi32, #tpu.memory_space<vmem>>, vector<16xi32>,
      %get3A_296 = vector.shape_cast %get3A_295 : vector<16xi32> to vector<16xi32>
      %swap3A_297 = arith.constant 96 : index
      %swap3A_298 = tpu.vector_load %arg11[%swap3A_297] {strides = array<i32>} : memref<128xi32, #tpu.memory_space<vmem>>, vector<16xi32>,
      %swap3A_299 = vector.shape_cast %swap3A_298 : vector<16xi32> to vector<16xi32>
      %swap3A_300 = vector.shape_cast %get3A_296 : vector<16xi32> to vector<16xi32>
      tpu.vector_store %arg11[%swap3A_297], %swap3A_300 {strides = array<i32>} : memref<128xi32, #tpu.memory_space<vmem>>, vector<16xi32>,
      %get3A_301 = arith.constant 112 : index
      %get3A_302 = tpu.vector_load %arg9[%get3A_301] {strides = array<i32>} : memref<128xi32, #tpu.memory_space<vmem>>, vector<16xi32>,
      %get3A_303 = vector.shape_cast %get3A_302 : vector<16xi32> to vector<16xi32>
      %swap3A_304 = arith.constant 112 : index
      %swap3A_305 = tpu.vector_load %arg11[%swap3A_304] {strides = array<i32>} : memref<128xi32, #tpu.memory_space<vmem>>, vector<16xi32>,
      %swap3A_306 = vector.shape_cast %swap3A_305 : vector<16xi32> to vector<16xi32>
      %swap3A_307 = vector.shape_cast %get3A_303 : vector<16xi32> to vector<16xi32>
      tpu.vector_store %arg11[%swap3A_304], %swap3A_307 {strides = array<i32>} : memref<128xi32, #tpu.memory_space<vmem>>, vector<16xi32>,
      %dma_start3A_308 = arith.constant 0 : i32
      %dma_start3A_309 = arith.constant 0 : i32
      %dma_start3A_310 = tpu.memref_slice %arg5[%dma_start3A_308, %dma_start3A_309] : memref<10240x128xf32, #tpu.memory_space<vmem_shared>> -> memref<10240x128xf32, #tpu.memory_space<vmem_shared>>
      tpu.enqueue_indirect_dma source(%arg13 : memref<128x128xf32, #tpu.memory_space<vmem>>) target(%dma_start3A_310 : memref<10240x128xf32, #tpu.memory_space<vmem_shared>>) offsets(%arg11 : memref<128xi32, #tpu.memory_space<vmem>>) semaphore(%arg21 : memref<!tpu.dma_semaphore, #tpu.memory_space<semaphore_mem>>) {add = true}
      %add3A_311 = arith.constant 3 : i32
      %add3A_312 = arith.addi %mul3A_152, %add3A_311 : i32
      %lt3A_313 = arith.cmpi slt, %add3A_312, %add3A_48 : i32
      %convert_element_type3A_314 = arith.extui %lt3A_313 : i1 to i32
      %cond3A_315 = arith.constant 0 : i32
      %cond3A_316 = arith.cmpi ne, %convert_element_type3A_314, %cond3A_315 : i32
      scf.if %cond3A_316 {
        %add3A_317 = arith.constant 3 : i32
        %add3A_318 = arith.addi %mul3A_152, %add3A_317 : i32
        %mul3A_319 = arith.constant 32 : i32
        %mul3A_320 = arith.muli %add3A_318, %mul3A_319 : i32
        %add3A_321 = arith.addi %mul3A_320, %add3A : i32
        %mul3A_322 = arith.constant 128 : i32
        %mul3A_323 = arith.muli %add3A_321, %mul3A_322 : i32
        %dma_start3A_324 = arith.constant 0 : i32
        %dma_start3A_325 = tpu.memref_slice %arg3[%dma_start3A_324, %mul3A_323] : memref<2x320000xi32, #tpu.memory_space<hbm>> -> memref<1x128xi32, #tpu.memory_space<hbm>>
        %dma_start3A_326 = tpu.memref_squeeze %dma_start3A_325 : memref<1x128xi32, #tpu.memory_space<hbm>> -> memref<128xi32, #tpu.memory_space<hbm>>
        %dma_start3A_327 = tpu.memref_slice %arg3[%dma_start3A_324, %mul3A_323] : memref<2x320000xi32, #tpu.memory_space<hbm>> -> memref<1x128xi32, #tpu.memory_space<hbm>>
        %dma_start3A_328 = tpu.memref_squeeze %dma_start3A_327 : memref<1x128xi32, #tpu.memory_space<hbm>> -> memref<128xi32, #tpu.memory_space<hbm>>
        tpu.enqueue_dma source(%dma_start3A_328 : memref<128xi32, #tpu.memory_space<hbm>>) target(%arg7 : memref<128xi32, #tpu.memory_space<vmem>>) target_semaphore(%arg15 : memref<!tpu.dma_semaphore, #tpu.memory_space<semaphore_mem>>)
        %dma_start3A_329 = arith.constant 1 : i32
        %dma_start3A_330 = tpu.memref_slice %arg3[%dma_start3A_329, %mul3A_323] : memref<2x320000xi32, #tpu.memory_space<hbm>> -> memref<1x128xi32, #tpu.memory_space<hbm>>
        %dma_start3A_331 = tpu.memref_squeeze %dma_start3A_330 : memref<1x128xi32, #tpu.memory_space<hbm>> -> memref<128xi32, #tpu.memory_space<hbm>>
        %dma_start3A_332 = tpu.memref_slice %arg3[%dma_start3A_329, %mul3A_323] : memref<2x320000xi32, #tpu.memory_space<hbm>> -> memref<1x128xi32, #tpu.memory_space<hbm>>
        %dma_start3A_333 = tpu.memref_squeeze %dma_start3A_332 : memref<1x128xi32, #tpu.memory_space<hbm>> -> memref<128xi32, #tpu.memory_space<hbm>>
        tpu.enqueue_dma source(%dma_start3A_333 : memref<128xi32, #tpu.memory_space<hbm>>) target(%arg9 : memref<128xi32, #tpu.memory_space<vmem>>) target_semaphore(%arg17 : memref<!tpu.dma_semaphore, #tpu.memory_space<semaphore_mem>>)
      } else {
      }
    }
    %scan3A_138 = arith.constant 39 : i32
    %dma_wait3A_139 = arith.constant 0 : i32
    %dma_wait3A_140 = arith.constant 0 : i32
    %dma_wait3A_141 = tpu.memref_slice %arg5[%dma_wait3A_139, %dma_wait3A_140] : memref<10240x128xf32, #tpu.memory_space<vmem_shared>> -> memref<10240x128xf32, #tpu.memory_space<vmem_shared>>
    tpu.wait_indirect_dma semaphore(%arg21 : memref<!tpu.dma_semaphore, #tpu.memory_space<semaphore_mem>>) src(%arg13 : memref<128x128xf32, #tpu.memory_space<vmem>>) dst(%dma_wait3A_141 : memref<10240x128xf32, #tpu.memory_space<vmem_shared>>)
    %lt3A_142 = arith.constant 4 : i32
    %lt3A_143 = arith.cmpi slt, %add3A, %lt3A_142 : i32
    %convert_element_type3A = arith.extui %lt3A_143 : i1 to i32
    %cond3A = arith.constant 0 : i32
    %cond3A_144 = arith.cmpi ne, %convert_element_type3A, %cond3A : i32
    scf.if %cond3A_144 {
      %dma_wait3A_150 = arith.constant 0 : i32
      %dma_wait3A_151 = arith.constant 0 : i32
      %dma_wait3A_152 = tpu.memref_slice %arg2[%dma_wait3A_150, %dma_wait3A_151] : memref<10240x128xf32, #tpu.memory_space<hbm>> -> memref<10240x128xf32, #tpu.memory_space<hbm>>
      tpu.wait_indirect_dma semaphore(%arg18 : memref<!tpu.dma_semaphore, #tpu.memory_space<semaphore_mem>>) src(%dma_wait3A_152 : memref<10240x128xf32, #tpu.memory_space<hbm>>) dst(%arg12 : memref<128x128xf32, #tpu.memory_space<vmem>>)
      %get3A = arith.constant 0 : index
      %get3A_153 = tpu.vector_load %arg8[%get3A] {strides = array<i32>} : memref<128xi32, #tpu.memory_space<vmem>>, vector<16xi32>,
      %get3A_154 = vector.shape_cast %get3A_153 : vector<16xi32> to vector<16xi32>
      %swap3A = arith.constant 0 : index
      %swap3A_155 = tpu.vector_load %arg10[%swap3A] {strides = array<i32>} : memref<128xi32, #tpu.memory_space<vmem>>, vector<16xi32>,
      %swap3A_156 = vector.shape_cast %swap3A_155 : vector<16xi32> to vector<16xi32>
      %swap3A_157 = vector.shape_cast %get3A_154 : vector<16xi32> to vector<16xi32>
      tpu.vector_store %arg10[%swap3A], %swap3A_157 {strides = array<i32>} : memref<128xi32, #tpu.memory_space<vmem>>, vector<16xi32>,
      %get3A_158 = arith.constant 16 : index
      %get3A_159 = tpu.vector_load %arg8[%get3A_158] {strides = array<i32>} : memref<128xi32, #tpu.memory_space<vmem>>, vector<16xi32>,
      %get3A_160 = vector.shape_cast %get3A_159 : vector<16xi32> to vector<16xi32>
      %swap3A_161 = arith.constant 16 : index
      %swap3A_162 = tpu.vector_load %arg10[%swap3A_161] {strides = array<i32>} : memref<128xi32, #tpu.memory_space<vmem>>, vector<16xi32>,
      %swap3A_163 = vector.shape_cast %swap3A_162 : vector<16xi32> to vector<16xi32>
      %swap3A_164 = vector.shape_cast %get3A_160 : vector<16xi32> to vector<16xi32>
      tpu.vector_store %arg10[%swap3A_161], %swap3A_164 {strides = array<i32>} : memref<128xi32, #tpu.memory_space<vmem>>, vector<16xi32>,
      %get3A_165 = arith.constant 32 : index
      %get3A_166 = tpu.vector_load %arg8[%get3A_165] {strides = array<i32>} : memref<128xi32, #tpu.memory_space<vmem>>, vector<16xi32>,
      %get3A_167 = vector.shape_cast %get3A_166 : vector<16xi32> to vector<16xi32>
      %swap3A_168 = arith.constant 32 : index
      %swap3A_169 = tpu.vector_load %arg10[%swap3A_168] {strides = array<i32>} : memref<128xi32, #tpu.memory_space<vmem>>, vector<16xi32>,
      %swap3A_170 = vector.shape_cast %swap3A_169 : vector<16xi32> to vector<16xi32>
      %swap3A_171 = vector.shape_cast %get3A_167 : vector<16xi32> to vector<16xi32>
      tpu.vector_store %arg10[%swap3A_168], %swap3A_171 {strides = array<i32>} : memref<128xi32, #tpu.memory_space<vmem>>, vector<16xi32>,
      %get3A_172 = arith.constant 48 : index
      %get3A_173 = tpu.vector_load %arg8[%get3A_172] {strides = array<i32>} : memref<128xi32, #tpu.memory_space<vmem>>, vector<16xi32>,
      %get3A_174 = vector.shape_cast %get3A_173 : vector<16xi32> to vector<16xi32>
      %swap3A_175 = arith.constant 48 : index
      %swap3A_176 = tpu.vector_load %arg10[%swap3A_175] {strides = array<i32>} : memref<128xi32, #tpu.memory_space<vmem>>, vector<16xi32>,
      %swap3A_177 = vector.shape_cast %swap3A_176 : vector<16xi32> to vector<16xi32>
      %swap3A_178 = vector.shape_cast %get3A_174 : vector<16xi32> to vector<16xi32>
      tpu.vector_store %arg10[%swap3A_175], %swap3A_178 {strides = array<i32>} : memref<128xi32, #tpu.memory_space<vmem>>, vector<16xi32>,
      %get3A_179 = arith.constant 64 : index
      %get3A_180 = tpu.vector_load %arg8[%get3A_179] {strides = array<i32>} : memref<128xi32, #tpu.memory_space<vmem>>, vector<16xi32>,
      %get3A_181 = vector.shape_cast %get3A_180 : vector<16xi32> to vector<16xi32>
      %swap3A_182 = arith.constant 64 : index
      %swap3A_183 = tpu.vector_load %arg10[%swap3A_182] {strides = array<i32>} : memref<128xi32, #tpu.memory_space<vmem>>, vector<16xi32>,
      %swap3A_184 = vector.shape_cast %swap3A_183 : vector<16xi32> to vector<16xi32>
      %swap3A_185 = vector.shape_cast %get3A_181 : vector<16xi32> to vector<16xi32>
      tpu.vector_store %arg10[%swap3A_182], %swap3A_185 {strides = array<i32>} : memref<128xi32, #tpu.memory_space<vmem>>, vector<16xi32>,
      %get3A_186 = arith.constant 80 : index
      %get3A_187 = tpu.vector_load %arg8[%get3A_186] {strides = array<i32>} : memref<128xi32, #tpu.memory_space<vmem>>, vector<16xi32>,
      %get3A_188 = vector.shape_cast %get3A_187 : vector<16xi32> to vector<16xi32>
      %swap3A_189 = arith.constant 80 : index
      %swap3A_190 = tpu.vector_load %arg10[%swap3A_189] {strides = array<i32>} : memref<128xi32, #tpu.memory_space<vmem>>, vector<16xi32>,
      %swap3A_191 = vector.shape_cast %swap3A_190 : vector<16xi32> to vector<16xi32>
      %swap3A_192 = vector.shape_cast %get3A_188 : vector<16xi32> to vector<16xi32>
      tpu.vector_store %arg10[%swap3A_189], %swap3A_192 {strides = array<i32>} : memref<128xi32, #tpu.memory_space<vmem>>, vector<16xi32>,
      %get3A_193 = arith.constant 96 : index
      %get3A_194 = tpu.vector_load %arg8[%get3A_193] {strides = array<i32>} : memref<128xi32, #tpu.memory_space<vmem>>, vector<16xi32>,
      %get3A_195 = vector.shape_cast %get3A_194 : vector<16xi32> to vector<16xi32>
      %swap3A_196 = arith.constant 96 : index
      %swap3A_197 = tpu.vector_load %arg10[%swap3A_196] {strides = array<i32>} : memref<128xi32, #tpu.memory_space<vmem>>, vector<16xi32>,
      %swap3A_198 = vector.shape_cast %swap3A_197 : vector<16xi32> to vector<16xi32>
      %swap3A_199 = vector.shape_cast %get3A_195 : vector<16xi32> to vector<16xi32>
      tpu.vector_store %arg10[%swap3A_196], %swap3A_199 {strides = array<i32>} : memref<128xi32, #tpu.memory_space<vmem>>, vector<16xi32>,
      %get3A_200 = arith.constant 112 : index
      %get3A_201 = tpu.vector_load %arg8[%get3A_200] {strides = array<i32>} : memref<128xi32, #tpu.memory_space<vmem>>, vector<16xi32>,
      %get3A_202 = vector.shape_cast %get3A_201 : vector<16xi32> to vector<16xi32>
      %swap3A_203 = arith.constant 112 : index
      %swap3A_204 = tpu.vector_load %arg10[%swap3A_203] {strides = array<i32>} : memref<128xi32, #tpu.memory_space<vmem>>, vector<16xi32>,
      %swap3A_205 = vector.shape_cast %swap3A_204 : vector<16xi32> to vector<16xi32>
      %swap3A_206 = vector.shape_cast %get3A_202 : vector<16xi32> to vector<16xi32>
      tpu.vector_store %arg10[%swap3A_203], %swap3A_206 {strides = array<i32>} : memref<128xi32, #tpu.memory_space<vmem>>, vector<16xi32>,
      %dma_start3A_207 = arith.constant 0 : i32
      %dma_start3A_208 = arith.constant 0 : i32
      %dma_start3A_209 = tpu.memref_slice %arg5[%dma_start3A_207, %dma_start3A_208] : memref<10240x128xf32, #tpu.memory_space<vmem_shared>> -> memref<10240x128xf32, #tpu.memory_space<vmem_shared>>
      tpu.enqueue_indirect_dma source(%arg12 : memref<128x128xf32, #tpu.memory_space<vmem>>) target(%dma_start3A_209 : memref<10240x128xf32, #tpu.memory_space<vmem_shared>>) offsets(%arg10 : memref<128xi32, #tpu.memory_space<vmem>>) semaphore(%arg20 : memref<!tpu.dma_semaphore, #tpu.memory_space<semaphore_mem>>) {add = true}
      %dma_wait3A_210 = arith.constant 0 : i32
      %dma_wait3A_211 = arith.constant 0 : i32
      %dma_wait3A_212 = tpu.memref_slice %arg5[%dma_wait3A_210, %dma_wait3A_211] : memref<10240x128xf32, #tpu.memory_space<vmem_shared>> -> memref<10240x128xf32, #tpu.memory_space<vmem_shared>>
      tpu.wait_indirect_dma semaphore(%arg20 : memref<!tpu.dma_semaphore, #tpu.memory_space<semaphore_mem>>) src(%arg12 : memref<128x128xf32, #tpu.memory_space<vmem>>) dst(%dma_wait3A_212 : memref<10240x128xf32, #tpu.memory_space<vmem_shared>>)
    } else {
    }
    %barrier3A_145 = arith.constant 0 : index
    tpu.barrier barrier_id(%barrier3A_145)
    %mul3A_146 = arith.constant 640 : i32
    %mul3A_147 = arith.muli %arg1, %mul3A_146 : i32
    %mul3A_148 = arith.constant 640 : i32
    %mul3A_149 = arith.muli %arg1, %mul3A_148 : i32
    "tpu.region"() ({
      %run_scoped3A = tpu.sem_alloc : memref<!tpu.dma_semaphore, #tpu.memory_space<semaphore_mem>>
      %dma_start3A_150 = arith.constant 0 : i32
      %dma_start3A_151 = tpu.memref_slice %arg4[%arg0, %mul3A_149, %dma_start3A_150] : memref<2x10240x128xf32, #tpu.memory_space<hbm>> -> memref<1x640x128xf32, #tpu.memory_space<hbm>>
      %dma_start3A_152 = tpu.memref_squeeze %dma_start3A_151 : memref<1x640x128xf32, #tpu.memory_space<hbm>> -> memref<640x128xf32, #tpu.memory_space<hbm>>
      %dma_start3A_153 = arith.constant 0 : i32
      %dma_start3A_154 = tpu.memref_slice %arg5[%mul3A_147, %dma_start3A_153] : memref<10240x128xf32, #tpu.memory_space<vmem_shared>> -> memref<640x128xf32, #tpu.memory_space<vmem_shared>>
      tpu.enqueue_dma source(%dma_start3A_154 : memref<640x128xf32, #tpu.memory_space<vmem_shared>>) target(%dma_start3A_152 : memref<640x128xf32, #tpu.memory_space<hbm>>) target_semaphore(%run_scoped3A : memref<!tpu.dma_semaphore, #tpu.memory_space<semaphore_mem>>)
      %dma_wait3A_155 = arith.constant 0 : i32
      %dma_wait3A_156 = tpu.memref_slice %arg4[%arg0, %mul3A_149, %dma_wait3A_155] : memref<2x10240x128xf32, #tpu.memory_space<hbm>> -> memref<1x640x128xf32, #tpu.memory_space<hbm>>
      %dma_wait3A_157 = tpu.memref_squeeze %dma_wait3A_156 : memref<1x640x128xf32, #tpu.memory_space<hbm>> -> memref<640x128xf32, #tpu.memory_space<hbm>>
      %dma_wait3A_158 = arith.constant 0 : i32
      %dma_wait3A_159 = tpu.memref_slice %arg5[%mul3A_147, %dma_wait3A_158] : memref<10240x128xf32, #tpu.memory_space<vmem_shared>> -> memref<640x128xf32, #tpu.memory_space<vmem_shared>>
      tpu.wait_dma2 semaphore(%run_scoped3A : memref<!tpu.dma_semaphore, #tpu.memory_space<semaphore_mem>>) src(%dma_wait3A_159 : memref<640x128xf32, #tpu.memory_space<vmem_shared>>) dst(%dma_wait3A_157 : memref<640x128xf32, #tpu.memory_space<hbm>>)
      tpu.yield
    }) : () -> ()
    return
  }
}

#map = affine_map<(d0, d1) -> (0, 0)>
#map1 = affine_map<(d0, d1) -> (0, 0, 0)>
module attributes {stable_mosaic.version = 14 : i64} {
  func.func @_agg_body(%arg0: i32, %arg1: i32, %arg2: memref<10240x128xf32, #tpu.memory_space<hbm>>, %arg3: memref<2x320000xi32, #tpu.memory_space<hbm>>, %arg4: memref<2x10240x128xf32, #tpu.memory_space<hbm>>, %arg5: memref<10240x128xf32, #tpu.memory_space<vmem_shared>>, %arg6: memref<128xi32, #tpu.memory_space<vmem>>, %arg7: memref<128xi32, #tpu.memory_space<vmem>>, %arg8: memref<128xi32, #tpu.memory_space<vmem>>, %arg9: memref<128xi32, #tpu.memory_space<vmem>>, %arg10: memref<128xi32, #tpu.memory_space<vmem>>, %arg11: memref<128xi32, #tpu.memory_space<vmem>>, %arg12: memref<128x128xf32, #tpu.memory_space<vmem>>, %arg13: memref<128x128xf32, #tpu.memory_space<vmem>>, %arg14: memref<!tpu.dma_semaphore, #tpu.memory_space<semaphore_mem>>, %arg15: memref<!tpu.dma_semaphore, #tpu.memory_space<semaphore_mem>>, %arg16: memref<!tpu.dma_semaphore, #tpu.memory_space<semaphore_mem>>, %arg17: memref<!tpu.dma_semaphore, #tpu.memory_space<semaphore_mem>>, %arg18: memref<!tpu.dma_semaphore, #tpu.memory_space<semaphore_mem>>, %arg19: memref<!tpu.dma_semaphore, #tpu.memory_space<semaphore_mem>>, %arg20: memref<!tpu.dma_semaphore, #tpu.memory_space<semaphore_mem>>, %arg21: memref<!tpu.dma_semaphore, #tpu.memory_space<semaphore_mem>>) attributes {dimension_semantics = [#tpu.dimension_semantics<core_parallel>, #tpu.dimension_semantics<subcore_parallel>], iteration_bounds = array<i64: 2, 16>, scalar_prefetch = 0 : i64, scratch_operands = 17 : i64, tpu.core_type = #tpu.core_type<sc_vector_subcore>, window_params = [{transform_indices = #map}, {transform_indices = #map}, {transform_indices = #map1}]} {
    %mul3A = arith.constant 16 : i32
    %mul3A_0 = arith.muli %arg0, %mul3A : i32
    %add3A = arith.addi %mul3A_0, %arg1 : i32
    %scan3A = arith.constant 0 : i32
    %scan3A_1 = arith.constant 0 : i32
    %scan3A_2 = arith.constant 1024 : i32
    %scan3A_3 = arith.addi %scan3A_1, %scan3A_2 : i32
    %scan3A_4 = arith.constant 1 : i32
    scf.for %scan3A_150 = %scan3A_1 to %scan3A_3 step %scan3A_4  : i32 {
      %broadcast_in_dim3A = arith.constant 0.000000e+00 : f32
      %broadcast_in_dim3A_151 = vector.broadcast %broadcast_in_dim3A : f32 to vector<16xf32>
      %jit3A_152 = arith.constant 8 : i32
      %div3A = arith.divsi %scan3A_150, %jit3A_152 : i32
      %sign3A = arith.constant 0 : i32
      %sign3A_153 = arith.cmpi sgt, %scan3A_150, %sign3A : i32
      %sign3A_154 = arith.extui %sign3A_153 : i1 to i32
      %sign3A_155 = arith.constant 0 : i32
      %sign3A_156 = arith.cmpi slt, %scan3A_150, %sign3A_155 : i32
      %sign3A_157 = arith.extui %sign3A_156 : i1 to i32
      %sign3A_158 = arith.subi %sign3A_154, %sign3A_157 : i32
      %sign3A_159 = arith.constant 0 : i32
      %sign3A_160 = arith.cmpi sgt, %jit3A_152, %sign3A_159 : i32
      %sign3A_161 = arith.extui %sign3A_160 : i1 to i32
      %sign3A_162 = arith.constant 0 : i32
      %sign3A_163 = arith.cmpi slt, %jit3A_152, %sign3A_162 : i32
      %sign3A_164 = arith.extui %sign3A_163 : i1 to i32
      %sign3A_165 = arith.subi %sign3A_161, %sign3A_164 : i32
      %ne3A = arith.cmpi ne, %sign3A_158, %sign3A_165 : i32
      %rem3A = arith.remsi %scan3A_150, %jit3A_152 : i32
      %ne3A_166 = arith.constant 0 : i32
      %ne3A_167 = arith.cmpi ne, %rem3A, %ne3A_166 : i32
      %and3A = arith.andi %ne3A, %ne3A_167 : i1
      %sub3A = arith.constant 1 : i32
      %sub3A_168 = arith.subi %div3A, %sub3A : i32
      %select_n3A_169 = arith.select %and3A, %sub3A_168, %div3A : i32
      %jit3A_170 = arith.constant 8 : i32
      %eq3A = arith.constant 0 : i32
      %eq3A_171 = arith.cmpi eq, %jit3A_170, %eq3A : i32
      %jit3A_172 = arith.constant 1 : i32
      %select_n3A_173 = arith.select %eq3A_171, %jit3A_172, %jit3A_170 : i32
      %rem3A_174 = arith.remsi %scan3A_150, %select_n3A_173 : i32
      %ne3A_175 = arith.constant 0 : i32
      %ne3A_176 = arith.cmpi ne, %rem3A_174, %ne3A_175 : i32
      %lt3A_177 = arith.constant 0 : i32
      %lt3A_178 = arith.cmpi slt, %rem3A_174, %lt3A_177 : i32
      %lt3A_179 = arith.constant 0 : i32
      %lt3A_180 = arith.cmpi slt, %select_n3A_173, %lt3A_179 : i32
      %ne3A_181 = arith.xori %lt3A_178, %lt3A_180 : i1
      %and3A_182 = arith.andi %ne3A_181, %ne3A_176 : i1
      %add3A_183 = arith.addi %rem3A_174, %select_n3A_173 : i32
      %select_n3A_184 = arith.select %and3A_182, %add3A_183, %rem3A_174 : i32
      %mul3A_185 = arith.constant 16 : i32
      %mul3A_186 = arith.muli %select_n3A_184, %mul3A_185 : i32
      %swap3A = arith.index_cast %select_n3A_169 : i32 to index
      %swap3A_187 = arith.index_cast %mul3A_186 : i32 to index
      %swap3A_188 = tpu.vector_load %arg12[%swap3A, %swap3A_187] {strides = array<i32>} : memref<128x128xf32, #tpu.memory_space<vmem>>, vector<1x16xf32>,
      %swap3A_189 = vector.shape_cast %swap3A_188 : vector<1x16xf32> to vector<16xf32>
      %swap3A_190 = vector.shape_cast %broadcast_in_dim3A_151 : vector<16xf32> to vector<1x16xf32>
      tpu.vector_store %arg12[%swap3A, %swap3A_187], %swap3A_190 {strides = array<i32>} : memref<128x128xf32, #tpu.memory_space<vmem>>, vector<1x16xf32>,
    }
    %scan3A_5 = arith.constant 1024 : i32
    %mul3A_6 = arith.constant 640 : i32
    %mul3A_7 = arith.muli %arg1, %mul3A_6 : i32
    %add3A_8 = arith.constant 0 : i32
    %add3A_9 = arith.addi %mul3A_7, %add3A_8 : i32
    %dma_start3A = arith.constant 0 : i32
    %dma_start3A_10 = tpu.memref_slice %arg5[%add3A_9, %dma_start3A] : memref<10240x128xf32, #tpu.memory_space<vmem_shared>> -> memref<128x128xf32, #tpu.memory_space<vmem_shared>>
    %dma_start3A_11 = arith.constant 0 : i32
    %dma_start3A_12 = tpu.memref_slice %arg5[%add3A_9, %dma_start3A_11] : memref<10240x128xf32, #tpu.memory_space<vmem_shared>> -> memref<128x128xf32, #tpu.memory_space<vmem_shared>>
    tpu.enqueue_dma source(%arg12 : memref<128x128xf32, #tpu.memory_space<vmem>>) target(%dma_start3A_12 : memref<128x128xf32, #tpu.memory_space<vmem_shared>>) target_semaphore(%arg18 : memref<!tpu.dma_semaphore, #tpu.memory_space<semaphore_mem>>)
    %mul3A_13 = arith.constant 640 : i32
    %mul3A_14 = arith.muli %arg1, %mul3A_13 : i32
    %add3A_15 = arith.constant 128 : i32
    %add3A_16 = arith.addi %mul3A_14, %add3A_15 : i32
    %dma_start3A_17 = arith.constant 0 : i32
    %dma_start3A_18 = tpu.memref_slice %arg5[%add3A_16, %dma_start3A_17] : memref<10240x128xf32, #tpu.memory_space<vmem_shared>> -> memref<128x128xf32, #tpu.memory_space<vmem_shared>>
    %dma_start3A_19 = arith.constant 0 : i32
    %dma_start3A_20 = tpu.memref_slice %arg5[%add3A_16, %dma_start3A_19] : memref<10240x128xf32, #tpu.memory_space<vmem_shared>> -> memref<128x128xf32, #tpu.memory_space<vmem_shared>>
    tpu.enqueue_dma source(%arg12 : memref<128x128xf32, #tpu.memory_space<vmem>>) target(%dma_start3A_20 : memref<128x128xf32, #tpu.memory_space<vmem_shared>>) target_semaphore(%arg18 : memref<!tpu.dma_semaphore, #tpu.memory_space<semaphore_mem>>)
    %mul3A_21 = arith.constant 640 : i32
    %mul3A_22 = arith.muli %arg1, %mul3A_21 : i32
    %add3A_23 = arith.constant 256 : i32
    %add3A_24 = arith.addi %mul3A_22, %add3A_23 : i32
    %dma_start3A_25 = arith.constant 0 : i32
    %dma_start3A_26 = tpu.memref_slice %arg5[%add3A_24, %dma_start3A_25] : memref<10240x128xf32, #tpu.memory_space<vmem_shared>> -> memref<128x128xf32, #tpu.memory_space<vmem_shared>>
    %dma_start3A_27 = arith.constant 0 : i32
    %dma_start3A_28 = tpu.memref_slice %arg5[%add3A_24, %dma_start3A_27] : memref<10240x128xf32, #tpu.memory_space<vmem_shared>> -> memref<128x128xf32, #tpu.memory_space<vmem_shared>>
    tpu.enqueue_dma source(%arg12 : memref<128x128xf32, #tpu.memory_space<vmem>>) target(%dma_start3A_28 : memref<128x128xf32, #tpu.memory_space<vmem_shared>>) target_semaphore(%arg18 : memref<!tpu.dma_semaphore, #tpu.memory_space<semaphore_mem>>)
    %mul3A_29 = arith.constant 640 : i32
    %mul3A_30 = arith.muli %arg1, %mul3A_29 : i32
    %add3A_31 = arith.constant 384 : i32
    %add3A_32 = arith.addi %mul3A_30, %add3A_31 : i32
    %dma_start3A_33 = arith.constant 0 : i32
    %dma_start3A_34 = tpu.memref_slice %arg5[%add3A_32, %dma_start3A_33] : memref<10240x128xf32, #tpu.memory_space<vmem_shared>> -> memref<128x128xf32, #tpu.memory_space<vmem_shared>>
    %dma_start3A_35 = arith.constant 0 : i32
    %dma_start3A_36 = tpu.memref_slice %arg5[%add3A_32, %dma_start3A_35] : memref<10240x128xf32, #tpu.memory_space<vmem_shared>> -> memref<128x128xf32, #tpu.memory_space<vmem_shared>>
    tpu.enqueue_dma source(%arg12 : memref<128x128xf32, #tpu.memory_space<vmem>>) target(%dma_start3A_36 : memref<128x128xf32, #tpu.memory_space<vmem_shared>>) target_semaphore(%arg18 : memref<!tpu.dma_semaphore, #tpu.memory_space<semaphore_mem>>)
    %mul3A_37 = arith.constant 640 : i32
    %mul3A_38 = arith.muli %arg1, %mul3A_37 : i32
    %add3A_39 = arith.constant 512 : i32
    %add3A_40 = arith.addi %mul3A_38, %add3A_39 : i32
    %dma_start3A_41 = arith.constant 0 : i32
    %dma_start3A_42 = tpu.memref_slice %arg5[%add3A_40, %dma_start3A_41] : memref<10240x128xf32, #tpu.memory_space<vmem_shared>> -> memref<128x128xf32, #tpu.memory_space<vmem_shared>>
    %dma_start3A_43 = arith.constant 0 : i32
    %dma_start3A_44 = tpu.memref_slice %arg5[%add3A_40, %dma_start3A_43] : memref<10240x128xf32, #tpu.memory_space<vmem_shared>> -> memref<128x128xf32, #tpu.memory_space<vmem_shared>>
    tpu.enqueue_dma source(%arg12 : memref<128x128xf32, #tpu.memory_space<vmem>>) target(%dma_start3A_44 : memref<128x128xf32, #tpu.memory_space<vmem_shared>>) target_semaphore(%arg18 : memref<!tpu.dma_semaphore, #tpu.memory_space<semaphore_mem>>)
    %lt3A = arith.constant 4 : i32
    %lt3A_45 = arith.cmpi slt, %add3A, %lt3A : i32
    %jit3A = arith.constant 1 : i32
    %jit3A_46 = arith.constant 0 : i32
    %select_n3A = arith.select %lt3A_45, %jit3A, %jit3A_46 : i32
    %add3A_47 = arith.constant 78 : i32
    %add3A_48 = arith.addi %add3A_47, %select_n3A : i32
    %add3A_49 = arith.constant 0 : i32
    %add3A_50 = arith.addi %add3A_49, %add3A : i32
    %mul3A_51 = arith.constant 128 : i32
    %mul3A_52 = arith.muli %add3A_50, %mul3A_51 : i32
    %dma_start3A_53 = arith.constant 0 : i32
    %dma_start3A_54 = tpu.memref_slice %arg3[%dma_start3A_53, %mul3A_52] : memref<2x320000xi32, #tpu.memory_space<hbm>> -> memref<1x128xi32, #tpu.memory_space<hbm>>
    %dma_start3A_55 = tpu.memref_squeeze %dma_start3A_54 : memref<1x128xi32, #tpu.memory_space<hbm>> -> memref<128xi32, #tpu.memory_space<hbm>>
    %dma_start3A_56 = tpu.memref_slice %arg3[%dma_start3A_53, %mul3A_52] : memref<2x320000xi32, #tpu.memory_space<hbm>> -> memref<1x128xi32, #tpu.memory_space<hbm>>
    %dma_start3A_57 = tpu.memref_squeeze %dma_start3A_56 : memref<1x128xi32, #tpu.memory_space<hbm>> -> memref<128xi32, #tpu.memory_space<hbm>>
    tpu.enqueue_dma source(%dma_start3A_57 : memref<128xi32, #tpu.memory_space<hbm>>) target(%arg6 : memref<128xi32, #tpu.memory_space<vmem>>) target_semaphore(%arg14 : memref<!tpu.dma_semaphore, #tpu.memory_space<semaphore_mem>>)
    %dma_start3A_58 = arith.constant 1 : i32
    %dma_start3A_59 = tpu.memref_slice %arg3[%dma_start3A_58, %mul3A_52] : memref<2x320000xi32, #tpu.memory_space<hbm>> -> memref<1x128xi32, #tpu.memory_space<hbm>>
    %dma_start3A_60 = tpu.memref_squeeze %dma_start3A_59 : memref<1x128xi32, #tpu.memory_space<hbm>> -> memref<128xi32, #tpu.memory_space<hbm>>
    %dma_start3A_61 = tpu.memref_slice %arg3[%dma_start3A_58, %mul3A_52] : memref<2x320000xi32, #tpu.memory_space<hbm>> -> memref<1x128xi32, #tpu.memory_space<hbm>>
    %dma_start3A_62 = tpu.memref_squeeze %dma_start3A_61 : memref<1x128xi32, #tpu.memory_space<hbm>> -> memref<128xi32, #tpu.memory_space<hbm>>
    tpu.enqueue_dma source(%dma_start3A_62 : memref<128xi32, #tpu.memory_space<hbm>>) target(%arg8 : memref<128xi32, #tpu.memory_space<vmem>>) target_semaphore(%arg16 : memref<!tpu.dma_semaphore, #tpu.memory_space<semaphore_mem>>)
    %add3A_63 = arith.constant 32 : i32
    %add3A_64 = arith.addi %add3A_63, %add3A : i32
    %mul3A_65 = arith.constant 128 : i32
    %mul3A_66 = arith.muli %add3A_64, %mul3A_65 : i32
    %dma_start3A_67 = arith.constant 0 : i32
    %dma_start3A_68 = tpu.memref_slice %arg3[%dma_start3A_67, %mul3A_66] : memref<2x320000xi32, #tpu.memory_space<hbm>> -> memref<1x128xi32, #tpu.memory_space<hbm>>
    %dma_start3A_69 = tpu.memref_squeeze %dma_start3A_68 : memref<1x128xi32, #tpu.memory_space<hbm>> -> memref<128xi32, #tpu.memory_space<hbm>>
    %dma_start3A_70 = tpu.memref_slice %arg3[%dma_start3A_67, %mul3A_66] : memref<2x320000xi32, #tpu.memory_space<hbm>> -> memref<1x128xi32, #tpu.memory_space<hbm>>
    %dma_start3A_71 = tpu.memref_squeeze %dma_start3A_70 : memref<1x128xi32, #tpu.memory_space<hbm>> -> memref<128xi32, #tpu.memory_space<hbm>>
    tpu.enqueue_dma source(%dma_start3A_71 : memref<128xi32, #tpu.memory_space<hbm>>) target(%arg7 : memref<128xi32, #tpu.memory_space<vmem>>) target_semaphore(%arg15 : memref<!tpu.dma_semaphore, #tpu.memory_space<semaphore_mem>>)
    %dma_start3A_72 = arith.constant 1 : i32
    %dma_start3A_73 = tpu.memref_slice %arg3[%dma_start3A_72, %mul3A_66] : memref<2x320000xi32, #tpu.memory_space<hbm>> -> memref<1x128xi32, #tpu.memory_space<hbm>>
    %dma_start3A_74 = tpu.memref_squeeze %dma_start3A_73 : memref<1x128xi32, #tpu.memory_space<hbm>> -> memref<128xi32, #tpu.memory_space<hbm>>
    %dma_start3A_75 = tpu.memref_slice %arg3[%dma_start3A_72, %mul3A_66] : memref<2x320000xi32, #tpu.memory_space<hbm>> -> memref<1x128xi32, #tpu.memory_space<hbm>>
    %dma_start3A_76 = tpu.memref_squeeze %dma_start3A_75 : memref<1x128xi32, #tpu.memory_space<hbm>> -> memref<128xi32, #tpu.memory_space<hbm>>
    tpu.enqueue_dma source(%dma_start3A_76 : memref<128xi32, #tpu.memory_space<hbm>>) target(%arg9 : memref<128xi32, #tpu.memory_space<vmem>>) target_semaphore(%arg17 : memref<!tpu.dma_semaphore, #tpu.memory_space<semaphore_mem>>)
    %mul3A_77 = arith.constant 640 : i32
    %mul3A_78 = arith.muli %arg1, %mul3A_77 : i32
    %add3A_79 = arith.constant 0 : i32
    %add3A_80 = arith.addi %mul3A_78, %add3A_79 : i32
    %dma_wait3A = arith.constant 0 : i32
    %dma_wait3A_81 = tpu.memref_slice %arg5[%add3A_80, %dma_wait3A] : memref<10240x128xf32, #tpu.memory_space<vmem_shared>> -> memref<128x128xf32, #tpu.memory_space<vmem_shared>>
    %dma_wait3A_82 = arith.constant 0 : i32
    %dma_wait3A_83 = tpu.memref_slice %arg5[%add3A_80, %dma_wait3A_82] : memref<10240x128xf32, #tpu.memory_space<vmem_shared>> -> memref<128x128xf32, #tpu.memory_space<vmem_shared>>
    tpu.wait_dma2 semaphore(%arg18 : memref<!tpu.dma_semaphore, #tpu.memory_space<semaphore_mem>>) src(%arg12 : memref<128x128xf32, #tpu.memory_space<vmem>>) dst(%dma_wait3A_83 : memref<128x128xf32, #tpu.memory_space<vmem_shared>>)
    %mul3A_84 = arith.constant 640 : i32
    %mul3A_85 = arith.muli %arg1, %mul3A_84 : i32
    %add3A_86 = arith.constant 128 : i32
    %add3A_87 = arith.addi %mul3A_85, %add3A_86 : i32
    %dma_wait3A_88 = arith.constant 0 : i32
    %dma_wait3A_89 = tpu.memref_slice %arg5[%add3A_87, %dma_wait3A_88] : memref<10240x128xf32, #tpu.memory_space<vmem_shared>> -> memref<128x128xf32, #tpu.memory_space<vmem_shared>>
    %dma_wait3A_90 = arith.constant 0 : i32
    %dma_wait3A_91 = tpu.memref_slice %arg5[%add3A_87, %dma_wait3A_90] : memref<10240x128xf32, #tpu.memory_space<vmem_shared>> -> memref<128x128xf32, #tpu.memory_space<vmem_shared>>
    tpu.wait_dma2 semaphore(%arg18 : memref<!tpu.dma_semaphore, #tpu.memory_space<semaphore_mem>>) src(%arg12 : memref<128x128xf32, #tpu.memory_space<vmem>>) dst(%dma_wait3A_91 : memref<128x128xf32, #tpu.memory_space<vmem_shared>>)
    %mul3A_92 = arith.constant 640 : i32
    %mul3A_93 = arith.muli %arg1, %mul3A_92 : i32
    %add3A_94 = arith.constant 256 : i32
    %add3A_95 = arith.addi %mul3A_93, %add3A_94 : i32
    %dma_wait3A_96 = arith.constant 0 : i32
    %dma_wait3A_97 = tpu.memref_slice %arg5[%add3A_95, %dma_wait3A_96] : memref<10240x128xf32, #tpu.memory_space<vmem_shared>> -> memref<128x128xf32, #tpu.memory_space<vmem_shared>>
    %dma_wait3A_98 = arith.constant 0 : i32
    %dma_wait3A_99 = tpu.memref_slice %arg5[%add3A_95, %dma_wait3A_98] : memref<10240x128xf32, #tpu.memory_space<vmem_shared>> -> memref<128x128xf32, #tpu.memory_space<vmem_shared>>
    tpu.wait_dma2 semaphore(%arg18 : memref<!tpu.dma_semaphore, #tpu.memory_space<semaphore_mem>>) src(%arg12 : memref<128x128xf32, #tpu.memory_space<vmem>>) dst(%dma_wait3A_99 : memref<128x128xf32, #tpu.memory_space<vmem_shared>>)
    %mul3A_100 = arith.constant 640 : i32
    %mul3A_101 = arith.muli %arg1, %mul3A_100 : i32
    %add3A_102 = arith.constant 384 : i32
    %add3A_103 = arith.addi %mul3A_101, %add3A_102 : i32
    %dma_wait3A_104 = arith.constant 0 : i32
    %dma_wait3A_105 = tpu.memref_slice %arg5[%add3A_103, %dma_wait3A_104] : memref<10240x128xf32, #tpu.memory_space<vmem_shared>> -> memref<128x128xf32, #tpu.memory_space<vmem_shared>>
    %dma_wait3A_106 = arith.constant 0 : i32
    %dma_wait3A_107 = tpu.memref_slice %arg5[%add3A_103, %dma_wait3A_106] : memref<10240x128xf32, #tpu.memory_space<vmem_shared>> -> memref<128x128xf32, #tpu.memory_space<vmem_shared>>
    tpu.wait_dma2 semaphore(%arg18 : memref<!tpu.dma_semaphore, #tpu.memory_space<semaphore_mem>>) src(%arg12 : memref<128x128xf32, #tpu.memory_space<vmem>>) dst(%dma_wait3A_107 : memref<128x128xf32, #tpu.memory_space<vmem_shared>>)
    %mul3A_108 = arith.constant 640 : i32
    %mul3A_109 = arith.muli %arg1, %mul3A_108 : i32
    %add3A_110 = arith.constant 512 : i32
    %add3A_111 = arith.addi %mul3A_109, %add3A_110 : i32
    %dma_wait3A_112 = arith.constant 0 : i32
    %dma_wait3A_113 = tpu.memref_slice %arg5[%add3A_111, %dma_wait3A_112] : memref<10240x128xf32, #tpu.memory_space<vmem_shared>> -> memref<128x128xf32, #tpu.memory_space<vmem_shared>>
    %dma_wait3A_114 = arith.constant 0 : i32
    %dma_wait3A_115 = tpu.memref_slice %arg5[%add3A_111, %dma_wait3A_114] : memref<10240x128xf32, #tpu.memory_space<vmem_shared>> -> memref<128x128xf32, #tpu.memory_space<vmem_shared>>
    tpu.wait_dma2 semaphore(%arg18 : memref<!tpu.dma_semaphore, #tpu.memory_space<semaphore_mem>>) src(%arg12 : memref<128x128xf32, #tpu.memory_space<vmem>>) dst(%dma_wait3A_115 : memref<128x128xf32, #tpu.memory_space<vmem_shared>>)
    %barrier3A = arith.constant 0 : index
    tpu.barrier barrier_id(%barrier3A)
    %dma_wait3A_116 = arith.constant 0 : i32
    %dma_wait3A_117 = arith.constant 0 : i32
    %dma_wait3A_118 = tpu.memref_slice %arg3[%dma_wait3A_116, %dma_wait3A_117] : memref<2x320000xi32, #tpu.memory_space<hbm>> -> memref<1x128xi32, #tpu.memory_space<hbm>>
    %dma_wait3A_119 = tpu.memref_squeeze %dma_wait3A_118 : memref<1x128xi32, #tpu.memory_space<hbm>> -> memref<128xi32, #tpu.memory_space<hbm>>
    %dma_wait3A_120 = arith.constant 0 : i32
    %dma_wait3A_121 = tpu.memref_slice %arg3[%dma_wait3A_116, %dma_wait3A_120] : memref<2x320000xi32, #tpu.memory_space<hbm>> -> memref<1x128xi32, #tpu.memory_space<hbm>>
    %dma_wait3A_122 = tpu.memref_squeeze %dma_wait3A_121 : memref<1x128xi32, #tpu.memory_space<hbm>> -> memref<128xi32, #tpu.memory_space<hbm>>
    tpu.wait_dma2 semaphore(%arg14 : memref<!tpu.dma_semaphore, #tpu.memory_space<semaphore_mem>>) src(%dma_wait3A_122 : memref<128xi32, #tpu.memory_space<hbm>>) dst(%arg6 : memref<128xi32, #tpu.memory_space<vmem>>)
    %dma_wait3A_123 = arith.constant 1 : i32
    %dma_wait3A_124 = arith.constant 0 : i32
    %dma_wait3A_125 = tpu.memref_slice %arg3[%dma_wait3A_123, %dma_wait3A_124] : memref<2x320000xi32, #tpu.memory_space<hbm>> -> memref<1x128xi32, #tpu.memory_space<hbm>>
    %dma_wait3A_126 = tpu.memref_squeeze %dma_wait3A_125 : memref<1x128xi32, #tpu.memory_space<hbm>> -> memref<128xi32, #tpu.memory_space<hbm>>
    %dma_wait3A_127 = arith.constant 0 : i32
    %dma_wait3A_128 = tpu.memref_slice %arg3[%dma_wait3A_123, %dma_wait3A_127] : memref<2x320000xi32, #tpu.memory_space<hbm>> -> memref<1x128xi32, #tpu.memory_space<hbm>>
    %dma_wait3A_129 = tpu.memref_squeeze %dma_wait3A_128 : memref<1x128xi32, #tpu.memory_space<hbm>> -> memref<128xi32, #tpu.memory_space<hbm>>
    tpu.wait_dma2 semaphore(%arg16 : memref<!tpu.dma_semaphore, #tpu.memory_space<semaphore_mem>>) src(%dma_wait3A_129 : memref<128xi32, #tpu.memory_space<hbm>>) dst(%arg8 : memref<128xi32, #tpu.memory_space<vmem>>)
    %dma_start3A_130 = arith.constant 0 : i32
    %dma_start3A_131 = arith.constant 0 : i32
    %dma_start3A_132 = tpu.memref_slice %arg2[%dma_start3A_130, %dma_start3A_131] : memref<10240x128xf32, #tpu.memory_space<hbm>> -> memref<10240x128xf32, #tpu.memory_space<hbm>>
    tpu.enqueue_indirect_dma source(%dma_start3A_132 : memref<10240x128xf32, #tpu.memory_space<hbm>>) target(%arg12 : memref<128x128xf32, #tpu.memory_space<vmem>>) offsets(%arg6 : memref<128xi32, #tpu.memory_space<vmem>>) semaphore(%arg18 : memref<!tpu.dma_semaphore, #tpu.memory_space<semaphore_mem>>)
    %scan3A_133 = arith.constant 0 : i32
    %scan3A_134 = arith.constant 0 : i32
    %scan3A_135 = arith.constant 39 : i32
    %scan3A_136 = arith.addi %scan3A_134, %scan3A_135 : i32
    %scan3A_137 = arith.constant 1 : i32
    scf.for %scan3A_150 = %scan3A_134 to %scan3A_136 step %scan3A_137  : i32 {
      %mul3A_151 = arith.constant 2 : i32
      %mul3A_152 = arith.muli %mul3A_151, %scan3A_150 : i32
      %dma_wait3A_153 = arith.constant 0 : i32
      %dma_wait3A_154 = arith.constant 0 : i32
      %dma_wait3A_155 = tpu.memref_slice %arg2[%dma_wait3A_153, %dma_wait3A_154] : memref<10240x128xf32, #tpu.memory_space<hbm>> -> memref<10240x128xf32, #tpu.memory_space<hbm>>
      tpu.wait_indirect_dma semaphore(%arg18 : memref<!tpu.dma_semaphore, #tpu.memory_space<semaphore_mem>>) src(%dma_wait3A_155 : memref<10240x128xf32, #tpu.memory_space<hbm>>) dst(%arg12 : memref<128x128xf32, #tpu.memory_space<vmem>>)
      %gt3A = arith.constant 0 : i32
      %gt3A_156 = arith.cmpi sgt, %scan3A_150, %gt3A : i32
      %convert_element_type3A_157 = arith.extui %gt3A_156 : i1 to i32
      %cond3A_158 = arith.constant 0 : i32
      %cond3A_159 = arith.cmpi ne, %convert_element_type3A_157, %cond3A_158 : i32
      scf.if %cond3A_159 {
        %dma_wait3A_317 = arith.constant 0 : i32
        %dma_wait3A_318 = arith.constant 0 : i32
        %dma_wait3A_319 = tpu.memref_slice %arg5[%dma_wait3A_317, %dma_wait3A_318] : memref<10240x128xf32, #tpu.memory_space<vmem_shared>> -> memref<10240x128xf32, #tpu.memory_space<vmem_shared>>
        tpu.wait_indirect_dma semaphore(%arg21 : memref<!tpu.dma_semaphore, #tpu.memory_space<semaphore_mem>>) src(%arg13 : memref<128x128xf32, #tpu.memory_space<vmem>>) dst(%dma_wait3A_319 : memref<10240x128xf32, #tpu.memory_space<vmem_shared>>)
      } else {
      }
      %dma_wait3A_160 = arith.constant 0 : i32
      %dma_wait3A_161 = arith.constant 0 : i32
      %dma_wait3A_162 = tpu.memref_slice %arg3[%dma_wait3A_160, %dma_wait3A_161] : memref<2x320000xi32, #tpu.memory_space<hbm>> -> memref<1x128xi32, #tpu.memory_space<hbm>>
      %dma_wait3A_163 = tpu.memref_squeeze %dma_wait3A_162 : memref<1x128xi32, #tpu.memory_space<hbm>> -> memref<128xi32, #tpu.memory_space<hbm>>
      %dma_wait3A_164 = arith.constant 0 : i32
      %dma_wait3A_165 = tpu.memref_slice %arg3[%dma_wait3A_160, %dma_wait3A_164] : memref<2x320000xi32, #tpu.memory_space<hbm>> -> memref<1x128xi32, #tpu.memory_space<hbm>>
      %dma_wait3A_166 = tpu.memref_squeeze %dma_wait3A_165 : memref<1x128xi32, #tpu.memory_space<hbm>> -> memref<128xi32, #tpu.memory_space<hbm>>
      tpu.wait_dma2 semaphore(%arg15 : memref<!tpu.dma_semaphore, #tpu.memory_space<semaphore_mem>>) src(%dma_wait3A_166 : memref<128xi32, #tpu.memory_space<hbm>>) dst(%arg7 : memref<128xi32, #tpu.memory_space<vmem>>)
      %dma_wait3A_167 = arith.constant 1 : i32
      %dma_wait3A_168 = arith.constant 0 : i32
      %dma_wait3A_169 = tpu.memref_slice %arg3[%dma_wait3A_167, %dma_wait3A_168] : memref<2x320000xi32, #tpu.memory_space<hbm>> -> memref<1x128xi32, #tpu.memory_space<hbm>>
      %dma_wait3A_170 = tpu.memref_squeeze %dma_wait3A_169 : memref<1x128xi32, #tpu.memory_space<hbm>> -> memref<128xi32, #tpu.memory_space<hbm>>
      %dma_wait3A_171 = arith.constant 0 : i32
      %dma_wait3A_172 = tpu.memref_slice %arg3[%dma_wait3A_167, %dma_wait3A_171] : memref<2x320000xi32, #tpu.memory_space<hbm>> -> memref<1x128xi32, #tpu.memory_space<hbm>>
      %dma_wait3A_173 = tpu.memref_squeeze %dma_wait3A_172 : memref<1x128xi32, #tpu.memory_space<hbm>> -> memref<128xi32, #tpu.memory_space<hbm>>
      tpu.wait_dma2 semaphore(%arg17 : memref<!tpu.dma_semaphore, #tpu.memory_space<semaphore_mem>>) src(%dma_wait3A_173 : memref<128xi32, #tpu.memory_space<hbm>>) dst(%arg9 : memref<128xi32, #tpu.memory_space<vmem>>)
      %dma_start3A_174 = arith.constant 0 : i32
      %dma_start3A_175 = arith.constant 0 : i32
      %dma_start3A_176 = tpu.memref_slice %arg2[%dma_start3A_174, %dma_start3A_175] : memref<10240x128xf32, #tpu.memory_space<hbm>> -> memref<10240x128xf32, #tpu.memory_space<hbm>>
      tpu.enqueue_indirect_dma source(%dma_start3A_176 : memref<10240x128xf32, #tpu.memory_space<hbm>>) target(%arg13 : memref<128x128xf32, #tpu.memory_space<vmem>>) offsets(%arg7 : memref<128xi32, #tpu.memory_space<vmem>>) semaphore(%arg19 : memref<!tpu.dma_semaphore, #tpu.memory_space<semaphore_mem>>)
      %get3A = arith.constant 0 : index
      %get3A_177 = tpu.vector_load %arg8[%get3A] {strides = array<i32>} : memref<128xi32, #tpu.memory_space<vmem>>, vector<16xi32>,
      %get3A_178 = vector.shape_cast %get3A_177 : vector<16xi32> to vector<16xi32>
      %swap3A = arith.constant 0 : index
      %swap3A_179 = tpu.vector_load %arg10[%swap3A] {strides = array<i32>} : memref<128xi32, #tpu.memory_space<vmem>>, vector<16xi32>,
      %swap3A_180 = vector.shape_cast %swap3A_179 : vector<16xi32> to vector<16xi32>
      %swap3A_181 = vector.shape_cast %get3A_178 : vector<16xi32> to vector<16xi32>
      tpu.vector_store %arg10[%swap3A], %swap3A_181 {strides = array<i32>} : memref<128xi32, #tpu.memory_space<vmem>>, vector<16xi32>,
      %get3A_182 = arith.constant 16 : index
      %get3A_183 = tpu.vector_load %arg8[%get3A_182] {strides = array<i32>} : memref<128xi32, #tpu.memory_space<vmem>>, vector<16xi32>,
      %get3A_184 = vector.shape_cast %get3A_183 : vector<16xi32> to vector<16xi32>
      %swap3A_185 = arith.constant 16 : index
      %swap3A_186 = tpu.vector_load %arg10[%swap3A_185] {strides = array<i32>} : memref<128xi32, #tpu.memory_space<vmem>>, vector<16xi32>,
      %swap3A_187 = vector.shape_cast %swap3A_186 : vector<16xi32> to vector<16xi32>
      %swap3A_188 = vector.shape_cast %get3A_184 : vector<16xi32> to vector<16xi32>
      tpu.vector_store %arg10[%swap3A_185], %swap3A_188 {strides = array<i32>} : memref<128xi32, #tpu.memory_space<vmem>>, vector<16xi32>,
      %get3A_189 = arith.constant 32 : index
      %get3A_190 = tpu.vector_load %arg8[%get3A_189] {strides = array<i32>} : memref<128xi32, #tpu.memory_space<vmem>>, vector<16xi32>,
      %get3A_191 = vector.shape_cast %get3A_190 : vector<16xi32> to vector<16xi32>
      %swap3A_192 = arith.constant 32 : index
      %swap3A_193 = tpu.vector_load %arg10[%swap3A_192] {strides = array<i32>} : memref<128xi32, #tpu.memory_space<vmem>>, vector<16xi32>,
      %swap3A_194 = vector.shape_cast %swap3A_193 : vector<16xi32> to vector<16xi32>
      %swap3A_195 = vector.shape_cast %get3A_191 : vector<16xi32> to vector<16xi32>
      tpu.vector_store %arg10[%swap3A_192], %swap3A_195 {strides = array<i32>} : memref<128xi32, #tpu.memory_space<vmem>>, vector<16xi32>,
      %get3A_196 = arith.constant 48 : index
      %get3A_197 = tpu.vector_load %arg8[%get3A_196] {strides = array<i32>} : memref<128xi32, #tpu.memory_space<vmem>>, vector<16xi32>,
      %get3A_198 = vector.shape_cast %get3A_197 : vector<16xi32> to vector<16xi32>
      %swap3A_199 = arith.constant 48 : index
      %swap3A_200 = tpu.vector_load %arg10[%swap3A_199] {strides = array<i32>} : memref<128xi32, #tpu.memory_space<vmem>>, vector<16xi32>,
      %swap3A_201 = vector.shape_cast %swap3A_200 : vector<16xi32> to vector<16xi32>
      %swap3A_202 = vector.shape_cast %get3A_198 : vector<16xi32> to vector<16xi32>
      tpu.vector_store %arg10[%swap3A_199], %swap3A_202 {strides = array<i32>} : memref<128xi32, #tpu.memory_space<vmem>>, vector<16xi32>,
      %get3A_203 = arith.constant 64 : index
      %get3A_204 = tpu.vector_load %arg8[%get3A_203] {strides = array<i32>} : memref<128xi32, #tpu.memory_space<vmem>>, vector<16xi32>,
      %get3A_205 = vector.shape_cast %get3A_204 : vector<16xi32> to vector<16xi32>
      %swap3A_206 = arith.constant 64 : index
      %swap3A_207 = tpu.vector_load %arg10[%swap3A_206] {strides = array<i32>} : memref<128xi32, #tpu.memory_space<vmem>>, vector<16xi32>,
      %swap3A_208 = vector.shape_cast %swap3A_207 : vector<16xi32> to vector<16xi32>
      %swap3A_209 = vector.shape_cast %get3A_205 : vector<16xi32> to vector<16xi32>
      tpu.vector_store %arg10[%swap3A_206], %swap3A_209 {strides = array<i32>} : memref<128xi32, #tpu.memory_space<vmem>>, vector<16xi32>,
      %get3A_210 = arith.constant 80 : index
      %get3A_211 = tpu.vector_load %arg8[%get3A_210] {strides = array<i32>} : memref<128xi32, #tpu.memory_space<vmem>>, vector<16xi32>,
      %get3A_212 = vector.shape_cast %get3A_211 : vector<16xi32> to vector<16xi32>
      %swap3A_213 = arith.constant 80 : index
      %swap3A_214 = tpu.vector_load %arg10[%swap3A_213] {strides = array<i32>} : memref<128xi32, #tpu.memory_space<vmem>>, vector<16xi32>,
      %swap3A_215 = vector.shape_cast %swap3A_214 : vector<16xi32> to vector<16xi32>
      %swap3A_216 = vector.shape_cast %get3A_212 : vector<16xi32> to vector<16xi32>
      tpu.vector_store %arg10[%swap3A_213], %swap3A_216 {strides = array<i32>} : memref<128xi32, #tpu.memory_space<vmem>>, vector<16xi32>,
      %get3A_217 = arith.constant 96 : index
      %get3A_218 = tpu.vector_load %arg8[%get3A_217] {strides = array<i32>} : memref<128xi32, #tpu.memory_space<vmem>>, vector<16xi32>,
      %get3A_219 = vector.shape_cast %get3A_218 : vector<16xi32> to vector<16xi32>
      %swap3A_220 = arith.constant 96 : index
      %swap3A_221 = tpu.vector_load %arg10[%swap3A_220] {strides = array<i32>} : memref<128xi32, #tpu.memory_space<vmem>>, vector<16xi32>,
      %swap3A_222 = vector.shape_cast %swap3A_221 : vector<16xi32> to vector<16xi32>
      %swap3A_223 = vector.shape_cast %get3A_219 : vector<16xi32> to vector<16xi32>
      tpu.vector_store %arg10[%swap3A_220], %swap3A_223 {strides = array<i32>} : memref<128xi32, #tpu.memory_space<vmem>>, vector<16xi32>,
      %get3A_224 = arith.constant 112 : index
      %get3A_225 = tpu.vector_load %arg8[%get3A_224] {strides = array<i32>} : memref<128xi32, #tpu.memory_space<vmem>>, vector<16xi32>,
      %get3A_226 = vector.shape_cast %get3A_225 : vector<16xi32> to vector<16xi32>
      %swap3A_227 = arith.constant 112 : index
      %swap3A_228 = tpu.vector_load %arg10[%swap3A_227] {strides = array<i32>} : memref<128xi32, #tpu.memory_space<vmem>>, vector<16xi32>,
      %swap3A_229 = vector.shape_cast %swap3A_228 : vector<16xi32> to vector<16xi32>
      %swap3A_230 = vector.shape_cast %get3A_226 : vector<16xi32> to vector<16xi32>
      tpu.vector_store %arg10[%swap3A_227], %swap3A_230 {strides = array<i32>} : memref<128xi32, #tpu.memory_space<vmem>>, vector<16xi32>,
      %dma_start3A_231 = arith.constant 0 : i32
      %dma_start3A_232 = arith.constant 0 : i32
      %dma_start3A_233 = tpu.memref_slice %arg5[%dma_start3A_231, %dma_start3A_232] : memref<10240x128xf32, #tpu.memory_space<vmem_shared>> -> memref<10240x128xf32, #tpu.memory_space<vmem_shared>>
      tpu.enqueue_indirect_dma source(%arg12 : memref<128x128xf32, #tpu.memory_space<vmem>>) target(%dma_start3A_233 : memref<10240x128xf32, #tpu.memory_space<vmem_shared>>) offsets(%arg10 : memref<128xi32, #tpu.memory_space<vmem>>) semaphore(%arg20 : memref<!tpu.dma_semaphore, #tpu.memory_space<semaphore_mem>>) {add = true}
      %add3A_234 = arith.constant 2 : i32
      %add3A_235 = arith.addi %mul3A_152, %add3A_234 : i32
      %lt3A_236 = arith.cmpi slt, %add3A_235, %add3A_48 : i32
      %convert_element_type3A_237 = arith.extui %lt3A_236 : i1 to i32
      %cond3A_238 = arith.constant 0 : i32
      %cond3A_239 = arith.cmpi ne, %convert_element_type3A_237, %cond3A_238 : i32
      scf.if %cond3A_239 {
        %add3A_317 = arith.constant 2 : i32
        %add3A_318 = arith.addi %mul3A_152, %add3A_317 : i32
        %mul3A_319 = arith.constant 32 : i32
        %mul3A_320 = arith.muli %add3A_318, %mul3A_319 : i32
        %add3A_321 = arith.addi %mul3A_320, %add3A : i32
        %mul3A_322 = arith.constant 128 : i32
        %mul3A_323 = arith.muli %add3A_321, %mul3A_322 : i32
        %dma_start3A_324 = arith.constant 0 : i32
        %dma_start3A_325 = tpu.memref_slice %arg3[%dma_start3A_324, %mul3A_323] : memref<2x320000xi32, #tpu.memory_space<hbm>> -> memref<1x128xi32, #tpu.memory_space<hbm>>
        %dma_start3A_326 = tpu.memref_squeeze %dma_start3A_325 : memref<1x128xi32, #tpu.memory_space<hbm>> -> memref<128xi32, #tpu.memory_space<hbm>>
        %dma_start3A_327 = tpu.memref_slice %arg3[%dma_start3A_324, %mul3A_323] : memref<2x320000xi32, #tpu.memory_space<hbm>> -> memref<1x128xi32, #tpu.memory_space<hbm>>
        %dma_start3A_328 = tpu.memref_squeeze %dma_start3A_327 : memref<1x128xi32, #tpu.memory_space<hbm>> -> memref<128xi32, #tpu.memory_space<hbm>>
        tpu.enqueue_dma source(%dma_start3A_328 : memref<128xi32, #tpu.memory_space<hbm>>) target(%arg6 : memref<128xi32, #tpu.memory_space<vmem>>) target_semaphore(%arg14 : memref<!tpu.dma_semaphore, #tpu.memory_space<semaphore_mem>>)
        %dma_start3A_329 = arith.constant 1 : i32
        %dma_start3A_330 = tpu.memref_slice %arg3[%dma_start3A_329, %mul3A_323] : memref<2x320000xi32, #tpu.memory_space<hbm>> -> memref<1x128xi32, #tpu.memory_space<hbm>>
        %dma_start3A_331 = tpu.memref_squeeze %dma_start3A_330 : memref<1x128xi32, #tpu.memory_space<hbm>> -> memref<128xi32, #tpu.memory_space<hbm>>
        %dma_start3A_332 = tpu.memref_slice %arg3[%dma_start3A_329, %mul3A_323] : memref<2x320000xi32, #tpu.memory_space<hbm>> -> memref<1x128xi32, #tpu.memory_space<hbm>>
        %dma_start3A_333 = tpu.memref_squeeze %dma_start3A_332 : memref<1x128xi32, #tpu.memory_space<hbm>> -> memref<128xi32, #tpu.memory_space<hbm>>
        tpu.enqueue_dma source(%dma_start3A_333 : memref<128xi32, #tpu.memory_space<hbm>>) target(%arg8 : memref<128xi32, #tpu.memory_space<vmem>>) target_semaphore(%arg16 : memref<!tpu.dma_semaphore, #tpu.memory_space<semaphore_mem>>)
      } else {
      }
      %dma_wait3A_240 = arith.constant 0 : i32
      %dma_wait3A_241 = arith.constant 0 : i32
      %dma_wait3A_242 = tpu.memref_slice %arg2[%dma_wait3A_240, %dma_wait3A_241] : memref<10240x128xf32, #tpu.memory_space<hbm>> -> memref<10240x128xf32, #tpu.memory_space<hbm>>
      tpu.wait_indirect_dma semaphore(%arg19 : memref<!tpu.dma_semaphore, #tpu.memory_space<semaphore_mem>>) src(%dma_wait3A_242 : memref<10240x128xf32, #tpu.memory_space<hbm>>) dst(%arg13 : memref<128x128xf32, #tpu.memory_space<vmem>>)
      %dma_wait3A_243 = arith.constant 0 : i32
      %dma_wait3A_244 = arith.constant 0 : i32
      %dma_wait3A_245 = tpu.memref_slice %arg5[%dma_wait3A_243, %dma_wait3A_244] : memref<10240x128xf32, #tpu.memory_space<vmem_shared>> -> memref<10240x128xf32, #tpu.memory_space<vmem_shared>>
      tpu.wait_indirect_dma semaphore(%arg20 : memref<!tpu.dma_semaphore, #tpu.memory_space<semaphore_mem>>) src(%arg12 : memref<128x128xf32, #tpu.memory_space<vmem>>) dst(%dma_wait3A_245 : memref<10240x128xf32, #tpu.memory_space<vmem_shared>>)
      %add3A_246 = arith.constant 2 : i32
      %add3A_247 = arith.addi %mul3A_152, %add3A_246 : i32
      %lt3A_248 = arith.cmpi slt, %add3A_247, %add3A_48 : i32
      %convert_element_type3A_249 = arith.extui %lt3A_248 : i1 to i32
      %cond3A_250 = arith.constant 0 : i32
      %cond3A_251 = arith.cmpi ne, %convert_element_type3A_249, %cond3A_250 : i32
      scf.if %cond3A_251 {
        %dma_wait3A_317 = arith.constant 0 : i32
        %dma_wait3A_318 = arith.constant 0 : i32
        %dma_wait3A_319 = tpu.memref_slice %arg3[%dma_wait3A_317, %dma_wait3A_318] : memref<2x320000xi32, #tpu.memory_space<hbm>> -> memref<1x128xi32, #tpu.memory_space<hbm>>
        %dma_wait3A_320 = tpu.memref_squeeze %dma_wait3A_319 : memref<1x128xi32, #tpu.memory_space<hbm>> -> memref<128xi32, #tpu.memory_space<hbm>>
        %dma_wait3A_321 = arith.constant 0 : i32
        %dma_wait3A_322 = tpu.memref_slice %arg3[%dma_wait3A_317, %dma_wait3A_321] : memref<2x320000xi32, #tpu.memory_space<hbm>> -> memref<1x128xi32, #tpu.memory_space<hbm>>
        %dma_wait3A_323 = tpu.memref_squeeze %dma_wait3A_322 : memref<1x128xi32, #tpu.memory_space<hbm>> -> memref<128xi32, #tpu.memory_space<hbm>>
        tpu.wait_dma2 semaphore(%arg14 : memref<!tpu.dma_semaphore, #tpu.memory_space<semaphore_mem>>) src(%dma_wait3A_323 : memref<128xi32, #tpu.memory_space<hbm>>) dst(%arg6 : memref<128xi32, #tpu.memory_space<vmem>>)
        %dma_wait3A_324 = arith.constant 1 : i32
        %dma_wait3A_325 = arith.constant 0 : i32
        %dma_wait3A_326 = tpu.memref_slice %arg3[%dma_wait3A_324, %dma_wait3A_325] : memref<2x320000xi32, #tpu.memory_space<hbm>> -> memref<1x128xi32, #tpu.memory_space<hbm>>
        %dma_wait3A_327 = tpu.memref_squeeze %dma_wait3A_326 : memref<1x128xi32, #tpu.memory_space<hbm>> -> memref<128xi32, #tpu.memory_space<hbm>>
        %dma_wait3A_328 = arith.constant 0 : i32
        %dma_wait3A_329 = tpu.memref_slice %arg3[%dma_wait3A_324, %dma_wait3A_328] : memref<2x320000xi32, #tpu.memory_space<hbm>> -> memref<1x128xi32, #tpu.memory_space<hbm>>
        %dma_wait3A_330 = tpu.memref_squeeze %dma_wait3A_329 : memref<1x128xi32, #tpu.memory_space<hbm>> -> memref<128xi32, #tpu.memory_space<hbm>>
        tpu.wait_dma2 semaphore(%arg16 : memref<!tpu.dma_semaphore, #tpu.memory_space<semaphore_mem>>) src(%dma_wait3A_330 : memref<128xi32, #tpu.memory_space<hbm>>) dst(%arg8 : memref<128xi32, #tpu.memory_space<vmem>>)
        %dma_start3A_331 = arith.constant 0 : i32
        %dma_start3A_332 = arith.constant 0 : i32
        %dma_start3A_333 = tpu.memref_slice %arg2[%dma_start3A_331, %dma_start3A_332] : memref<10240x128xf32, #tpu.memory_space<hbm>> -> memref<10240x128xf32, #tpu.memory_space<hbm>>
        tpu.enqueue_indirect_dma source(%dma_start3A_333 : memref<10240x128xf32, #tpu.memory_space<hbm>>) target(%arg12 : memref<128x128xf32, #tpu.memory_space<vmem>>) offsets(%arg6 : memref<128xi32, #tpu.memory_space<vmem>>) semaphore(%arg18 : memref<!tpu.dma_semaphore, #tpu.memory_space<semaphore_mem>>)
      } else {
      }
      %get3A_252 = arith.constant 0 : index
      %get3A_253 = tpu.vector_load %arg9[%get3A_252] {strides = array<i32>} : memref<128xi32, #tpu.memory_space<vmem>>, vector<16xi32>,
      %get3A_254 = vector.shape_cast %get3A_253 : vector<16xi32> to vector<16xi32>
      %swap3A_255 = arith.constant 0 : index
      %swap3A_256 = tpu.vector_load %arg11[%swap3A_255] {strides = array<i32>} : memref<128xi32, #tpu.memory_space<vmem>>, vector<16xi32>,
      %swap3A_257 = vector.shape_cast %swap3A_256 : vector<16xi32> to vector<16xi32>
      %swap3A_258 = vector.shape_cast %get3A_254 : vector<16xi32> to vector<16xi32>
      tpu.vector_store %arg11[%swap3A_255], %swap3A_258 {strides = array<i32>} : memref<128xi32, #tpu.memory_space<vmem>>, vector<16xi32>,
      %get3A_259 = arith.constant 16 : index
      %get3A_260 = tpu.vector_load %arg9[%get3A_259] {strides = array<i32>} : memref<128xi32, #tpu.memory_space<vmem>>, vector<16xi32>,
      %get3A_261 = vector.shape_cast %get3A_260 : vector<16xi32> to vector<16xi32>
      %swap3A_262 = arith.constant 16 : index
      %swap3A_263 = tpu.vector_load %arg11[%swap3A_262] {strides = array<i32>} : memref<128xi32, #tpu.memory_space<vmem>>, vector<16xi32>,
      %swap3A_264 = vector.shape_cast %swap3A_263 : vector<16xi32> to vector<16xi32>
      %swap3A_265 = vector.shape_cast %get3A_261 : vector<16xi32> to vector<16xi32>
      tpu.vector_store %arg11[%swap3A_262], %swap3A_265 {strides = array<i32>} : memref<128xi32, #tpu.memory_space<vmem>>, vector<16xi32>,
      %get3A_266 = arith.constant 32 : index
      %get3A_267 = tpu.vector_load %arg9[%get3A_266] {strides = array<i32>} : memref<128xi32, #tpu.memory_space<vmem>>, vector<16xi32>,
      %get3A_268 = vector.shape_cast %get3A_267 : vector<16xi32> to vector<16xi32>
      %swap3A_269 = arith.constant 32 : index
      %swap3A_270 = tpu.vector_load %arg11[%swap3A_269] {strides = array<i32>} : memref<128xi32, #tpu.memory_space<vmem>>, vector<16xi32>,
      %swap3A_271 = vector.shape_cast %swap3A_270 : vector<16xi32> to vector<16xi32>
      %swap3A_272 = vector.shape_cast %get3A_268 : vector<16xi32> to vector<16xi32>
      tpu.vector_store %arg11[%swap3A_269], %swap3A_272 {strides = array<i32>} : memref<128xi32, #tpu.memory_space<vmem>>, vector<16xi32>,
      %get3A_273 = arith.constant 48 : index
      %get3A_274 = tpu.vector_load %arg9[%get3A_273] {strides = array<i32>} : memref<128xi32, #tpu.memory_space<vmem>>, vector<16xi32>,
      %get3A_275 = vector.shape_cast %get3A_274 : vector<16xi32> to vector<16xi32>
      %swap3A_276 = arith.constant 48 : index
      %swap3A_277 = tpu.vector_load %arg11[%swap3A_276] {strides = array<i32>} : memref<128xi32, #tpu.memory_space<vmem>>, vector<16xi32>,
      %swap3A_278 = vector.shape_cast %swap3A_277 : vector<16xi32> to vector<16xi32>
      %swap3A_279 = vector.shape_cast %get3A_275 : vector<16xi32> to vector<16xi32>
      tpu.vector_store %arg11[%swap3A_276], %swap3A_279 {strides = array<i32>} : memref<128xi32, #tpu.memory_space<vmem>>, vector<16xi32>,
      %get3A_280 = arith.constant 64 : index
      %get3A_281 = tpu.vector_load %arg9[%get3A_280] {strides = array<i32>} : memref<128xi32, #tpu.memory_space<vmem>>, vector<16xi32>,
      %get3A_282 = vector.shape_cast %get3A_281 : vector<16xi32> to vector<16xi32>
      %swap3A_283 = arith.constant 64 : index
      %swap3A_284 = tpu.vector_load %arg11[%swap3A_283] {strides = array<i32>} : memref<128xi32, #tpu.memory_space<vmem>>, vector<16xi32>,
      %swap3A_285 = vector.shape_cast %swap3A_284 : vector<16xi32> to vector<16xi32>
      %swap3A_286 = vector.shape_cast %get3A_282 : vector<16xi32> to vector<16xi32>
      tpu.vector_store %arg11[%swap3A_283], %swap3A_286 {strides = array<i32>} : memref<128xi32, #tpu.memory_space<vmem>>, vector<16xi32>,
      %get3A_287 = arith.constant 80 : index
      %get3A_288 = tpu.vector_load %arg9[%get3A_287] {strides = array<i32>} : memref<128xi32, #tpu.memory_space<vmem>>, vector<16xi32>,
      %get3A_289 = vector.shape_cast %get3A_288 : vector<16xi32> to vector<16xi32>
      %swap3A_290 = arith.constant 80 : index
      %swap3A_291 = tpu.vector_load %arg11[%swap3A_290] {strides = array<i32>} : memref<128xi32, #tpu.memory_space<vmem>>, vector<16xi32>,
      %swap3A_292 = vector.shape_cast %swap3A_291 : vector<16xi32> to vector<16xi32>
      %swap3A_293 = vector.shape_cast %get3A_289 : vector<16xi32> to vector<16xi32>
      tpu.vector_store %arg11[%swap3A_290], %swap3A_293 {strides = array<i32>} : memref<128xi32, #tpu.memory_space<vmem>>, vector<16xi32>,
      %get3A_294 = arith.constant 96 : index
      %get3A_295 = tpu.vector_load %arg9[%get3A_294] {strides = array<i32>} : memref<128xi32, #tpu.memory_space<vmem>>, vector<16xi32>,
      %get3A_296 = vector.shape_cast %get3A_295 : vector<16xi32> to vector<16xi32>
      %swap3A_297 = arith.constant 96 : index
      %swap3A_298 = tpu.vector_load %arg11[%swap3A_297] {strides = array<i32>} : memref<128xi32, #tpu.memory_space<vmem>>, vector<16xi32>,
      %swap3A_299 = vector.shape_cast %swap3A_298 : vector<16xi32> to vector<16xi32>
      %swap3A_300 = vector.shape_cast %get3A_296 : vector<16xi32> to vector<16xi32>
      tpu.vector_store %arg11[%swap3A_297], %swap3A_300 {strides = array<i32>} : memref<128xi32, #tpu.memory_space<vmem>>, vector<16xi32>,
      %get3A_301 = arith.constant 112 : index
      %get3A_302 = tpu.vector_load %arg9[%get3A_301] {strides = array<i32>} : memref<128xi32, #tpu.memory_space<vmem>>, vector<16xi32>,
      %get3A_303 = vector.shape_cast %get3A_302 : vector<16xi32> to vector<16xi32>
      %swap3A_304 = arith.constant 112 : index
      %swap3A_305 = tpu.vector_load %arg11[%swap3A_304] {strides = array<i32>} : memref<128xi32, #tpu.memory_space<vmem>>, vector<16xi32>,
      %swap3A_306 = vector.shape_cast %swap3A_305 : vector<16xi32> to vector<16xi32>
      %swap3A_307 = vector.shape_cast %get3A_303 : vector<16xi32> to vector<16xi32>
      tpu.vector_store %arg11[%swap3A_304], %swap3A_307 {strides = array<i32>} : memref<128xi32, #tpu.memory_space<vmem>>, vector<16xi32>,
      %dma_start3A_308 = arith.constant 0 : i32
      %dma_start3A_309 = arith.constant 0 : i32
      %dma_start3A_310 = tpu.memref_slice %arg5[%dma_start3A_308, %dma_start3A_309] : memref<10240x128xf32, #tpu.memory_space<vmem_shared>> -> memref<10240x128xf32, #tpu.memory_space<vmem_shared>>
      tpu.enqueue_indirect_dma source(%arg13 : memref<128x128xf32, #tpu.memory_space<vmem>>) target(%dma_start3A_310 : memref<10240x128xf32, #tpu.memory_space<vmem_shared>>) offsets(%arg11 : memref<128xi32, #tpu.memory_space<vmem>>) semaphore(%arg21 : memref<!tpu.dma_semaphore, #tpu.memory_space<semaphore_mem>>) {add = true}
      %add3A_311 = arith.constant 3 : i32
      %add3A_312 = arith.addi %mul3A_152, %add3A_311 : i32
      %lt3A_313 = arith.cmpi slt, %add3A_312, %add3A_48 : i32
      %convert_element_type3A_314 = arith.extui %lt3A_313 : i1 to i32
      %cond3A_315 = arith.constant 0 : i32
      %cond3A_316 = arith.cmpi ne, %convert_element_type3A_314, %cond3A_315 : i32
      scf.if %cond3A_316 {
        %add3A_317 = arith.constant 3 : i32
        %add3A_318 = arith.addi %mul3A_152, %add3A_317 : i32
        %mul3A_319 = arith.constant 32 : i32
        %mul3A_320 = arith.muli %add3A_318, %mul3A_319 : i32
        %add3A_321 = arith.addi %mul3A_320, %add3A : i32
        %mul3A_322 = arith.constant 128 : i32
        %mul3A_323 = arith.muli %add3A_321, %mul3A_322 : i32
        %dma_start3A_324 = arith.constant 0 : i32
        %dma_start3A_325 = tpu.memref_slice %arg3[%dma_start3A_324, %mul3A_323] : memref<2x320000xi32, #tpu.memory_space<hbm>> -> memref<1x128xi32, #tpu.memory_space<hbm>>
        %dma_start3A_326 = tpu.memref_squeeze %dma_start3A_325 : memref<1x128xi32, #tpu.memory_space<hbm>> -> memref<128xi32, #tpu.memory_space<hbm>>
        %dma_start3A_327 = tpu.memref_slice %arg3[%dma_start3A_324, %mul3A_323] : memref<2x320000xi32, #tpu.memory_space<hbm>> -> memref<1x128xi32, #tpu.memory_space<hbm>>
        %dma_start3A_328 = tpu.memref_squeeze %dma_start3A_327 : memref<1x128xi32, #tpu.memory_space<hbm>> -> memref<128xi32, #tpu.memory_space<hbm>>
        tpu.enqueue_dma source(%dma_start3A_328 : memref<128xi32, #tpu.memory_space<hbm>>) target(%arg7 : memref<128xi32, #tpu.memory_space<vmem>>) target_semaphore(%arg15 : memref<!tpu.dma_semaphore, #tpu.memory_space<semaphore_mem>>)
        %dma_start3A_329 = arith.constant 1 : i32
        %dma_start3A_330 = tpu.memref_slice %arg3[%dma_start3A_329, %mul3A_323] : memref<2x320000xi32, #tpu.memory_space<hbm>> -> memref<1x128xi32, #tpu.memory_space<hbm>>
        %dma_start3A_331 = tpu.memref_squeeze %dma_start3A_330 : memref<1x128xi32, #tpu.memory_space<hbm>> -> memref<128xi32, #tpu.memory_space<hbm>>
        %dma_start3A_332 = tpu.memref_slice %arg3[%dma_start3A_329, %mul3A_323] : memref<2x320000xi32, #tpu.memory_space<hbm>> -> memref<1x128xi32, #tpu.memory_space<hbm>>
        %dma_start3A_333 = tpu.memref_squeeze %dma_start3A_332 : memref<1x128xi32, #tpu.memory_space<hbm>> -> memref<128xi32, #tpu.memory_space<hbm>>
        tpu.enqueue_dma source(%dma_start3A_333 : memref<128xi32, #tpu.memory_space<hbm>>) target(%arg9 : memref<128xi32, #tpu.memory_space<vmem>>) target_semaphore(%arg17 : memref<!tpu.dma_semaphore, #tpu.memory_space<semaphore_mem>>)
      } else {
      }
    }
    %scan3A_138 = arith.constant 39 : i32
    %dma_wait3A_139 = arith.constant 0 : i32
    %dma_wait3A_140 = arith.constant 0 : i32
    %dma_wait3A_141 = tpu.memref_slice %arg5[%dma_wait3A_139, %dma_wait3A_140] : memref<10240x128xf32, #tpu.memory_space<vmem_shared>> -> memref<10240x128xf32, #tpu.memory_space<vmem_shared>>
    tpu.wait_indirect_dma semaphore(%arg21 : memref<!tpu.dma_semaphore, #tpu.memory_space<semaphore_mem>>) src(%arg13 : memref<128x128xf32, #tpu.memory_space<vmem>>) dst(%dma_wait3A_141 : memref<10240x128xf32, #tpu.memory_space<vmem_shared>>)
    %lt3A_142 = arith.constant 4 : i32
    %lt3A_143 = arith.cmpi slt, %add3A, %lt3A_142 : i32
    %convert_element_type3A = arith.extui %lt3A_143 : i1 to i32
    %cond3A = arith.constant 0 : i32
    %cond3A_144 = arith.cmpi ne, %convert_element_type3A, %cond3A : i32
    scf.if %cond3A_144 {
      %dma_wait3A_150 = arith.constant 0 : i32
      %dma_wait3A_151 = arith.constant 0 : i32
      %dma_wait3A_152 = tpu.memref_slice %arg2[%dma_wait3A_150, %dma_wait3A_151] : memref<10240x128xf32, #tpu.memory_space<hbm>> -> memref<10240x128xf32, #tpu.memory_space<hbm>>
      tpu.wait_indirect_dma semaphore(%arg18 : memref<!tpu.dma_semaphore, #tpu.memory_space<semaphore_mem>>) src(%dma_wait3A_152 : memref<10240x128xf32, #tpu.memory_space<hbm>>) dst(%arg12 : memref<128x128xf32, #tpu.memory_space<vmem>>)
      %get3A = arith.constant 0 : index
      %get3A_153 = tpu.vector_load %arg8[%get3A] {strides = array<i32>} : memref<128xi32, #tpu.memory_space<vmem>>, vector<16xi32>,
      %get3A_154 = vector.shape_cast %get3A_153 : vector<16xi32> to vector<16xi32>
      %swap3A = arith.constant 0 : index
      %swap3A_155 = tpu.vector_load %arg10[%swap3A] {strides = array<i32>} : memref<128xi32, #tpu.memory_space<vmem>>, vector<16xi32>,
      %swap3A_156 = vector.shape_cast %swap3A_155 : vector<16xi32> to vector<16xi32>
      %swap3A_157 = vector.shape_cast %get3A_154 : vector<16xi32> to vector<16xi32>
      tpu.vector_store %arg10[%swap3A], %swap3A_157 {strides = array<i32>} : memref<128xi32, #tpu.memory_space<vmem>>, vector<16xi32>,
      %get3A_158 = arith.constant 16 : index
      %get3A_159 = tpu.vector_load %arg8[%get3A_158] {strides = array<i32>} : memref<128xi32, #tpu.memory_space<vmem>>, vector<16xi32>,
      %get3A_160 = vector.shape_cast %get3A_159 : vector<16xi32> to vector<16xi32>
      %swap3A_161 = arith.constant 16 : index
      %swap3A_162 = tpu.vector_load %arg10[%swap3A_161] {strides = array<i32>} : memref<128xi32, #tpu.memory_space<vmem>>, vector<16xi32>,
      %swap3A_163 = vector.shape_cast %swap3A_162 : vector<16xi32> to vector<16xi32>
      %swap3A_164 = vector.shape_cast %get3A_160 : vector<16xi32> to vector<16xi32>
      tpu.vector_store %arg10[%swap3A_161], %swap3A_164 {strides = array<i32>} : memref<128xi32, #tpu.memory_space<vmem>>, vector<16xi32>,
      %get3A_165 = arith.constant 32 : index
      %get3A_166 = tpu.vector_load %arg8[%get3A_165] {strides = array<i32>} : memref<128xi32, #tpu.memory_space<vmem>>, vector<16xi32>,
      %get3A_167 = vector.shape_cast %get3A_166 : vector<16xi32> to vector<16xi32>
      %swap3A_168 = arith.constant 32 : index
      %swap3A_169 = tpu.vector_load %arg10[%swap3A_168] {strides = array<i32>} : memref<128xi32, #tpu.memory_space<vmem>>, vector<16xi32>,
      %swap3A_170 = vector.shape_cast %swap3A_169 : vector<16xi32> to vector<16xi32>
      %swap3A_171 = vector.shape_cast %get3A_167 : vector<16xi32> to vector<16xi32>
      tpu.vector_store %arg10[%swap3A_168], %swap3A_171 {strides = array<i32>} : memref<128xi32, #tpu.memory_space<vmem>>, vector<16xi32>,
      %get3A_172 = arith.constant 48 : index
      %get3A_173 = tpu.vector_load %arg8[%get3A_172] {strides = array<i32>} : memref<128xi32, #tpu.memory_space<vmem>>, vector<16xi32>,
      %get3A_174 = vector.shape_cast %get3A_173 : vector<16xi32> to vector<16xi32>
      %swap3A_175 = arith.constant 48 : index
      %swap3A_176 = tpu.vector_load %arg10[%swap3A_175] {strides = array<i32>} : memref<128xi32, #tpu.memory_space<vmem>>, vector<16xi32>,
      %swap3A_177 = vector.shape_cast %swap3A_176 : vector<16xi32> to vector<16xi32>
      %swap3A_178 = vector.shape_cast %get3A_174 : vector<16xi32> to vector<16xi32>
      tpu.vector_store %arg10[%swap3A_175], %swap3A_178 {strides = array<i32>} : memref<128xi32, #tpu.memory_space<vmem>>, vector<16xi32>,
      %get3A_179 = arith.constant 64 : index
      %get3A_180 = tpu.vector_load %arg8[%get3A_179] {strides = array<i32>} : memref<128xi32, #tpu.memory_space<vmem>>, vector<16xi32>,
      %get3A_181 = vector.shape_cast %get3A_180 : vector<16xi32> to vector<16xi32>
      %swap3A_182 = arith.constant 64 : index
      %swap3A_183 = tpu.vector_load %arg10[%swap3A_182] {strides = array<i32>} : memref<128xi32, #tpu.memory_space<vmem>>, vector<16xi32>,
      %swap3A_184 = vector.shape_cast %swap3A_183 : vector<16xi32> to vector<16xi32>
      %swap3A_185 = vector.shape_cast %get3A_181 : vector<16xi32> to vector<16xi32>
      tpu.vector_store %arg10[%swap3A_182], %swap3A_185 {strides = array<i32>} : memref<128xi32, #tpu.memory_space<vmem>>, vector<16xi32>,
      %get3A_186 = arith.constant 80 : index
      %get3A_187 = tpu.vector_load %arg8[%get3A_186] {strides = array<i32>} : memref<128xi32, #tpu.memory_space<vmem>>, vector<16xi32>,
      %get3A_188 = vector.shape_cast %get3A_187 : vector<16xi32> to vector<16xi32>
      %swap3A_189 = arith.constant 80 : index
      %swap3A_190 = tpu.vector_load %arg10[%swap3A_189] {strides = array<i32>} : memref<128xi32, #tpu.memory_space<vmem>>, vector<16xi32>,
      %swap3A_191 = vector.shape_cast %swap3A_190 : vector<16xi32> to vector<16xi32>
      %swap3A_192 = vector.shape_cast %get3A_188 : vector<16xi32> to vector<16xi32>
      tpu.vector_store %arg10[%swap3A_189], %swap3A_192 {strides = array<i32>} : memref<128xi32, #tpu.memory_space<vmem>>, vector<16xi32>,
      %get3A_193 = arith.constant 96 : index
      %get3A_194 = tpu.vector_load %arg8[%get3A_193] {strides = array<i32>} : memref<128xi32, #tpu.memory_space<vmem>>, vector<16xi32>,
      %get3A_195 = vector.shape_cast %get3A_194 : vector<16xi32> to vector<16xi32>
      %swap3A_196 = arith.constant 96 : index
      %swap3A_197 = tpu.vector_load %arg10[%swap3A_196] {strides = array<i32>} : memref<128xi32, #tpu.memory_space<vmem>>, vector<16xi32>,
      %swap3A_198 = vector.shape_cast %swap3A_197 : vector<16xi32> to vector<16xi32>
      %swap3A_199 = vector.shape_cast %get3A_195 : vector<16xi32> to vector<16xi32>
      tpu.vector_store %arg10[%swap3A_196], %swap3A_199 {strides = array<i32>} : memref<128xi32, #tpu.memory_space<vmem>>, vector<16xi32>,
      %get3A_200 = arith.constant 112 : index
      %get3A_201 = tpu.vector_load %arg8[%get3A_200] {strides = array<i32>} : memref<128xi32, #tpu.memory_space<vmem>>, vector<16xi32>,
      %get3A_202 = vector.shape_cast %get3A_201 : vector<16xi32> to vector<16xi32>
      %swap3A_203 = arith.constant 112 : index
      %swap3A_204 = tpu.vector_load %arg10[%swap3A_203] {strides = array<i32>} : memref<128xi32, #tpu.memory_space<vmem>>, vector<16xi32>,
      %swap3A_205 = vector.shape_cast %swap3A_204 : vector<16xi32> to vector<16xi32>
      %swap3A_206 = vector.shape_cast %get3A_202 : vector<16xi32> to vector<16xi32>
      tpu.vector_store %arg10[%swap3A_203], %swap3A_206 {strides = array<i32>} : memref<128xi32, #tpu.memory_space<vmem>>, vector<16xi32>,
      %dma_start3A_207 = arith.constant 0 : i32
      %dma_start3A_208 = arith.constant 0 : i32
      %dma_start3A_209 = tpu.memref_slice %arg5[%dma_start3A_207, %dma_start3A_208] : memref<10240x128xf32, #tpu.memory_space<vmem_shared>> -> memref<10240x128xf32, #tpu.memory_space<vmem_shared>>
      tpu.enqueue_indirect_dma source(%arg12 : memref<128x128xf32, #tpu.memory_space<vmem>>) target(%dma_start3A_209 : memref<10240x128xf32, #tpu.memory_space<vmem_shared>>) offsets(%arg10 : memref<128xi32, #tpu.memory_space<vmem>>) semaphore(%arg20 : memref<!tpu.dma_semaphore, #tpu.memory_space<semaphore_mem>>) {add = true}
      %dma_wait3A_210 = arith.constant 0 : i32
      %dma_wait3A_211 = arith.constant 0 : i32
      %dma_wait3A_212 = tpu.memref_slice %arg5[%dma_wait3A_210, %dma_wait3A_211] : memref<10240x128xf32, #tpu.memory_space<vmem_shared>> -> memref<10240x128xf32, #tpu.memory_space<vmem_shared>>
      tpu.wait_indirect_dma semaphore(%arg20 : memref<!tpu.dma_semaphore, #tpu.memory_space<semaphore_mem>>) src(%arg12 : memref<128x128xf32, #tpu.memory_space<vmem>>) dst(%dma_wait3A_212 : memref<10240x128xf32, #tpu.memory_space<vmem_shared>>)
    } else {
    }
    %barrier3A_145 = arith.constant 0 : index
    tpu.barrier barrier_id(%barrier3A_145)
    %mul3A_146 = arith.constant 640 : i32
    %mul3A_147 = arith.muli %arg1, %mul3A_146 : i32
    %mul3A_148 = arith.constant 640 : i32
    %mul3A_149 = arith.muli %arg1, %mul3A_148 : i32
    "tpu.region"() ({
      %run_scoped3A = tpu.sem_alloc : memref<!tpu.dma_semaphore, #tpu.memory_space<semaphore_mem>>
      %dma_start3A_150 = arith.constant 0 : i32
      %dma_start3A_151 = tpu.memref_slice %arg4[%arg0, %mul3A_149, %dma_start3A_150] : memref<2x10240x128xf32, #tpu.memory_space<hbm>> -> memref<1x640x128xf32, #tpu.memory_space<hbm>>
      %dma_start3A_152 = tpu.memref_squeeze %dma_start3A_151 : memref<1x640x128xf32, #tpu.memory_space<hbm>> -> memref<640x128xf32, #tpu.memory_space<hbm>>
      %dma_start3A_153 = arith.constant 0 : i32
      %dma_start3A_154 = tpu.memref_slice %arg5[%mul3A_147, %dma_start3A_153] : memref<10240x128xf32, #tpu.memory_space<vmem_shared>> -> memref<640x128xf32, #tpu.memory_space<vmem_shared>>
      tpu.enqueue_dma source(%dma_start3A_154 : memref<640x128xf32, #tpu.memory_space<vmem_shared>>) target(%dma_start3A_152 : memref<640x128xf32, #tpu.memory_space<hbm>>) target_semaphore(%run_scoped3A : memref<!tpu.dma_semaphore, #tpu.memory_space<semaphore_mem>>)
      %dma_wait3A_155 = arith.constant 0 : i32
      %dma_wait3A_156 = tpu.memref_slice %arg4[%arg0, %mul3A_149, %dma_wait3A_155] : memref<2x10240x128xf32, #tpu.memory_space<hbm>> -> memref<1x640x128xf32, #tpu.memory_space<hbm>>
      %dma_wait3A_157 = tpu.memref_squeeze %dma_wait3A_156 : memref<1x640x128xf32, #tpu.memory_space<hbm>> -> memref<640x128xf32, #tpu.memory_space<hbm>>
      %dma_wait3A_158 = arith.constant 0 : i32
      %dma_wait3A_159 = tpu.memref_slice %arg5[%mul3A_147, %dma_wait3A_158] : memref<10240x128xf32, #tpu.memory_space<vmem_shared>> -> memref<640x128xf32, #tpu.memory_space<vmem_shared>>
      tpu.wait_dma2 semaphore(%run_scoped3A : memref<!tpu.dma_semaphore, #tpu.memory_space<semaphore_mem>>) src(%dma_wait3A_159 : memref<640x128xf32, #tpu.memory_space<vmem_shared>>) dst(%dma_wait3A_157 : memref<640x128xf32, #tpu.memory_space<hbm>>)
      tpu.yield
    }) : () -> ()
    return
  }
}

module attributes {stable_mosaic.version = 14 : i64} {
  func.func @_tc2_body(%arg0: i32, %arg1: memref<2x1024xf32, #tpu.memory_space<vmem>>, %arg2: memref<2x1024x128xf32, #tpu.memory_space<vmem>>, %arg3: memref<1024x128xf32, #tpu.memory_space<vmem>>, %arg4: memref<1x128xf32, #tpu.memory_space<vmem>>, %arg5: memref<128x128xf32, #tpu.memory_space<vmem>>, %arg6: memref<1024x128xf32, #tpu.memory_space<vmem>>) attributes {dimension_semantics = [#tpu.dimension_semantics<arbitrary>], iteration_bounds = array<i64: 10>, scalar_prefetch = 0 : i64, scratch_operands = 0 : i64, tpu.core_type = #tpu.core_type<tc>, window_params = [{transform_indices = @transform_0, window_bounds = array<i64: 2, 1024>}, {transform_indices = @transform_1, window_bounds = array<i64: 2, 1024, 128>}, {transform_indices = @transform_2, window_bounds = array<i64: 1024, 128>}, {pipeline_mode = #tpu.pipeline_mode<synchronous>, transform_indices = @transform_3, window_bounds = array<i64: 1, 128>}, {pipeline_mode = #tpu.pipeline_mode<synchronous>, transform_indices = @transform_4, window_bounds = array<i64: 128, 128>}, {transform_indices = @transform_5, window_bounds = array<i64: 1024, 128>}]} {
    %get3A = arith.constant 0 : index
    %get3A_0 = arith.constant 0 : index
    %get3A_1 = vector.load %arg1[%get3A, %get3A_0] : memref<2x1024xf32, #tpu.memory_space<vmem>>, vector<1x1024xf32>
    %get3A_2 = vector.shape_cast %get3A_1 : vector<1x1024xf32> to vector<1024xf32>
    %get3A_3 = arith.constant 1 : index
    %get3A_4 = arith.constant 0 : index
    %get3A_5 = vector.load %arg1[%get3A_3, %get3A_4] : memref<2x1024xf32, #tpu.memory_space<vmem>>, vector<1x1024xf32>
    %get3A_6 = vector.shape_cast %get3A_5 : vector<1x1024xf32> to vector<1024xf32>
    %add3A = arith.addf %get3A_2, %get3A_6 : vector<1024xf32>
    %add3A_7 = arith.constant 1.000000e+00 : f32
    %add3A_8 = vector.broadcast %add3A_7 : f32 to vector<1024xf32>
    %add3A_9 = arith.addf %add3A, %add3A_8 : vector<1024xf32>
    %rsqrt3A = math.rsqrt %add3A_9 : vector<1024xf32>
    %get3A_10 = arith.constant 0 : index
    %get3A_11 = arith.constant 0 : index
    %get3A_12 = arith.constant 0 : index
    %get3A_13 = vector.load %arg2[%get3A_10, %get3A_11, %get3A_12] : memref<2x1024x128xf32, #tpu.memory_space<vmem>>, vector<1x1024x128xf32>
    %get3A_14 = vector.shape_cast %get3A_13 : vector<1x1024x128xf32> to vector<1024x128xf32>
    %get3A_15 = arith.constant 1 : index
    %get3A_16 = arith.constant 0 : index
    %get3A_17 = arith.constant 0 : index
    %get3A_18 = vector.load %arg2[%get3A_15, %get3A_16, %get3A_17] : memref<2x1024x128xf32, #tpu.memory_space<vmem>>, vector<1x1024x128xf32>
    %get3A_19 = vector.shape_cast %get3A_18 : vector<1x1024x128xf32> to vector<1024x128xf32>
    %add3A_20 = arith.addf %get3A_14, %get3A_19 : vector<1024x128xf32>
    %get3A_21 = arith.constant 0 : index
    %get3A_22 = arith.constant 0 : index
    %get3A_23 = vector.load %arg3[%get3A_21, %get3A_22] : memref<1024x128xf32, #tpu.memory_space<vmem>>, vector<1024x128xf32>
    %add3A_24 = arith.addf %add3A_20, %get3A_23 : vector<1024x128xf32>
    %broadcast_in_dim3A = vector.shape_cast %rsqrt3A : vector<1024xf32> to vector<1024x1xf32>
    %mul3A = vector.broadcast %broadcast_in_dim3A : vector<1024x1xf32> to vector<1024x128xf32>
    %mul3A_25 = arith.mulf %add3A_24, %mul3A : vector<1024x128xf32>
    %get3A_26 = arith.constant 0 : index
    %get3A_27 = arith.constant 0 : index
    %get3A_28 = vector.load %arg4[%get3A_26, %get3A_27] : memref<1x128xf32, #tpu.memory_space<vmem>>, vector<1x128xf32>
    %add3A_29 = vector.broadcast %get3A_28 : vector<1x128xf32> to vector<1024x128xf32>
    %add3A_30 = arith.addf %mul3A_25, %add3A_29 : vector<1024x128xf32>
    %max3A = arith.constant 0.000000e+00 : f32
    %max3A_31 = vector.broadcast %max3A : f32 to vector<1024x128xf32>
    %max3A_32 = arith.maximumf %add3A_30, %max3A_31 : vector<1024x128xf32>
    %get3A_33 = arith.constant 0 : index
    %get3A_34 = arith.constant 0 : index
    %get3A_35 = vector.load %arg5[%get3A_33, %get3A_34] : memref<128x128xf32, #tpu.memory_space<vmem>>, vector<128x128xf32>
    %dot_general3A = arith.constant dense<0.000000e+00> : vector<1024x128xf32>
    %dot_general3A_36 = tpu.matmul %max3A_32, %get3A_35, %dot_general3A {dimension_numbers = #tpu.dot_dimension_numbers<[1], [0], [0], [1], [0, 0, 1, 1], [], []>, precision = #tpu.contract_precision<fp32>, transpose_lhs_hint = false} : vector<1024x128xf32>, vector<128x128xf32>, vector<1024x128xf32> -> vector<1024x128xf32>
    %broadcast_in_dim3A_37 = vector.shape_cast %rsqrt3A : vector<1024xf32> to vector<1024x1xf32>
    %mul3A_38 = vector.broadcast %broadcast_in_dim3A_37 : vector<1024x1xf32> to vector<1024x128xf32>
    %mul3A_39 = arith.mulf %dot_general3A_36, %mul3A_38 : vector<1024x128xf32>
    %swap3A = arith.constant 0 : index
    %swap3A_40 = arith.constant 0 : index
    %swap3A_41 = vector.load %arg6[%swap3A, %swap3A_40] : memref<1024x128xf32, #tpu.memory_space<vmem>>, vector<1024x128xf32>
    tpu.vector_store %arg6[%swap3A, %swap3A_40], %mul3A_39 {strides = array<i32>} : memref<1024x128xf32, #tpu.memory_space<vmem>>, vector<1024x128xf32>,
    return
  }
  func.func @transform_0(%arg0: i32) -> (i32, i32) {
    %c0_i32 = arith.constant 0 : i32
    %c0_i32_0 = arith.constant 0 : i32
    return %c0_i32, %arg0 : i32, i32
  }
  func.func @transform_1(%arg0: i32) -> (i32, i32, i32) {
    %c0_i32 = arith.constant 0 : i32
    %c0_i32_0 = arith.constant 0 : i32
    %c0_i32_1 = arith.constant 0 : i32
    return %c0_i32, %arg0, %c0_i32_0 : i32, i32, i32
  }
  func.func @transform_2(%arg0: i32) -> (i32, i32) {
    %c0_i32 = arith.constant 0 : i32
    %c0_i32_0 = arith.constant 0 : i32
    return %arg0, %c0_i32 : i32, i32
  }
  func.func @transform_3(%arg0: i32) -> (i32, i32) {
    %c0_i32 = arith.constant 0 : i32
    %c0_i32_0 = arith.constant 0 : i32
    %c0_i32_1 = arith.constant 0 : i32
    return %c0_i32, %c0_i32_0 : i32, i32
  }
  func.func @transform_4(%arg0: i32) -> (i32, i32) {
    %c0_i32 = arith.constant 0 : i32
    %c0_i32_0 = arith.constant 0 : i32
    %c0_i32_1 = arith.constant 0 : i32
    return %c0_i32, %c0_i32_0 : i32, i32
  }
  func.func @transform_5(%arg0: i32) -> (i32, i32) {
    %c0_i32 = arith.constant 0 : i32
    %c0_i32_0 = arith.constant 0 : i32
    return %arg0, %c0_i32 : i32, i32
  }
}

module attributes {stable_mosaic.version = 14 : i64} {
  func.func @_tc1b_body(%arg0: i32, %arg1: memref<2x1024xf32, #tpu.memory_space<vmem>>, %arg2: memref<1024x128xf32, #tpu.memory_space<vmem>>, %arg3: memref<128x128xf32, #tpu.memory_space<vmem>>, %arg4: memref<1024x128xf32, #tpu.memory_space<vmem>>) attributes {dimension_semantics = [#tpu.dimension_semantics<arbitrary>], iteration_bounds = array<i64: 10>, scalar_prefetch = 0 : i64, scratch_operands = 0 : i64, tpu.core_type = #tpu.core_type<tc>, window_params = [{transform_indices = @transform_0, window_bounds = array<i64: 2, 1024>}, {transform_indices = @transform_1, window_bounds = array<i64: 1024, 128>}, {pipeline_mode = #tpu.pipeline_mode<synchronous>, transform_indices = @transform_2, window_bounds = array<i64: 128, 128>}, {transform_indices = @transform_3, window_bounds = array<i64: 1024, 128>}]} {
    %get3A = arith.constant 0 : index
    %get3A_0 = arith.constant 0 : index
    %get3A_1 = vector.load %arg1[%get3A, %get3A_0] : memref<2x1024xf32, #tpu.memory_space<vmem>>, vector<1x1024xf32>
    %get3A_2 = vector.shape_cast %get3A_1 : vector<1x1024xf32> to vector<1024xf32>
    %get3A_3 = arith.constant 1 : index
    %get3A_4 = arith.constant 0 : index
    %get3A_5 = vector.load %arg1[%get3A_3, %get3A_4] : memref<2x1024xf32, #tpu.memory_space<vmem>>, vector<1x1024xf32>
    %get3A_6 = vector.shape_cast %get3A_5 : vector<1x1024xf32> to vector<1024xf32>
    %add3A = arith.addf %get3A_2, %get3A_6 : vector<1024xf32>
    %add3A_7 = arith.constant 1.000000e+00 : f32
    %add3A_8 = vector.broadcast %add3A_7 : f32 to vector<1024xf32>
    %add3A_9 = arith.addf %add3A, %add3A_8 : vector<1024xf32>
    %rsqrt3A = math.rsqrt %add3A_9 : vector<1024xf32>
    %get3A_10 = arith.constant 0 : index
    %get3A_11 = arith.constant 0 : index
    %get3A_12 = vector.load %arg2[%get3A_10, %get3A_11] : memref<1024x128xf32, #tpu.memory_space<vmem>>, vector<1024x128xf32>
    %get3A_13 = arith.constant 0 : index
    %get3A_14 = arith.constant 0 : index
    %get3A_15 = vector.load %arg3[%get3A_13, %get3A_14] : memref<128x128xf32, #tpu.memory_space<vmem>>, vector<128x128xf32>
    %dot_general3A = arith.constant dense<0.000000e+00> : vector<1024x128xf32>
    %dot_general3A_16 = tpu.matmul %get3A_12, %get3A_15, %dot_general3A {dimension_numbers = #tpu.dot_dimension_numbers<[1], [0], [0], [1], [0, 0, 1, 1], [], []>, precision = #tpu.contract_precision<fp32>, transpose_lhs_hint = false} : vector<1024x128xf32>, vector<128x128xf32>, vector<1024x128xf32> -> vector<1024x128xf32>
    %broadcast_in_dim3A = vector.shape_cast %rsqrt3A : vector<1024xf32> to vector<1024x1xf32>
    %mul3A = vector.broadcast %broadcast_in_dim3A : vector<1024x1xf32> to vector<1024x128xf32>
    %mul3A_17 = arith.mulf %dot_general3A_16, %mul3A : vector<1024x128xf32>
    %swap3A = arith.constant 0 : index
    %swap3A_18 = arith.constant 0 : index
    %swap3A_19 = vector.load %arg4[%swap3A, %swap3A_18] : memref<1024x128xf32, #tpu.memory_space<vmem>>, vector<1024x128xf32>
    tpu.vector_store %arg4[%swap3A, %swap3A_18], %mul3A_17 {strides = array<i32>} : memref<1024x128xf32, #tpu.memory_space<vmem>>, vector<1024x128xf32>,
    return
  }
  func.func @transform_0(%arg0: i32) -> (i32, i32) {
    %c0_i32 = arith.constant 0 : i32
    %c0_i32_0 = arith.constant 0 : i32
    return %c0_i32, %arg0 : i32, i32
  }
  func.func @transform_1(%arg0: i32) -> (i32, i32) {
    %c0_i32 = arith.constant 0 : i32
    %c0_i32_0 = arith.constant 0 : i32
    return %arg0, %c0_i32 : i32, i32
  }
  func.func @transform_2(%arg0: i32) -> (i32, i32) {
    %c0_i32 = arith.constant 0 : i32
    %c0_i32_0 = arith.constant 0 : i32
    %c0_i32_1 = arith.constant 0 : i32
    return %c0_i32, %c0_i32_0 : i32, i32
  }
  func.func @transform_3(%arg0: i32) -> (i32, i32) {
    %c0_i32 = arith.constant 0 : i32
    %c0_i32_0 = arith.constant 0 : i32
    return %arg0, %c0_i32 : i32, i32
  }
}

module attributes {stable_mosaic.version = 14 : i64} {
  func.func @_tc3_body(%arg0: i32, %arg1: i32, %arg2: memref<2x1024xf32, #tpu.memory_space<vmem>>, %arg3: memref<2x1024x128xf32, #tpu.memory_space<vmem>>, %arg4: memref<1024x128xf32, #tpu.memory_space<vmem>>, %arg5: memref<1x128xf32, #tpu.memory_space<vmem>>, %arg6: memref<128x128xf32, #tpu.memory_space<vmem>>, %arg7: memref<1x128xf32, #tpu.memory_space<vmem>>, %arg8: memref<1x128xf32, #tpu.memory_space<vmem>>, %arg9: memref<1x1xf32, #tpu.memory_space<vmem>>, %arg10: memref<1x1024xi32, #tpu.memory_space<vmem>>, %arg11: memref<128x10xf32, #tpu.memory_space<vmem>>, %arg12: memref<1x10xf32, #tpu.memory_space<vmem>>, %arg13: memref<128x10xf32, #tpu.memory_space<vmem>>, %arg14: memref<10240x128xf32, #tpu.memory_space<vmem>>, %arg15: memref<1x10240xf32, #tpu.memory_space<vmem>>, %arg16: memref<1x128xf32, #tpu.memory_space<vmem>>, %arg17: memref<128x128xf32, #tpu.memory_space<vmem>>, %arg18: memref<128x128xf32, #tpu.memory_space<vmem>>) attributes {dimension_semantics = [#tpu.dimension_semantics<arbitrary>, #tpu.dimension_semantics<arbitrary>], iteration_bounds = array<i64: 2, 10>, scalar_prefetch = 0 : i64, scratch_operands = 5 : i64, tpu.core_type = #tpu.core_type<tc>, window_params = [{transform_indices = @transform_0, window_bounds = array<i64: 2, 1024>}, {transform_indices = @transform_1, window_bounds = array<i64: 2, 1024, 128>}, {transform_indices = @transform_2, window_bounds = array<i64: 1024, 128>}, {pipeline_mode = #tpu.pipeline_mode<synchronous>, transform_indices = @transform_3, window_bounds = array<i64: 1, 128>}, {pipeline_mode = #tpu.pipeline_mode<synchronous>, transform_indices = @transform_4, window_bounds = array<i64: 128, 128>}, {pipeline_mode = #tpu.pipeline_mode<synchronous>, transform_indices = @transform_5, window_bounds = array<i64: 1, 128>}, {pipeline_mode = #tpu.pipeline_mode<synchronous>, transform_indices = @transform_6, window_bounds = array<i64: 1, 128>}, {pipeline_mode = #tpu.pipeline_mode<synchronous>, transform_indices = @transform_7, window_bounds = array<i64: 1, 1>}, {transform_indices = @transform_8, window_bounds = array<i64: 1, 1024>}, {pipeline_mode = #tpu.pipeline_mode<synchronous>, transform_indices = @transform_9, window_bounds = array<i64: 128, 10>}, {pipeline_mode = #tpu.pipeline_mode<synchronous>, transform_indices = @transform_10, window_bounds = array<i64: 1, 10>}, {pipeline_mode = #tpu.pipeline_mode<synchronous>, transform_indices = @transform_11, window_bounds = array<i64: 128, 10>}]} {
    %get3A = arith.constant 0 : index
    %get3A_0 = arith.constant 0 : index
    %get3A_1 = vector.load %arg10[%get3A, %get3A_0] : memref<1x1024xi32, #tpu.memory_space<vmem>>, vector<1x1024xi32>
    %get3A_2 = vector.shape_cast %get3A_1 : vector<1x1024xi32> to vector<1024xi32>
    %broadcast_in_dim3A = vector.shape_cast %get3A_2 : vector<1024xi32> to vector<1024x1xi32>
    %iota3A = tpu.iota {dimensions = array<i32: 1>} : vector<1024x128xi32>
    %eq3A = vector.broadcast %broadcast_in_dim3A : vector<1024x1xi32> to vector<1024x128xi32>
    %eq3A_3 = arith.cmpi eq, %eq3A, %iota3A : vector<1024x128xi32>
    %eq3A_4 = arith.constant 0 : i32
    %eq3A_5 = arith.cmpi eq, %arg0, %eq3A_4 : i32
    %convert_element_type3A = arith.extui %eq3A_5 : i1 to i32
    %cond3A = arith.constant 0 : i32
    %cond3A_6 = arith.cmpi ne, %convert_element_type3A, %cond3A : i32
    scf.if %cond3A_6 {
      %eq3A_12 = arith.constant 0 : i32
      %eq3A_13 = arith.cmpi eq, %arg1, %eq3A_12 : i32
      %convert_element_type3A_14 = arith.extui %eq3A_13 : i1 to i32
      %cond3A_15 = arith.constant 0 : i32
      %cond3A_16 = arith.cmpi ne, %convert_element_type3A_14, %cond3A_15 : i32
      scf.if %cond3A_16 {
        %broadcast_in_dim3A_100 = arith.constant 0xFF800000 : f32
        %broadcast_in_dim3A_101 = vector.broadcast %broadcast_in_dim3A_100 : f32 to vector<1x128xf32>
        %swap3A_102 = arith.constant 0 : index
        %swap3A_103 = arith.constant 0 : index
        %swap3A_104 = vector.load %arg16[%swap3A_102, %swap3A_103] : memref<1x128xf32, #tpu.memory_space<vmem>>, vector<1x128xf32>
        tpu.vector_store %arg16[%swap3A_102, %swap3A_103], %broadcast_in_dim3A_101 {strides = array<i32>} : memref<1x128xf32, #tpu.memory_space<vmem>>, vector<1x128xf32>,
      } else {
      }
      %get3A_17 = arith.constant 0 : index
      %get3A_18 = arith.constant 0 : index
      %get3A_19 = vector.load %arg2[%get3A_17, %get3A_18] : memref<2x1024xf32, #tpu.memory_space<vmem>>, vector<1x1024xf32>
      %get3A_20 = vector.shape_cast %get3A_19 : vector<1x1024xf32> to vector<1024xf32>
      %get3A_21 = arith.constant 1 : index
      %get3A_22 = arith.constant 0 : index
      %get3A_23 = vector.load %arg2[%get3A_21, %get3A_22] : memref<2x1024xf32, #tpu.memory_space<vmem>>, vector<1x1024xf32>
      %get3A_24 = vector.shape_cast %get3A_23 : vector<1x1024xf32> to vector<1024xf32>
      %add3A = arith.addf %get3A_20, %get3A_24 : vector<1024xf32>
      %add3A_25 = arith.constant 1.000000e+00 : f32
      %add3A_26 = vector.broadcast %add3A_25 : f32 to vector<1024xf32>
      %add3A_27 = arith.addf %add3A, %add3A_26 : vector<1024xf32>
      %rsqrt3A = math.rsqrt %add3A_27 : vector<1024xf32>
      %get3A_28 = arith.constant 0 : index
      %get3A_29 = arith.constant 0 : index
      %get3A_30 = arith.constant 0 : index
      %get3A_31 = vector.load %arg3[%get3A_28, %get3A_29, %get3A_30] : memref<2x1024x128xf32, #tpu.memory_space<vmem>>, vector<1x1024x128xf32>
      %get3A_32 = vector.shape_cast %get3A_31 : vector<1x1024x128xf32> to vector<1024x128xf32>
      %get3A_33 = arith.constant 1 : index
      %get3A_34 = arith.constant 0 : index
      %get3A_35 = arith.constant 0 : index
      %get3A_36 = vector.load %arg3[%get3A_33, %get3A_34, %get3A_35] : memref<2x1024x128xf32, #tpu.memory_space<vmem>>, vector<1x1024x128xf32>
      %get3A_37 = vector.shape_cast %get3A_36 : vector<1x1024x128xf32> to vector<1024x128xf32>
      %add3A_38 = arith.addf %get3A_32, %get3A_37 : vector<1024x128xf32>
      %get3A_39 = arith.constant 0 : index
      %get3A_40 = arith.constant 0 : index
      %get3A_41 = vector.load %arg4[%get3A_39, %get3A_40] : memref<1024x128xf32, #tpu.memory_space<vmem>>, vector<1024x128xf32>
      %add3A_42 = arith.addf %add3A_38, %get3A_41 : vector<1024x128xf32>
      %broadcast_in_dim3A_43 = vector.shape_cast %rsqrt3A : vector<1024xf32> to vector<1024x1xf32>
      %mul3A = vector.broadcast %broadcast_in_dim3A_43 : vector<1024x1xf32> to vector<1024x128xf32>
      %mul3A_44 = arith.mulf %add3A_42, %mul3A : vector<1024x128xf32>
      %get3A_45 = arith.constant 0 : index
      %get3A_46 = arith.constant 0 : index
      %get3A_47 = vector.load %arg5[%get3A_45, %get3A_46] : memref<1x128xf32, #tpu.memory_space<vmem>>, vector<1x128xf32>
      %add3A_48 = vector.broadcast %get3A_47 : vector<1x128xf32> to vector<1024x128xf32>
      %add3A_49 = arith.addf %mul3A_44, %add3A_48 : vector<1024x128xf32>
      %max3A = arith.constant 0.000000e+00 : f32
      %max3A_50 = vector.broadcast %max3A : f32 to vector<1024x128xf32>
      %max3A_51 = arith.maximumf %add3A_49, %max3A_50 : vector<1024x128xf32>
      %mul3A_52 = arith.constant 1024 : i32
      %mul3A_53 = arith.muli %arg1, %mul3A_52 : i32
      %swap3A = arith.index_cast %mul3A_53 : i32 to index
      %swap3A_54 = arith.constant 0 : index
      %swap3A_55 = vector.load %arg14[%swap3A, %swap3A_54] : memref<10240x128xf32, #tpu.memory_space<vmem>>, vector<1024x128xf32>
      tpu.vector_store %arg14[%swap3A, %swap3A_54], %max3A_51 {strides = array<i32>} : memref<10240x128xf32, #tpu.memory_space<vmem>>, vector<1024x128xf32>,
      %get3A_56 = arith.constant 0 : index
      %get3A_57 = arith.constant 0 : index
      %get3A_58 = vector.load %arg6[%get3A_56, %get3A_57] : memref<128x128xf32, #tpu.memory_space<vmem>>, vector<128x128xf32>
      %dot_general3A = arith.constant dense<0.000000e+00> : vector<1024x128xf32>
      %dot_general3A_59 = tpu.matmul %max3A_51, %get3A_58, %dot_general3A {dimension_numbers = #tpu.dot_dimension_numbers<[1], [0], [0], [1], [0, 0, 1, 1], [], []>, precision = #tpu.contract_precision<fp32>, transpose_lhs_hint = false} : vector<1024x128xf32>, vector<128x128xf32>, vector<1024x128xf32> -> vector<1024x128xf32>
      %get3A_60 = arith.constant 0 : index
      %get3A_61 = arith.constant 0 : index
      %get3A_62 = vector.load %arg7[%get3A_60, %get3A_61] : memref<1x128xf32, #tpu.memory_space<vmem>>, vector<1x128xf32>
      %add3A_63 = vector.broadcast %get3A_62 : vector<1x128xf32> to vector<1024x128xf32>
      %add3A_64 = arith.addf %dot_general3A_59, %add3A_63 : vector<1024x128xf32>
      %max3A_65 = arith.constant 0.000000e+00 : f32
      %max3A_66 = vector.broadcast %max3A_65 : f32 to vector<1024x128xf32>
      %max3A_67 = arith.maximumf %add3A_64, %max3A_66 : vector<1024x128xf32>
      %get3A_68 = arith.constant 0 : index
      %get3A_69 = arith.constant 0 : index
      %get3A_70 = vector.load %arg8[%get3A_68, %get3A_69] : memref<1x128xf32, #tpu.memory_space<vmem>>, vector<1x128xf32>
      %mul3A_71 = vector.broadcast %get3A_70 : vector<1x128xf32> to vector<1024x128xf32>
      %mul3A_72 = arith.mulf %max3A_67, %mul3A_71 : vector<1024x128xf32>
      %reduce_sum3A = arith.constant dense<0.000000e+00> : vector<1024xf32>
      %reduce_sum3A_73 = vector.multi_reduction <add>, %mul3A_72, %reduce_sum3A [1] : vector<1024x128xf32> to vector<1024xf32>
      %get3A_74 = arith.constant 0 : index
      %get3A_75 = arith.constant 0 : index
      %get3A_76 = vector.load %arg9[%get3A_74, %get3A_75] : memref<1x1xf32, #tpu.memory_space<vmem>>, vector<1x1xf32>
      %get3A_77 = vector.extract %get3A_76[0, 0] : f32 from vector<1x1xf32>
      %add3A_78 = vector.broadcast %get3A_77 : f32 to vector<1024xf32>
      %add3A_79 = arith.addf %reduce_sum3A_73, %add3A_78 : vector<1024xf32>
      %mul3A_80 = arith.constant 1024 : i32
      %mul3A_81 = arith.muli %arg1, %mul3A_80 : i32
      %swap3A_82 = arith.constant 0 : index
      %swap3A_83 = arith.index_cast %mul3A_81 : i32 to index
      %swap3A_84 = vector.load %arg15[%swap3A_82, %swap3A_83] : memref<1x10240xf32, #tpu.memory_space<vmem>>, vector<1x1024xf32>
      %swap3A_85 = vector.shape_cast %swap3A_84 : vector<1x1024xf32> to vector<1024xf32>
      %swap3A_86 = vector.shape_cast %add3A_79 : vector<1024xf32> to vector<1x1024xf32>
      tpu.vector_store %arg15[%swap3A_82, %swap3A_83], %swap3A_86 {strides = array<i32>} : memref<1x10240xf32, #tpu.memory_space<vmem>>, vector<1x1024xf32>,
      %broadcast_in_dim3A_87 = vector.shape_cast %add3A_79 : vector<1024xf32> to vector<1024x1xf32>
      %jit3A = arith.constant 0xFF800000 : f32
      %broadcast_in_dim3A_88 = vector.shape_cast %broadcast_in_dim3A_87 : vector<1024x1xf32> to vector<1024x1xf32>
      %broadcast_in_dim3A_89 = vector.broadcast %broadcast_in_dim3A_88 : vector<1024x1xf32> to vector<1024x128xf32>
      %broadcast_in_dim3A_90 = vector.broadcast %jit3A : f32 to vector<1024x128xf32>
      %select_n3A = arith.select %eq3A_3, %broadcast_in_dim3A_89, %broadcast_in_dim3A_90 : vector<1024x128xi1>, vector<1024x128xf32>
      %get3A_91 = arith.constant 0 : index
      %get3A_92 = arith.constant 0 : index
      %get3A_93 = vector.load %arg16[%get3A_91, %get3A_92] : memref<1x128xf32, #tpu.memory_space<vmem>>, vector<1x128xf32>
      %reduce_max3A = arith.constant dense<0xFF800000> : vector<128xf32>
      %reduce_max3A_94 = vector.multi_reduction <maximumf>, %select_n3A, %reduce_max3A [0] : vector<1024x128xf32> to vector<128xf32>
      %broadcast_in_dim3A_95 = vector.shape_cast %reduce_max3A_94 : vector<128xf32> to vector<1x128xf32>
      %max3A_96 = arith.maximumf %get3A_93, %broadcast_in_dim3A_95 : vector<1x128xf32>
      %swap3A_97 = arith.constant 0 : index
      %swap3A_98 = arith.constant 0 : index
      %swap3A_99 = vector.load %arg16[%swap3A_97, %swap3A_98] : memref<1x128xf32, #tpu.memory_space<vmem>>, vector<1x128xf32>
      tpu.vector_store %arg16[%swap3A_97, %swap3A_98], %max3A_96 {strides = array<i32>} : memref<1x128xf32, #tpu.memory_space<vmem>>, vector<1x128xf32>,
    } else {
    }
    %eq3A_7 = arith.constant 1 : i32
    %eq3A_8 = arith.cmpi eq, %arg0, %eq3A_7 : i32
    %convert_element_type3A_9 = arith.extui %eq3A_8 : i1 to i32
    %cond3A_10 = arith.constant 0 : i32
    %cond3A_11 = arith.cmpi ne, %convert_element_type3A_9, %cond3A_10 : i32
    scf.if %cond3A_11 {
      %eq3A_12 = arith.constant 0 : i32
      %eq3A_13 = arith.cmpi eq, %arg1, %eq3A_12 : i32
      %convert_element_type3A_14 = arith.extui %eq3A_13 : i1 to i32
      %cond3A_15 = arith.constant 0 : i32
      %cond3A_16 = arith.cmpi ne, %convert_element_type3A_14, %cond3A_15 : i32
      scf.if %cond3A_16 {
        %broadcast_in_dim3A_71 = arith.constant 0.000000e+00 : f32
        %broadcast_in_dim3A_72 = vector.broadcast %broadcast_in_dim3A_71 : f32 to vector<128x128xf32>
        %swap3A_73 = arith.constant 0 : index
        %swap3A_74 = arith.constant 0 : index
        %swap3A_75 = vector.load %arg17[%swap3A_73, %swap3A_74] : memref<128x128xf32, #tpu.memory_space<vmem>>, vector<128x128xf32>
        tpu.vector_store %arg17[%swap3A_73, %swap3A_74], %broadcast_in_dim3A_72 {strides = array<i32>} : memref<128x128xf32, #tpu.memory_space<vmem>>, vector<128x128xf32>,
        %broadcast_in_dim3A_76 = arith.constant 0.000000e+00 : f32
        %broadcast_in_dim3A_77 = vector.broadcast %broadcast_in_dim3A_76 : f32 to vector<128x128xf32>
        %swap3A_78 = arith.constant 0 : index
        %swap3A_79 = arith.constant 0 : index
        %swap3A_80 = vector.load %arg18[%swap3A_78, %swap3A_79] : memref<128x128xf32, #tpu.memory_space<vmem>>, vector<128x128xf32>
        tpu.vector_store %arg18[%swap3A_78, %swap3A_79], %broadcast_in_dim3A_77 {strides = array<i32>} : memref<128x128xf32, #tpu.memory_space<vmem>>, vector<128x128xf32>,
      } else {
      }
      %mul3A = arith.constant 1024 : i32
      %mul3A_17 = arith.muli %arg1, %mul3A : i32
      %get3A_18 = arith.constant 0 : index
      %get3A_19 = arith.index_cast %mul3A_17 : i32 to index
      %get3A_20 = vector.load %arg15[%get3A_18, %get3A_19] : memref<1x10240xf32, #tpu.memory_space<vmem>>, vector<1x1024xf32>
      %get3A_21 = vector.shape_cast %get3A_20 : vector<1x1024xf32> to vector<1024xf32>
      %get3A_22 = arith.constant 0 : index
      %get3A_23 = arith.constant 0 : index
      %get3A_24 = vector.load %arg16[%get3A_22, %get3A_23] : memref<1x128xf32, #tpu.memory_space<vmem>>, vector<1x128xf32>
      %get3A_25 = vector.shape_cast %get3A_24 : vector<1x128xf32> to vector<128xf32>
      %eq3A_26 = arith.constant 0xFF800000 : f32
      %eq3A_27 = vector.broadcast %eq3A_26 : f32 to vector<128xf32>
      %eq3A_28 = arith.cmpf oeq, %get3A_25, %eq3A_27 : vector<128xf32>
      %jit3A = arith.constant 0.000000e+00 : f32
      %broadcast_in_dim3A_29 = vector.broadcast %jit3A : f32 to vector<128xf32>
      %select_n3A = arith.select %eq3A_28, %broadcast_in_dim3A_29, %get3A_25 : vector<128xi1>, vector<128xf32>
      %convert_element_type3A_30 = arith.extui %eq3A_3 : vector<1024x128xi1> to vector<1024x128xi32>
      %convert_element_type3A_31 = arith.sitofp %convert_element_type3A_30 : vector<1024x128xi32> to vector<1024x128xf32>
      %broadcast_in_dim3A_32 = vector.shape_cast %select_n3A : vector<128xf32> to vector<1x128xf32>
      %mul3A_33 = vector.broadcast %broadcast_in_dim3A_32 : vector<1x128xf32> to vector<1024x128xf32>
      %mul3A_34 = arith.mulf %convert_element_type3A_31, %mul3A_33 : vector<1024x128xf32>
      %reduce_sum3A = arith.constant dense<0.000000e+00> : vector<1024xf32>
      %reduce_sum3A_35 = vector.multi_reduction <add>, %mul3A_34, %reduce_sum3A [1] : vector<1024x128xf32> to vector<1024xf32>
      %ge3A = arith.constant 0 : i32
      %ge3A_36 = vector.broadcast %ge3A : i32 to vector<1024xi32>
      %ge3A_37 = arith.cmpi sge, %get3A_2, %ge3A_36 : vector<1024xi32>
      %sub3A = arith.subf %get3A_21, %reduce_sum3A_35 : vector<1024xf32>
      %exp3A = math.exp %sub3A : vector<1024xf32>
      %jit3A_38 = arith.constant 0.000000e+00 : f32
      %broadcast_in_dim3A_39 = vector.broadcast %jit3A_38 : f32 to vector<1024xf32>
      %select_n3A_40 = arith.select %ge3A_37, %exp3A, %broadcast_in_dim3A_39 : vector<1024xi1>, vector<1024xf32>
      %broadcast_in_dim3A_41 = vector.shape_cast %select_n3A_40 : vector<1024xf32> to vector<1024x1xf32>
      %mul3A_42 = vector.broadcast %broadcast_in_dim3A_41 : vector<1024x1xf32> to vector<1024x128xf32>
      %mul3A_43 = arith.mulf %convert_element_type3A_31, %mul3A_42 : vector<1024x128xf32>
      %get3A_44 = arith.constant 0 : index
      %get3A_45 = arith.constant 0 : index
      %get3A_46 = vector.load %arg17[%get3A_44, %get3A_45] : memref<128x128xf32, #tpu.memory_space<vmem>>, vector<128x128xf32>
      %mul3A_47 = arith.constant 1024 : i32
      %mul3A_48 = arith.muli %arg1, %mul3A_47 : i32
      %get3A_49 = arith.index_cast %mul3A_48 : i32 to index
      %get3A_50 = arith.constant 0 : index
      %get3A_51 = vector.load %arg14[%get3A_49, %get3A_50] : memref<10240x128xf32, #tpu.memory_space<vmem>>, vector<1024x128xf32>
      %dot_general3A = arith.constant dense<0.000000e+00> : vector<128x128xf32>
      %dot_general3A_52 = tpu.matmul %mul3A_43, %get3A_51, %dot_general3A {dimension_numbers = #tpu.dot_dimension_numbers<[0], [0], [1], [1], [0, 1, 1, 1], [], []>, precision = #tpu.contract_precision<fp32>, transpose_lhs_hint = false} : vector<1024x128xf32>, vector<1024x128xf32>, vector<128x128xf32> -> vector<128x128xf32>
      %add3A = arith.addf %get3A_46, %dot_general3A_52 : vector<128x128xf32>
      %swap3A = arith.constant 0 : index
      %swap3A_53 = arith.constant 0 : index
      %swap3A_54 = vector.load %arg17[%swap3A, %swap3A_53] : memref<128x128xf32, #tpu.memory_space<vmem>>, vector<128x128xf32>
      tpu.vector_store %arg17[%swap3A, %swap3A_53], %add3A {strides = array<i32>} : memref<128x128xf32, #tpu.memory_space<vmem>>, vector<128x128xf32>,
      %get3A_55 = arith.constant 0 : index
      %get3A_56 = arith.constant 0 : index
      %get3A_57 = vector.load %arg18[%get3A_55, %get3A_56] : memref<128x128xf32, #tpu.memory_space<vmem>>, vector<128x128xf32>
      %broadcast_in_dim3A_58 = arith.constant 1.000000e+00 : f32
      %broadcast_in_dim3A_59 = vector.broadcast %broadcast_in_dim3A_58 : f32 to vector<1024x128xf32>
      %dot_general3A_60 = arith.constant dense<0.000000e+00> : vector<128x128xf32>
      %dot_general3A_61 = tpu.matmul %mul3A_43, %broadcast_in_dim3A_59, %dot_general3A_60 {dimension_numbers = #tpu.dot_dimension_numbers<[0], [0], [1], [1], [0, 1, 1, 1], [], []>, precision = #tpu.contract_precision<fp32>, transpose_lhs_hint = false} : vector<1024x128xf32>, vector<1024x128xf32>, vector<128x128xf32> -> vector<128x128xf32>
      %add3A_62 = arith.addf %get3A_57, %dot_general3A_61 : vector<128x128xf32>
      %swap3A_63 = arith.constant 0 : index
      %swap3A_64 = arith.constant 0 : index
      %swap3A_65 = vector.load %arg18[%swap3A_63, %swap3A_64] : memref<128x128xf32, #tpu.memory_space<vmem>>, vector<128x128xf32>
      tpu.vector_store %arg18[%swap3A_63, %swap3A_64], %add3A_62 {strides = array<i32>} : memref<128x128xf32, #tpu.memory_space<vmem>>, vector<128x128xf32>,
      %eq3A_66 = arith.constant 9 : i32
      %eq3A_67 = arith.cmpi eq, %arg1, %eq3A_66 : i32
      %convert_element_type3A_68 = arith.extui %eq3A_67 : i1 to i32
      %cond3A_69 = arith.constant 0 : i32
      %cond3A_70 = arith.cmpi ne, %convert_element_type3A_68, %cond3A_69 : i32
      scf.if %cond3A_70 {
        %get3A_71 = arith.constant 0 : index
        %get3A_72 = arith.constant 0 : index
        %get3A_73 = vector.load %arg17[%get3A_71, %get3A_72] : memref<128x128xf32, #tpu.memory_space<vmem>>, vector<128x128xf32>
        %get3A_74 = arith.constant 0 : index
        %get3A_75 = arith.constant 0 : index
        %get3A_76 = vector.load %arg18[%get3A_74, %get3A_75] : memref<128x128xf32, #tpu.memory_space<vmem>>, vector<128x128xf32>
        %max3A = arith.constant 1.000000e-16 : f32
        %max3A_77 = vector.broadcast %max3A : f32 to vector<128x128xf32>
        %max3A_78 = arith.maximumf %get3A_76, %max3A_77 : vector<128x128xf32>
        %div3A = arith.divf %get3A_73, %max3A_78 : vector<128x128xf32>
        %get3A_79 = arith.constant 0 : index
        %get3A_80 = arith.constant 0 : index
        %get3A_81 = vector.load %arg11[%get3A_79, %get3A_80] : memref<128x10xf32, #tpu.memory_space<vmem>>, vector<128x10xf32>
        %dot_general3A_82 = arith.constant dense<0.000000e+00> : vector<128x10xf32>
        %dot_general3A_83 = tpu.matmul %div3A, %get3A_81, %dot_general3A_82 {dimension_numbers = #tpu.dot_dimension_numbers<[1], [0], [0], [1], [0, 0, 1, 1], [], []>, precision = #tpu.contract_precision<fp32>, transpose_lhs_hint = false} : vector<128x128xf32>, vector<128x10xf32>, vector<128x10xf32> -> vector<128x10xf32>
        %get3A_84 = arith.constant 0 : index
        %get3A_85 = arith.constant 0 : index
        %get3A_86 = vector.load %arg12[%get3A_84, %get3A_85] : memref<1x10xf32, #tpu.memory_space<vmem>>, vector<1x10xf32>
        %add3A_87 = vector.broadcast %get3A_86 : vector<1x10xf32> to vector<128x10xf32>
        %add3A_88 = arith.addf %dot_general3A_83, %add3A_87 : vector<128x10xf32>
        %swap3A_89 = arith.constant 0 : index
        %swap3A_90 = arith.constant 0 : index
        %swap3A_91 = vector.load %arg13[%swap3A_89, %swap3A_90] : memref<128x10xf32, #tpu.memory_space<vmem>>, vector<128x10xf32>
        tpu.vector_store %arg13[%swap3A_89, %swap3A_90], %add3A_88 {strides = array<i32>} : memref<128x10xf32, #tpu.memory_space<vmem>>, vector<128x10xf32>,
      } else {
      }
    } else {
    }
    return
  }
  func.func @transform_0(%arg0: i32, %arg1: i32) -> (i32, i32) {
    %c0_i32 = arith.constant 0 : i32
    %c0_i32_0 = arith.constant 0 : i32
    return %c0_i32, %arg1 : i32, i32
  }
  func.func @transform_1(%arg0: i32, %arg1: i32) -> (i32, i32, i32) {
    %c0_i32 = arith.constant 0 : i32
    %c0_i32_0 = arith.constant 0 : i32
    %c0_i32_1 = arith.constant 0 : i32
    return %c0_i32, %arg1, %c0_i32_0 : i32, i32, i32
  }
  func.func @transform_2(%arg0: i32, %arg1: i32) -> (i32, i32) {
    %c0_i32 = arith.constant 0 : i32
    %c0_i32_0 = arith.constant 0 : i32
    return %arg1, %c0_i32 : i32, i32
  }
  func.func @transform_3(%arg0: i32, %arg1: i32) -> (i32, i32) {
    %c0_i32 = arith.constant 0 : i32
    %c0_i32_0 = arith.constant 0 : i32
    %c0_i32_1 = arith.constant 0 : i32
    return %c0_i32, %c0_i32_0 : i32, i32
  }
  func.func @transform_4(%arg0: i32, %arg1: i32) -> (i32, i32) {
    %c0_i32 = arith.constant 0 : i32
    %c0_i32_0 = arith.constant 0 : i32
    %c0_i32_1 = arith.constant 0 : i32
    return %c0_i32, %c0_i32_0 : i32, i32
  }
  func.func @transform_5(%arg0: i32, %arg1: i32) -> (i32, i32) {
    %c0_i32 = arith.constant 0 : i32
    %c0_i32_0 = arith.constant 0 : i32
    %c0_i32_1 = arith.constant 0 : i32
    return %c0_i32, %c0_i32_0 : i32, i32
  }
  func.func @transform_6(%arg0: i32, %arg1: i32) -> (i32, i32) {
    %c0_i32 = arith.constant 0 : i32
    %c0_i32_0 = arith.constant 0 : i32
    %c0_i32_1 = arith.constant 0 : i32
    return %c0_i32, %c0_i32_0 : i32, i32
  }
  func.func @transform_7(%arg0: i32, %arg1: i32) -> (i32, i32) {
    %c0_i32 = arith.constant 0 : i32
    %c0_i32_0 = arith.constant 0 : i32
    %c0_i32_1 = arith.constant 0 : i32
    return %c0_i32, %c0_i32_0 : i32, i32
  }
  func.func @transform_8(%arg0: i32, %arg1: i32) -> (i32, i32) {
    %c0_i32 = arith.constant 0 : i32
    %c0_i32_0 = arith.constant 0 : i32
    return %c0_i32, %arg1 : i32, i32
  }
  func.func @transform_9(%arg0: i32, %arg1: i32) -> (i32, i32) {
    %c0_i32 = arith.constant 0 : i32
    %c0_i32_0 = arith.constant 0 : i32
    %c0_i32_1 = arith.constant 0 : i32
    return %c0_i32, %c0_i32_0 : i32, i32
  }
  func.func @transform_10(%arg0: i32, %arg1: i32) -> (i32, i32) {
    %c0_i32 = arith.constant 0 : i32
    %c0_i32_0 = arith.constant 0 : i32
    %c0_i32_1 = arith.constant 0 : i32
    return %c0_i32, %c0_i32_0 : i32, i32
  }
  func.func @transform_11(%arg0: i32, %arg1: i32) -> (i32, i32) {
    %c0_i32 = arith.constant 0 : i32
    %c0_i32_0 = arith.constant 0 : i32
    %c0_i32_1 = arith.constant 0 : i32
    return %c0_i32, %c0_i32_0 : i32, i32
  }
}

</mosaic_0001>

<sc_bundles>
// kernel: kernel.11.cloned.1.call-start
scs
__scs_entry_jumppad:
0x0: {  	(pc) =	sbr.rel $0x88, $3  }
0x1: {  	(tag) =	ssettag $0x0;
	lr =	simm.s32 $0x1  }
0x2: {  	[smem:$0x3F94] =	sst lr;
	_ =	strace $0xD0000000  }
0x3: {  	_ = 	snop  }
0x4: {  	_ = 	snop  }
0x5: {  	_ = 	snop  }
0x6: {  	_ = 	snop  }
0x7: {  	_ = 	snop  }
__scs_overlays_trampoline_lowered:
0x8: {  	[smem:$0x3FA3] =	sst s0  }
0x9: {  	[smem:$0x3FA4] =	sst s1  }
0xa: {  	[smem:$0x3FA5] =	sst s2  }
0xb: {  	[smem:$0x3FA6] =	sst s3  }
0xc: {  	[smem:$0x3FA7] =	sst s4  }
0xd: {  	[smem:$0x3FA8] =	sst s5  }
0xe: {  	[smem:$0x3FA9] =	sst s6  }
0xf: {  	[smem:$0x3FAA] =	sst s7  }
0x10: {  	[smem:$0x3FAB] =	sst s8  }
0x11: {  	[smem:$0x3FAC] =	sst s9;
	s0 =	simm.s32 @!p0 $0x0  }
0x12: {  	s1 =	sld [smem:$0x3F92];
	s0 =	simm.s32 @p0 $0x1  }
0x13: {  	[smem:$0x3FAD] =	sst s0;
	s0 =	simm.s32 @!p1 $0x0  }
0x14: {  	s2 =	sld [smem:$0x3F91];
	s0 =	simm.s32 @p1 $0x1  }
0x15: {  	[smem:$0x3FAE] =	sst s0;
	s0 =	simm.s32 @!p2 $0x0  }
0x16: {  	s3 =	sld [smem:$0x3FDB];
	s0 =	simm.s32 @p2 $0x1  }
0x17: {  	s4 =	simm.s32 $0x1BF5;
	[smem:$0x3FB0] =	sst s0  }
0x18: {  	s0 =	sld [smem:$0x3F93];
	_ =	swait.ge [sflag:s4], $0x0  }
0x19: {  	s7 =	sld [smem:$0x3F94]  }
0x1a: {  	s8 =	sadd.s32 $0xFFFFE003, lr  }
0x1b: {  	s9 =	sadd.s32 $0xFFFFFEF7, lr;
	s5 =	simm.s32 $0xFFFFFFFF;
	p2 =	slt.u32 s8, $0xFFFFF086  }
0x1c: {  	p1 =	slt.u32 s9, $0xF7A;
	s5 =	simm.s32 @!p2 $0x0  }
0x1d: {  	s5 =	simm.s32 @p1 $0x1;
	p0 =	seq.s32 s7, s2  }
0x1e: {  	s7 =	smul.u32 @!p0 $0xF7A, s2;
	p2 =	seq.s32 @!p0 s5, $0x0  }
0x1f: {  	s9 =	smul.u32 $0xF7A, s1;
	s8 =	simm.s32 @!p0 $0x1BF5;
	p2 =	por !p2, p0  }
0x20: {  	[sflag:s8] =	ssyncset.s32 @!p0 $0xFFFFF086;
	s6 =	sadd.s32 @!p0 s3, s7;
	s7 =	simm.s32 @!p0 $0x108  }
0x21: {  	s3 =	sadd.s32 s3, s9;
	s6 =	sadd.s32 @!p0 $0x88, s6;
	s7 =	simm.s32 @p2 $0x1082  }
0x22: {  	[simem:s7], [sflag:s8] =	dma.local @!p0 [hbm:s6], $0xF7A  }
0x23: {  	s9 =	sor.u32 $0xD0000000, s2;
	s6 =	simm.s32 $0x108;
	_ =	swait.ge @!p0 [sflag:s8], $0x0  }
0x24: {  	s3 =	sadd.s32 $0x88, s3;
	s6 =	simm.s32 @!p1 $0x1082;
	[sflag:s4] =	ssyncset.s32 $0xFFFFF086  }
0x25: {  	[simem:s6], [sflag:s4] =	dma.local [hbm:s3], $0xF7A  }
0x26: {  	[smem:$0x3F94] =	sst s1;
	(tag) =	ssettag s2;
	_ =	strace s9  }
0x27: {  	s1 =	sld [smem:$0x3FA4]  }
0x28: {  	s2 =	sld [smem:$0x3FA5]  }
0x29: {  	s4 =	sld [smem:$0x3FA7]  }
0x2a: {  	p0 =	seq.s32 s5, $0x0;
	s5 =	sld [smem:$0x3FA8]  }
0x2b: {  	s6 =	sld [smem:$0x3FA9]  }
0x2c: {  	s7 =	sld [smem:$0x3FAA]  }
0x2d: {  	s3 =	simm.s32 $0x108;
	s8 =	sld [smem:$0x3FAB]  }
0x2e: {  	s3 =	simm.s32 @!p0 $0x1082;
	s9 =	sld [smem:$0x3FAC]  }
0x2f: {  	lr =	sadd.s32 s0, s3;
	s0 =	sld [smem:$0x3FA3]  }
0x30: {  	s3 =	sld [smem:$0x3FA6]  }
0x31: {  	[smem:$0x3FAF] =	sst s10  }
0x32: {  	s10 =	sld [smem:$0x3FAD];
	_ =	sdelay $0x3  }
0x33: {  	p0 =	seq.s32 s10, $0x1;
	s10 =	sld [smem:$0x3FAF];
	_ =	sdelay $0x3  }
0x34: {  	[smem:$0x3FAF] =	sst s10  }
0x35: {  	s10 =	sld [smem:$0x3FAE];
	_ =	sdelay $0x3  }
0x36: {  	p1 =	seq.s32 s10, $0x1;
	s10 =	sld [smem:$0x3FAF];
	_ =	sdelay $0x3  }
0x37: {  	[smem:$0x3FAF] =	sst s10  }
0x38: {  	s10 =	sld [smem:$0x3FB0]  }
0x39: {  	_ = 	snop;
	(pc) =	sbr.ind lr, $3  }
0x3a: {  	_ = 	snop  }
0x3b: {  	_ = 	snop  }
0x3c: {  	p2 =	seq.s32 s10, $0x1;
	s10 =	sld [smem:$0x3FAF]  }
0x3d: {  	_ =	shalt  }
0x3e: {  	_ =	shalt  }
0x3f: {  	_ =	shalt  }
0x40: {  	_ =	shalt  }
0x41: {  	_ =	shalt  }
0x42: {  	_ =	shalt  }
0x43: {  	_ =	shalt  }
0x44: {  	_ =	shalt  }
0x45: {  	_ =	shalt  }
0x46: {  	_ =	shalt  }
0x47: {  	_ =	shalt  }
0x48: {  	_ =	shalt  }
0x49: {  	_ =	shalt  }
0x4a: {  	_ =	shalt  }
0x4b: {  	_ =	shalt  }
0x4c: {  	_ =	shalt  }
0x4d: {  	_ =	shalt  }
0x4e: {  	_ =	shalt  }
0x4f: {  	_ =	shalt  }
0x50: {  	_ =	shalt  }
0x51: {  	_ =	shalt  }
0x52: {  	_ =	shalt  }
0x53: {  	_ =	shalt  }
0x54: {  	_ =	shalt  }
0x55: {  	_ =	shalt  }
0x56: {  	_ =	shalt  }
0x57: {  	_ =	shalt  }
0x58: {  	_ =	shalt  }
0x59: {  	_ =	shalt  }
0x5a: {  	_ =	shalt  }
0x5b: {  	_ =	shalt  }
0x5c: {  	_ =	shalt  }
0x5d: {  	_ =	shalt  }
0x5e: {  	_ =	shalt  }
0x5f: {  	_ =	shalt  }
0x60: {  	_ =	shalt  }
0x61: {  	_ =	shalt  }
0x62: {  	_ =	shalt  }
0x63: {  	_ =	shalt  }
0x64: {  	_ =	shalt  }
0x65: {  	_ =	shalt  }
0x66: {  	_ =	shalt  }
0x67: {  	_ =	shalt  }
0x68: {  	_ =	shalt  }
0x69: {  	_ =	shalt  }
0x6a: {  	_ =	shalt  }
0x6b: {  	_ =	shalt  }
0x6c: {  	_ =	shalt  }
0x6d: {  	_ =	shalt  }
0x6e: {  	_ =	shalt  }
0x6f: {  	_ =	shalt  }
0x70: {  	_ =	shalt  }
0x71: {  	_ =	shalt  }
0x72: {  	_ =	shalt  }
0x73: {  	_ =	shalt  }
0x74: {  	_ =	shalt  }
0x75: {  	_ =	shalt  }
0x76: {  	_ =	shalt  }
0x77: {  	_ =	shalt  }
0x78: {  	_ =	shalt  }
0x79: {  	_ =	shalt  }
0x7a: {  	_ =	shalt  }
0x7b: {  	_ =	shalt  }
0x7c: {  	_ =	shalt  }
0x7d: {  	_ =	shalt  }
0x7e: {  	_ =	shalt  }
0x7f: {  	_ =	shalt  }
0x80: {  	_ =	shalt  }
0x81: {  	_ =	shalt  }
0x82: {  	_ =	shalt  }
0x83: {  	_ =	shalt  }
0x84: {  	_ =	shalt  }
0x85: {  	_ =	shalt  }
0x86: {  	_ =	shalt  }
0x87: {  	_ =	shalt  }
.Lfunc_end0:
.L_simem_size_0:
called_computation.1_lowered:
.L_overlay_start_0:
0x88: {  	s2 =	sld [smem:$0x3FD9]  }
0x89: {  	s3 =	sld [smem:$0x3FFE];
	_ =	sdelay $0x1  }
0x8a: {  	s1 =	srdreg.scid  }
0x8b: {  	s0 =	sand.u32 $0x1, s1  }
0x8c: {  	s17 =	sshll.u32 s0, $0xA;
	s2 =	sadd.s32 s3, s2  }
0x8d: {  	s2 =	sadd.s32 s2, s17  }
0x8e: {  	[smem:$0x3FBB] =	sst s2  }
0x8f: {  	_ = 	snop  }
0x90: {  	s2 =	sld [smem:$0x3FC8];
	(tm) =	ssettm $0x1  }
0x91: {  	s18 =	sld [smem:$0x3FFB];
	_ =	sdelay $0x3  }
0x92: {  	_ =	strace s18  }
0x93: {  	s3 =	sld [smem:$0x3FFC];
	_ =	sdelay $0x3  }
0x94: {  	_ =	strace s3  }
0x95: {  	s3 =	sld [smem:$0x3FFD];
	_ =	sdelay $0x3  }
0x96: {  	_ =	strace s3  }
0x97: {  	_ =	strace $0x8FFFFFFF  }
0x98: {  	s19 =	sld [smem:$0x3FDB];
	_ =	sdelay $0x1  }
0x99: {  	s4 =	simm.s32 $_scs_section_size  }
0x9a: {  	s5 =	simm.s32 $_size__tile_overlayer_lowered;
	s6 =	simm.s32 $_tile_overlayer_lowered  }
0x9b: {  	s22 =	simm.s32 $0x1BFF;
	s21 =	sshll.u32 s6, $0x1;
	s3 =	sadd.s32 s4, s19  }
0x9c: {  	s7 =	simm.s32 $0x0;
	s20 =	sshll.u32 s5, $0x1;
	s5 =	sadd.s32 s21, s3  }
0x9d: {  	[timem:s7], [sflag:s22] =	dma.local [hbm:s5], s20  }
0x9e: {  	_ =	swait.ge [sflag:s22], s20  }
0x9f: {  	s4 =	ssub.s32 $0x0, s20;
	[sflag:s22] =	ssyncset.done $0x0  }
0xa0: {  	[sflag:s22] =	ssyncadd.s32 s4;
	_ =	sdelay $0x1  }
0xa1: {  	s23 =	simm.s32 $0x1B8B  }
0xa2: {  	_ =	swait.ge [sflag:s23], $0x1  }
0xa3: {  	[sflag:s23] =	ssyncset.done $0x0  }
0xa4: {  	s25 =	simm.s32 $0x1B8E;
	s24 =	sld [smem:$0x3FFE];
	[sflag:s23] =	ssyncadd.s32 $0xFFFFFFFF  }
0xa5: {  	s26 =	simm.s32 $execute0_lowered;
	[smem:$0x3FD2] =	sst s25  }
0xa6: {  	s5 =	sshll.u32 s26, $0x1;
	_ =	strace $0x80000049;
	[dreg:$0x1] =	wrdreg $0xFFFFFFFF  }
0xa7: {  	s28 =	simm.s32 $_size_execute0_lowered;
	s3 =	sadd.s32 s3, s5;
	[dreg:$0x0] =	wrdreg $0x0  }
0xa8: {  	s5 =	sshll.u32 s28, $0x1;
	[dreg:$0x2] =	wrdreg s3  }
0xa9: {  	[dreg:$0x3] =	wrdreg s5  }
0xaa: {  	[dreg:$0x4] =	wrdreg $0xC0  }
0xab: {  	_ =	task [dreg:s7], $0x5FFFF  }
0xac: {  	[dreg:$0x1] =	wrdreg $0xFFFFFFFF  }
0xad: {  	[dreg:$0x0] =	wrdreg $0x60  }
0xae: {  	[dreg:$0x2] =	wrdreg s24  }
0xaf: {  	[dreg:$0x3] =	wrdreg s2  }
0xb0: {  	[dreg:$0x4] =	wrdreg $0x0  }
0xb1: {  	[dreg:$0x5] =	wrdreg $0x9  }
0xb2: {  	_ =	task.clear_ibuf [dreg:s7], $0x6FFFF;
	_ =	strace $0x90000049  }
0xb3: {  	s29 =	simm.s32 $0x9;
	_ =	strace $0x8000004B  }
0xb4: {  	_ =	swait.ge [sflag:s29], $0x1  }
0xb5: {  	[sflag:s29] =	ssyncadd.s32 $0xFFFFFFFF  }
0xb6: {  	_ =	strace $0x9000004B  }
0xb7: {  	_ =	sfence  }
0xb8: {  	s30 =	sld [smem:$0x0];
	_ =	sdelay $0x2  }
0xb9: {  	s31 =	sshll.u32 s1, $0xD;
	s1 =	sshrl.u32 s1, $0x2  }
0xba: {  	s3 =	sand.u32 $0x4000, s31;
	s1 =	sadd.s32 s1, s30  }
0xbb: {  	s0 =	sor.u32 s3, s0;
	s1 =	sshll.u32 s1, $0x11  }
0xbc: {  	s0 =	sor.u32 s1, s0  }
0xbd: {  	s0 =	sadd.s32 $0x8F2B, s0  }
0xbe: {  	[sflag:s0] =	ssyncadd.remote.s32 $0x1  }
0xbf: {  	_ =	sfence.sel $0xFFFF  }
0xc0: {  	[dreg:$0x0] =	wrdreg $0xFFFFFFFF;
	(pc) =	sbr.abs _section_cstart, $3  }
0xc1: {  	[dreg:$0x1] =	wrdreg $0xFFFFFFFF  }
0xc2: {  	_ =	task.clear_ibuf [dreg:s7], $0x2FFFF;
	_ =	strace $0x9FFFFFFF  }
0xc3: {  	(tm) =	ssettm $0x7FFFFFFF  }
tec
execute0_lowered:
.L_overlay_start_1:
0x0: {  	(tag) =	ssettag $0x1  }
0x1: {  	s0 =	rddreg [dreg:$0x0]  }
0x2: {  	s2 =	rddreg [dreg:$0x1];
	s1 =	srdreg.scid  }
0x3: {  	s3 =	rddreg [dreg:$0x2];
	s11 =	stileid.u32;
	s4 =	simm.s32 $0x0  }
0x4: {  	s10 =	simm.s32 $0x4F;
	s26 =	simm.s32 $0x14200;
	s28 =	simm.s32 $0x14280  }
0x5: {  	s29 =	simm.s32 $0x80;
	s30 =	simm.s32 $0x2;
	s6 =	smul.u32 $0x14000, s11  }
0x6: {  	s31 =	simm.s32 $0x4;
	s1 =	sand.u32 $0x1, s1;
	s7 =	smul.u32 $0x50000, s11  }
0x7: {  	[smem:$0x7FF] =	sst s4;
	s12 =	sadd.s32 $0x10, s2;
	s5 =	smul.u32 $0x140000, s1  }
0x8: {  	_ =	strace $0x8000004A;
	s8 =	ssub.s32 $0x2, s1;
	[dreg:$0x4] =	wrdreg s26  }
0x9: {  	s9 =	sshll.u32 s1, $0x4;
	s1 =	sshll.u32 s1, $0xC;
	[dreg:$0x5] =	wrdreg s28  }
0xa: {  	s26 =	simm.s32 $0x5;
	s14 =	sshrl.u32 s8, $0x1;
	s7 =	sshrl.u32 s7, $0x2  }
0xb: {  	s15 =	sor.u32 s11, s9;
	s11 =	sshll.u32 s11, $0x8;
	s6 =	sadd.s32 s6, s5  }
0xc: {  	s5 =	sadd.s32 $0x3000, s0;
	s8 =	ssub.s32 s8, s14;
	p0 =	slt.u32 s15, $0x4  }
0xd: {  	s20 =	sshll.u32 s15, $0x5;
	s1 =	sor.u32 s11, s1;
	s6 =	sshrl.u32 s6, $0x3  }
0xe: {  	s10 =	simm.s32 @!p0 $0x4E;
	s13 =	sadd.s32 s2, s20;
	s9 =	sadd.s32 s20, s12  }
0xf: {  	s23 =	sor.u32 $0x6000, s1;
	s24 =	smax.u32 s8, $0x1;
	[dreg:$0xb] =	wrdreg s9  }
0x10: {  	s14 =	sor.u32 $0x4000, s1;
	p0 =	sgt.u32 s15, $0x3;
	[dreg:$0xa] =	wrdreg s13  }
0x11: {  	s0 =	sadd.s32 s6, s0;
	s21 =	sadd.s32 $0x400, s13;
	[dreg:$0xf] =	wrdreg s24  }
0x12: {  	s6 =	sadd.s32 s7, s3;
	s22 =	sadd.s32 $0x410, s13;
	[dreg:$0xc] =	wrdreg s21  }
0x13: {  	s1 =	simm.s32 $0x0;
	s16 =	sadd.s32 $0x4000, s6;
	[dreg:$0xd] =	wrdreg s22  }
0x14: {  	s25 =	sshrl.u32 s23, $0x3;
	s17 =	sadd.s32 $0x8000, s6;
	[dreg:$0x6] =	wrdreg s16  }
0x15: {  	s24 =	simm.s32 $0x14080;
	s18 =	sadd.s32 $0xC000, s6;
	[dreg:$0x7] =	wrdreg s17  }
0x16: {  	s19 =	sadd.s32 $0x10000, s6;
	s0 =	sadd.s32 $0x2B000, s0;
	[dreg:$0x8] =	wrdreg s18  }
0x17: {  	s11 =	sadd.s32 s25, s12;
	s21 =	simm.s32 $0x14300;
	[dreg:$0x9] =	wrdreg s19  }
0x18: {  	v0 =	vimm.f32 $0.0e+00;
	s25 =	simm.s32 $0x9;
	[dreg:$0xe] =	wrdreg s0;
	s0 =	simm.s32 $0x18300  }
.LBB2_1:
0x19: {  	s7 =	sand.u32 $0xFE00, s4  }
0x1a: {  	s8 =	sand.u32 $0x70, s4;
	s9 =	sshrl.u32 s7, $0x2  }
0x1b: {  	s7 =	simm.s32 $0x40;
	s9 =	sor.u32 s8, s9;
	s8 =	simm.s32 $0x0  }
.LBB2_2:
0x1c: {  	p1 =	sne.s32 s7, $0xFFC0  }
0x1d: {  	[tilespmem:s9+$0x14300] =	vst v0;
	s8 =	sadd.s32 $0x10, s8;
	s9 =	smov.u32 s7;
	s7 =	sadd.s32 $0x40, s7  }
.Ltmp0:
0x1e: {  	(pc) =	sbr.rel @p1 .LBB2_2-.Ltmp0, $4  }
0x1f: {  	_ = 	snop  }
0x20: {  	s9 =	sand.u32 $0xFE00, s9  }
0x21: {  	s13 =	sand.u32 $0x70, s8;
	s9 =	sshrl.u32 s9, $0x2  }
0x22: {  	s9 =	sor.u32 s13, s9  }
0x23: {  	[tilespmem:s9+$0x14300] =	vst v0  }
0x24: {  	[spmem:s6] =	stream.linear.scatter [tilespmem:s21], [sflag:$0x5], $0x4000, $0x38;
	[tilespmem:$0x1C300] =	vst v63  }
0x25: {  	s7 =	rddreg [dreg:$0x6]  }
0x26: {  	[spmem:s7] =	stream.linear.scatter [tilespmem:s21], [sflag:$0x5], $0x4000, $0x38;
	[tilespmem:$0x1C300] =	vst v63  }
0x27: {  	s13 =	rddreg [dreg:$0x7]  }
0x28: {  	[spmem:s13] =	stream.linear.scatter [tilespmem:s21], [sflag:$0x5], $0x4000, $0x38;
	[tilespmem:$0x1C300] =	vst v63  }
0x29: {  	s15 =	rddreg [dreg:$0x8]  }
0x2a: {  	[spmem:s15] =	stream.linear.scatter [tilespmem:s21], [sflag:$0x5], $0x4000, $0x38;
	[tilespmem:$0x1C300] =	vst v63  }
0x2b: {  	s16 =	rddreg [dreg:$0x9]  }
0x2c: {  	[spmem:s16] =	stream.linear.scatter [tilespmem:s21], [sflag:$0x5], $0x4000, $0x38;
	[tilespmem:$0x1C300] =	vst v63  }
0x2d: {  	s17 =	rddreg [dreg:$0xa];
	s8 =	simm.s32 $0x14000  }
0x2e: {  	[tilespmem:s8], [sflag:$0x1] =	stream.linear.gather [hbm4b:s17+s4], $0x80, $0x38;
	[tilespmem:$0x1C300] =	vst v63  }
0x2f: {  	s18 =	rddreg [dreg:$0xb];
	s19 =	simm.s32 $0x14100  }
0x30: {  	[tilespmem:s19], [sflag:$0x3] =	stream.linear.gather [hbm4b:s18+s4], $0x80, $0x38;
	[tilespmem:$0x1C300] =	vst v63  }
0x31: {  	s20 =	rddreg [dreg:$0xc]  }
0x32: {  	[tilespmem:s24], [sflag:$0x2] =	stream.linear.gather [hbm4b:s20+s4], $0x80, $0x38;
	[tilespmem:$0x1C300] =	vst v63  }
0x33: {  	s22 =	rddreg [dreg:$0xd];
	s23 =	simm.s32 $0x14180  }
0x34: {  	[tilespmem:s23], [sflag:$0x4] =	stream.linear.gather [hbm4b:s22+s4], $0x80, $0x38;
	[tilespmem:$0x1C300] =	vst v63  }
0x35: {  	_ =	swait.ge [sflag:s26], $0x4000  }
0x36: {  	[sflag:s26] =	ssyncset.done $0x0  }
0x37: {  	[sflag:s26] =	ssyncadd.s32 $0xFFFFC000  }
0x38: {  	_ =	swait.ge [sflag:s26], $0x4000  }
0x39: {  	[sflag:s26] =	ssyncset.done $0x0  }
0x3a: {  	[sflag:s26] =	ssyncadd.s32 $0xFFFFC000  }
0x3b: {  	_ =	swait.ge [sflag:s26], $0x4000  }
0x3c: {  	[sflag:s26] =	ssyncset.done $0x0  }
0x3d: {  	[sflag:s26] =	ssyncadd.s32 $0xFFFFC000  }
0x3e: {  	_ =	swait.ge [sflag:s26], $0x4000  }
0x3f: {  	[sflag:s26] =	ssyncset.done $0x0  }
0x40: {  	[sflag:s26] =	ssyncadd.s32 $0xFFFFC000  }
0x41: {  	_ =	swait.ge [sflag:s26], $0x4000  }
0x42: {  	[sflag:s26] =	ssyncset.done $0x0  }
0x43: {  	[sflag:s26] =	ssyncadd.s32 $0xFFFFC000  }
0x44: {  	s28 =	simm.s32 $0x1;
	[bflag:$0x0] =	sbarrier.arrive $0xFFFF  }
0x45: {  	_ =	swait.ge [sflag:s28], $0x80  }
0x46: {  	[sflag:s28] =	ssyncset.done $0x0  }
0x47: {  	s7 =	simm.s32 $0x3;
	[sflag:s28] =	ssyncadd.s32 $0xFFFFFF80  }
0x48: {  	_ =	swait.ge [sflag:s7], $0x80  }
0x49: {  	[sflag:s7] =	ssyncset.done $0x0  }
0x4a: {  	[sflag:s7] =	ssyncadd.s32 $0xFFFFFF80  }
0x4b: {  	[tilespmem:s21], [sflag:$0x5] =	stream.indirect.gather [hbm4b:s5+s29], $0x80, s8, s29, $0xb8;
	[tilespmem:$0x1C300] =	vst v63  }
0x4c: {  	_ =	swait.ge [sflag:s26], $0x4000  }
0x4d: {  	p1 =	por $0x1, $0x1;
	[sflag:s26] =	ssyncset.done $0x0  }
0x4e: {  	s8 =	simm.s32 @!p1 $0x8;
	[sflag:s26] =	ssyncadd.s32 $0xFFFFC000  }
0x4f: {  	_ =	swait.ge @!p1 [sflag:s8], $0x4000  }
0x50: {  	[sflag:s8] =	ssyncset.done @!p1 $0x0  }
0x51: {  	[sflag:s8] =	ssyncadd.s32 @!p1 $0xFFFFC000  }
0x52: {  	_ =	swait.ge [sflag:s30], $0x80  }
0x53: {  	[sflag:s30] =	ssyncset.done $0x0  }
0x54: {  	[sflag:s30] =	ssyncadd.s32 $0xFFFFFF80  }
0x55: {  	_ =	swait.ge [sflag:s31], $0x80  }
0x56: {  	[sflag:s31] =	ssyncset.done $0x0  }
0x57: {  	[sflag:s31] =	ssyncadd.s32 $0xFFFFFF80  }
0x58: {  	[tilespmem:s0], [sflag:$0x6] =	stream.indirect.gather [hbm4b:s5+s29], $0x80, s24, s29, $0xb8;
	[tilespmem:$0x1C300] =	vst v63  }
0x59: {  	v1 =	vld [tilespmem:$0x14140]  }
0x5a: {  	v2 =	vld [tilespmem:$0x14150]  }
0x5b: {  	v3 =	vld [tilespmem:$0x14170]  }
0x5c: {  	v4 =	vld [tilespmem:$0x14130]  }
0x5d: {  	v5 =	vld [tilespmem:$0x14160]  }
0x5e: {  	[tilespmem:$0x14240] =	vst v1  }
0x5f: {  	s9 =	simm.s32 $0x5;
	p2 =	sle.u32 s10, $0x2;
	[tilespmem:$0x14250] =	vst v2  }
0x60: {  	s15 =	simm.s32 @!p2 $0x1;
	s16 =	simm.s32 @!p2 $0x3;
	s8 =	sshrl.u32 @!p2 s14, $0x3;
	v1 =	vld [tilespmem:$0x14110];
	[tilespmem:$0x14270] =	vst v3  }
0x61: {  	s19 =	smov.u32 s14;
	s20 =	smov.u32 s11;
	s22 =	sadd.s32 @!p2 s2, s8;
	v2 =	vld [tilespmem:$0x14120];
	[tilespmem:$0x14230] =	vst v4  }
0x62: {  	s18 =	sadd.s32 @!p2 s8, s12;
	s8 =	smov.u32 s11;
	s13 =	rddreg [dreg:$0x4];
	v3 =	vld [tilespmem:$0x14100];
	[tilespmem:$0x14260] =	vst v5  }
.LBB2_4:
0x63: {  	_ =	sdelay $0x1  }
0x64: {  	[tilespmem:$0x14210] =	vst v1  }
0x65: {  	[tilespmem:$0x14220] =	vst v2  }
0x66: {  	s28 =	simm.s32 @p2 $0x6;
	[tilespmem:$0x14200] =	vst v3  }
0x67: {  	[spmem:s3] =	stream.indirect.scatter.add.f32 [tilespmem:s21], [sflag:$0x7], $0x80, s13, s29, $0xb8;
	[tilespmem:$0x1C300] =	vst v63  }
0x68: {  	_ =	swait.ge @p2 [sflag:s28], $0x4000  }
0x69: {  	[sflag:s28] =	ssyncset.done @p2 $0x0  }
0x6a: {  	s13 =	simm.s32 @p2 $0x7;
	[sflag:s28] =	ssyncadd.s32 @p2 $0xFFFFC000  }
0x6b: {  	_ =	swait.ge @p2 [sflag:s13], $0x4000  }
0x6c: {  	[sflag:s13] =	ssyncset.done @p2 $0x0  }
0x6d: {  	s28 =	simm.s32 @!p2 $0x14000;
	[sflag:s13] =	ssyncadd.s32 @p2 $0xFFFFC000;
	s13 =	simm.s32 @!p2 $0x0  }
0x6e: {  	[tilespmem:s28], [sflag:$0x1] =	stream.linear.gather @!p2 [hbm4b:s22+s13], $0x80, $0x38;
	[tilespmem:$0x1C300] =	vst v63  }
0x6f: {  	s23 =	simm.s32 @!p2 $0x6;
	s22 =	simm.s32 @!p2 $0x14100  }
0x70: {  	[tilespmem:s22], [sflag:$0x3] =	stream.linear.gather @!p2 [hbm4b:s18+s13], $0x80, $0x38;
	[tilespmem:$0x1C300] =	vst v63  }
0x71: {  	_ =	swait.ge @!p2 [sflag:s23], $0x4000  }
0x72: {  	[sflag:s23] =	ssyncset.done @!p2 $0x0  }
0x73: {  	s13 =	simm.s32 @!p2 $0x7;
	[sflag:s23] =	ssyncadd.s32 @!p2 $0xFFFFC000  }
0x74: {  	_ =	swait.ge @!p2 [sflag:s13], $0x4000  }
0x75: {  	[sflag:s13] =	ssyncset.done @!p2 $0x0  }
0x76: {  	[sflag:s13] =	ssyncadd.s32 @!p2 $0xFFFFC000  }
0x77: {  	_ =	swait.ge @!p2 [sflag:s15], $0x80  }
0x78: {  	[sflag:s15] =	ssyncset.done @!p2 $0x0  }
0x79: {  	[sflag:s15] =	ssyncadd.s32 @!p2 $0xFFFFFF80  }
0x7a: {  	_ =	swait.ge @!p2 [sflag:s16], $0x80  }
0x7b: {  	[sflag:s16] =	ssyncset.done @!p2 $0x0  }
0x7c: {  	s13 =	simm.s32 @!p2 $0x80;
	s15 =	simm.s32 @!p2 $0x14300;
	[sflag:s16] =	ssyncadd.s32 @!p2 $0xFFFFFF80  }
0x7d: {  	[tilespmem:s15], [sflag:$0x5] =	stream.indirect.gather @!p2 [hbm4b:s5+s13], $0x80, s28, s13, $0xb8;
	[tilespmem:$0x1C300] =	vst v63  }
0x7e: {  	v1 =	vld [tilespmem:$0x14180]  }
0x7f: {  	v2 =	vld [tilespmem:$0x14190]  }
0x80: {  	v3 =	vld [tilespmem:$0x141A0]  }
0x81: {  	v4 =	vld [tilespmem:$0x141B0]  }
0x82: {  	v5 =	vld [tilespmem:$0x141D0]  }
0x83: {  	[tilespmem:$0x14280] =	vst v1;
	v1 =	vld [tilespmem:$0x141E0]  }
0x84: {  	[tilespmem:$0x14290] =	vst v2;
	v2 =	vld [tilespmem:$0x141F0]  }
0x85: {  	[tilespmem:$0x142A0] =	vst v3;
	v3 =	vld [tilespmem:$0x141C0]  }
0x86: {  	[tilespmem:$0x142B0] =	vst v4  }
0x87: {  	[tilespmem:$0x142D0] =	vst v5  }
0x88: {  	[tilespmem:$0x142E0] =	vst v1  }
0x89: {  	[tilespmem:$0x142F0] =	vst v2  }
0x8a: {  	s23 =	rddreg [dreg:$0x5];
	p2 =	sge.u32 s7, s10;
	[tilespmem:$0x142C0] =	vst v3  }
0x8b: {  	[spmem:s3] =	stream.indirect.scatter.add.f32 [tilespmem:s0], [sflag:$0x8], $0x80, s23, s29, $0xb8;
	[tilespmem:$0x1C300] =	vst v63  }
0x8c: {  	s13 =	sadd.s32 @!p2 $0xFFFFFFF0, s20;
	s15 =	simm.s32 @!p2 $0x0;
	s16 =	simm.s32 @!p2 $0x14080  }
0x8d: {  	[tilespmem:s16], [sflag:$0x2] =	stream.linear.gather @!p2 [hbm4b:s13+s15], $0x80, $0x38;
	[tilespmem:$0x1C300] =	vst v63  }
0x8e: {  	s17 =	smov.u32 s9;
	s13 =	simm.s32 @!p2 $0x14180  }
0x8f: {  	[tilespmem:s13], [sflag:$0x4] =	stream.linear.gather @!p2 [hbm4b:s20+s15], $0x80, $0x38;
	[tilespmem:$0x1C300] =	vst v63  }
0x90: {  	s7 =	smov.u32 s17;
	_ =	swait.ge [sflag:s26], $0x4000  }
0x91: {  	p2 =	seq.s32 s7, $0x3;
	[sflag:s26] =	ssyncset.done $0x0  }
0x92: {  	s13 =	simm.s32 @!p2 $0x8;
	[sflag:s26] =	ssyncadd.s32 $0xFFFFC000  }
0x93: {  	_ =	swait.ge @!p2 [sflag:s13], $0x4000  }
0x94: {  	[sflag:s13] =	ssyncset.done @!p2 $0x0  }
0x95: {  	[sflag:s13] =	ssyncadd.s32 @!p2 $0xFFFFC000  }
0x96: {  	_ =	swait.ge [sflag:s30], $0x80  }
0x97: {  	[sflag:s30] =	ssyncset.done $0x0  }
0x98: {  	[sflag:s30] =	ssyncadd.s32 $0xFFFFFF80  }
0x99: {  	_ =	swait.ge [sflag:s31], $0x80  }
0x9a: {  	[sflag:s31] =	ssyncset.done $0x0  }
0x9b: {  	[sflag:s31] =	ssyncadd.s32 $0xFFFFFF80  }
0x9c: {  	[tilespmem:s0], [sflag:$0x6] =	stream.indirect.gather [hbm4b:s5+s29], $0x80, s24, s29, $0xb8;
	[tilespmem:$0x1C300] =	vst v63  }
0x9d: {  	v2 =	vld [tilespmem:$0x14140]  }
0x9e: {  	v3 =	vld [tilespmem:$0x14150]  }
0x9f: {  	v4 =	vld [tilespmem:$0x14170]  }
0xa0: {  	s9 =	sadd.s32 $0x2, s9;
	v5 =	vld [tilespmem:$0x14130]  }
0xa1: {  	p1 =	sne.s32 s9, $0x51;
	v6 =	vld [tilespmem:$0x14160]  }
.Ltmp1:
0xa2: {  	s28 =	sadd.s32 $0xFFFFFFFF, s7;
	[tilespmem:$0x14240] =	vst v2;
	(pc) =	sbr.rel @p1 .LBB2_4-.Ltmp1, $4  }
0xa3: {  	s19 =	sadd.s32 $0x4000, s19;
	p2 =	sge.u32 s28, s10;
	[tilespmem:$0x14250] =	vst v3  }
0xa4: {  	s8 =	sadd.s32 $0x800, s8;
	s16 =	sshrl.u32 @!p2 s19, $0x3;
	v1 =	vld [tilespmem:$0x14110];
	[tilespmem:$0x14270] =	vst v4  }
0xa5: {  	s20 =	smov.u32 s8;
	s15 =	simm.s32 @!p2 $0x1;
	s22 =	sadd.s32 @!p2 s2, s16;
	v2 =	vld [tilespmem:$0x14120];
	[tilespmem:$0x14230] =	vst v5  }
0xa6: {  	s18 =	sadd.s32 @!p2 s16, s12;
	s16 =	simm.s32 @!p2 $0x3;
	s13 =	rddreg [dreg:$0x4];
	v3 =	vld [tilespmem:$0x14100];
	[tilespmem:$0x14260] =	vst v6  }
0xa7: {  	_ =	sdelay $0x1  }
0xa8: {  	[tilespmem:$0x14210] =	vst v1  }
0xa9: {  	[tilespmem:$0x14220] =	vst v2  }
0xaa: {  	s8 =	simm.s32 @p2 $0x6;
	[tilespmem:$0x14200] =	vst v3  }
0xab: {  	[spmem:s3] =	stream.indirect.scatter.add.f32 [tilespmem:s21], [sflag:$0x7], $0x80, s13, s29, $0xb8;
	[tilespmem:$0x1C300] =	vst v63  }
0xac: {  	_ =	swait.ge @p2 [sflag:s8], $0x4000  }
0xad: {  	[sflag:s8] =	ssyncset.done @p2 $0x0  }
0xae: {  	[sflag:s8] =	ssyncadd.s32 @p2 $0xFFFFC000;
	s8 =	simm.s32 @p2 $0x7  }
0xaf: {  	_ =	swait.ge @p2 [sflag:s8], $0x4000  }
0xb0: {  	[sflag:s8] =	ssyncset.done @p2 $0x0  }
0xb1: {  	s9 =	simm.s32 @!p2 $0x14000;
	[sflag:s8] =	ssyncadd.s32 @p2 $0xFFFFC000;
	s8 =	simm.s32 @!p2 $0x0  }
0xb2: {  	[tilespmem:s9], [sflag:$0x1] =	stream.linear.gather @!p2 [hbm4b:s22+s8], $0x80, $0x38;
	[tilespmem:$0x1C300] =	vst v63  }
0xb3: {  	s17 =	simm.s32 @!p2 $0x6;
	s13 =	simm.s32 @!p2 $0x14100  }
0xb4: {  	[tilespmem:s13], [sflag:$0x3] =	stream.linear.gather @!p2 [hbm4b:s18+s8], $0x80, $0x38;
	[tilespmem:$0x1C300] =	vst v63  }
0xb5: {  	_ =	swait.ge @!p2 [sflag:s17], $0x4000  }
0xb6: {  	[sflag:s17] =	ssyncset.done @!p2 $0x0  }
0xb7: {  	s8 =	simm.s32 @!p2 $0x7;
	[sflag:s17] =	ssyncadd.s32 @!p2 $0xFFFFC000  }
0xb8: {  	_ =	swait.ge @!p2 [sflag:s8], $0x4000  }
0xb9: {  	[sflag:s8] =	ssyncset.done @!p2 $0x0  }
0xba: {  	[sflag:s8] =	ssyncadd.s32 @!p2 $0xFFFFC000  }
0xbb: {  	_ =	swait.ge @!p2 [sflag:s15], $0x80  }
0xbc: {  	[sflag:s15] =	ssyncset.done @!p2 $0x0  }
0xbd: {  	[sflag:s15] =	ssyncadd.s32 @!p2 $0xFFFFFF80  }
0xbe: {  	_ =	swait.ge @!p2 [sflag:s16], $0x80  }
0xbf: {  	[sflag:s16] =	ssyncset.done @!p2 $0x0  }
0xc0: {  	s13 =	simm.s32 @!p2 $0x14300;
	s8 =	simm.s32 @!p2 $0x80;
	[sflag:s16] =	ssyncadd.s32 @!p2 $0xFFFFFF80  }
0xc1: {  	[tilespmem:s13], [sflag:$0x5] =	stream.indirect.gather @!p2 [hbm4b:s5+s8], $0x80, s9, s8, $0xb8;
	[tilespmem:$0x1C300] =	vst v63  }
0xc2: {  	v1 =	vld [tilespmem:$0x14180]  }
0xc3: {  	v2 =	vld [tilespmem:$0x14190]  }
0xc4: {  	v3 =	vld [tilespmem:$0x141A0]  }
0xc5: {  	v4 =	vld [tilespmem:$0x141B0]  }
0xc6: {  	v5 =	vld [tilespmem:$0x141D0]  }
0xc7: {  	[tilespmem:$0x14280] =	vst v1;
	v1 =	vld [tilespmem:$0x141E0]  }
0xc8: {  	[tilespmem:$0x14290] =	vst v2;
	v2 =	vld [tilespmem:$0x141F0]  }
0xc9: {  	[tilespmem:$0x142A0] =	vst v3;
	v3 =	vld [tilespmem:$0x141C0]  }
0xca: {  	[tilespmem:$0x142B0] =	vst v4  }
0xcb: {  	[tilespmem:$0x142D0] =	vst v5  }
0xcc: {  	[tilespmem:$0x142E0] =	vst v1  }
0xcd: {  	[tilespmem:$0x142F0] =	vst v2  }
0xce: {  	p1 =	sge.u32 s7, s10;
	s18 =	rddreg [dreg:$0x5];
	[tilespmem:$0x142C0] =	vst v3  }
0xcf: {  	[spmem:s3] =	stream.indirect.scatter.add.f32 [tilespmem:s0], [sflag:$0x8], $0x80, s18, s29, $0xb8;
	[tilespmem:$0x1C300] =	vst v63  }
0xd0: {  	s7 =	sadd.s32 @!p1 $0xFFFFFFF0, s20;
	s8 =	simm.s32 @!p1 $0x0;
	s9 =	simm.s32 @!p1 $0x14080  }
0xd1: {  	[tilespmem:s9], [sflag:$0x2] =	stream.linear.gather @!p1 [hbm4b:s7+s8], $0x80, $0x38;
	[tilespmem:$0x1C300] =	vst v63  }
0xd2: {  	s19 =	simm.s32 $0x8;
	s7 =	simm.s32 @!p1 $0x14180  }
0xd3: {  	[tilespmem:s7], [sflag:$0x4] =	stream.linear.gather @!p1 [hbm4b:s20+s8], $0x80, $0x38;
	[tilespmem:$0x1C300] =	vst v63  }
0xd4: {  	_ =	swait.ge [sflag:s19], $0x4000  }
0xd5: {  	[sflag:s19] =	ssyncset.done $0x0  }
0xd6: {  	s7 =	simm.s32 @!p0 $0x5;
	[sflag:s19] =	ssyncadd.s32 $0xFFFFC000  }
0xd7: {  	_ =	swait.ge @!p0 [sflag:s7], $0x4000  }
0xd8: {  	[sflag:s7] =	ssyncset.done @!p0 $0x0  }
0xd9: {  	[sflag:s7] =	ssyncadd.s32 @!p0 $0xFFFFC000  }
0xda: {  	v1 =	vld @!p0 [tilespmem:$0x14100]  }
0xdb: {  	v2 =	vld @!p0 [tilespmem:$0x14110]  }
0xdc: {  	v3 =	vld @!p0 [tilespmem:$0x14120]  }
0xdd: {  	v4 =	vld @!p0 [tilespmem:$0x14130]  }
0xde: {  	v5 =	vld @!p0 [tilespmem:$0x14140]  }
0xdf: {  	[tilespmem:$0x14200] =	vst @!p0 v1;
	v1 =	vld @!p0 [tilespmem:$0x14150]  }
0xe0: {  	[tilespmem:$0x14210] =	vst @!p0 v2;
	v2 =	vld @!p0 [tilespmem:$0x14160]  }
0xe1: {  	[tilespmem:$0x14220] =	vst @!p0 v3;
	v3 =	vld @!p0 [tilespmem:$0x14170]  }
0xe2: {  	[tilespmem:$0x14230] =	vst @!p0 v4  }
0xe3: {  	[tilespmem:$0x14240] =	vst @!p0 v5  }
0xe4: {  	[tilespmem:$0x14250] =	vst @!p0 v1  }
0xe5: {  	[tilespmem:$0x14260] =	vst @!p0 v2  }
0xe6: {  	s9 =	simm.s32 @!p0 $0x14300;
	s8 =	simm.s32 @!p0 $0x14200;
	s7 =	simm.s32 @!p0 $0x80;
	[tilespmem:$0x14270] =	vst @!p0 v3  }
0xe7: {  	[spmem:s3] =	stream.indirect.scatter.add.f32 @!p0 [tilespmem:s9], [sflag:$0x7], $0x80, s8, s7, $0xb8;
	[tilespmem:$0x1C300] =	vst v63  }
0xe8: {  	s7 =	simm.s32 @!p0 $0x7  }
0xe9: {  	_ =	swait.ge @!p0 [sflag:s7], $0x4000  }
0xea: {  	[sflag:s7] =	ssyncset.done @!p0 $0x0  }
0xeb: {  	s20 =	stileid.u32;
	[sflag:s7] =	ssyncadd.s32 @!p0 $0xFFFFC000  }
0xec: {  	s7 =	sshll.u32 s20, $0x6;
	[bflag:$0x0] =	sbarrier.arrive $0xFFFF  }
0xed: {  	s22 =	sshrl.u32 s6, $0x3;
	s7 =	sor.u32 $0x1C09, s7;
	s23 =	rddreg [dreg:$0xe]  }
0xee: {  	[hbm:s23], [sflag:s7] =	dma.local [spmem:s22], $0x2800  }
0xef: {  	_ =	swait.ge [sflag:s25], $0x2800  }
0xf0: {  	s1 =	sadd.s32 $0x1, s1;
	s28 =	rddreg [dreg:$0xf]  }
0xf1: {  	p1 =	sne.s32 s1, s28  }
.Ltmp2:
0xf2: {  	_ = 	snop;
	(pc) =	sbr.rel @p1 .LBB2_1-.Ltmp2, $3  }
0xf3: {  	_ =	sdelay $0x1  }
0xf4: {  	[sflag:s25] =	ssyncset.done $0x0  }
0xf5: {  	[sflag:s25] =	ssyncadd.s32 $0xFFFFD800  }
0xf6: {  	_ =	sfence.sel $0x180000  }
0xf7: {  	[bflag:$0x0] =	sbarrier.arrive $0xFFFF  }
0xf8: {  	_ =	strace $0x9000004A  }
0xf9: {  	s0 =	stileid.u32;
	[bflag:$0x2] =	sbarrier.arrive $0xFFFF  }
0xfa: {  	p0 =	sne.s32 s0, $0x0;
	s0 =	rddreg [dreg:$0x3]  }
0xfb: {  	s0 =	sadd.s32 @!p0 $0x100000, s0  }
0xfc: {  	[sflag:s0] =	ssyncadd.tile.s32 @!p0 $0x1;
	_ =	shalt  }
.Lfunc_end2:
_tile_overlayer_lowered:
.L_overlay_start_2:
0xfd: {  	(tag) =	ssettag $0x2  }
0xfe: {  	s0 =	rddreg [dreg:$0x0];
	s2 =	stileid.u32  }
0xff: {  	s1 =	rddreg [dreg:$0x1];
	p0 =	sne.s32 s2, $0x0  }
0x100: {  	s3 =	rddreg [dreg:$0x2];
	[bflag:$0x3] =	sbarrier.arrive $0xFFFF;
	s2 =	simm.s32 @!p0 $0x1C09  }
0x101: {  	[timem:s3], [sflag:s2] =	dma.local @!p0 [hbm:s0], s1  }
0x102: {  	s0 =	simm.s32 @!p0 $0x9  }
0x103: {  	_ =	swait.ge @!p0 [sflag:s0], s1  }
0x104: {  	s1 =	ssub.s32 @!p0 $0x0, s1;
	[sflag:s0] =	ssyncset.done @!p0 $0x0  }
0x105: {  	[sflag:s0] =	ssyncadd.s32 @!p0 s1  }
0x106: {  	[bflag:$0x3] =	sbarrier.arrive $0xFFFF  }
0x107: {  	_ =	shalt  }

// kernel: kernel.14.cloned.1.call-start
scs
__scs_entry_jumppad:
0x0: {  	(pc) =	sbr.rel $0x88, $3  }
0x1: {  	(tag) =	ssettag $0x0;
	lr =	simm.s32 $0x1  }
0x2: {  	[smem:$0x3F94] =	sst lr;
	_ =	strace $0xD0000000  }
0x3: {  	_ = 	snop  }
0x4: {  	_ = 	snop  }
0x5: {  	_ = 	snop  }
0x6: {  	_ = 	snop  }
0x7: {  	_ = 	snop  }
__scs_overlays_trampoline_lowered:
0x8: {  	[smem:$0x3FA3] =	sst s0  }
0x9: {  	[smem:$0x3FA4] =	sst s1  }
0xa: {  	[smem:$0x3FA5] =	sst s2  }
0xb: {  	[smem:$0x3FA6] =	sst s3  }
0xc: {  	[smem:$0x3FA7] =	sst s4  }
0xd: {  	[smem:$0x3FA8] =	sst s5  }
0xe: {  	[smem:$0x3FA9] =	sst s6  }
0xf: {  	[smem:$0x3FAA] =	sst s7  }
0x10: {  	[smem:$0x3FAB] =	sst s8  }
0x11: {  	[smem:$0x3FAC] =	sst s9;
	s0 =	simm.s32 @!p0 $0x0  }
0x12: {  	s1 =	sld [smem:$0x3F92];
	s0 =	simm.s32 @p0 $0x1  }
0x13: {  	[smem:$0x3FAD] =	sst s0;
	s0 =	simm.s32 @!p1 $0x0  }
0x14: {  	s2 =	sld [smem:$0x3F91];
	s0 =	simm.s32 @p1 $0x1  }
0x15: {  	[smem:$0x3FAE] =	sst s0;
	s0 =	simm.s32 @!p2 $0x0  }
0x16: {  	s3 =	sld [smem:$0x3FDB];
	s0 =	simm.s32 @p2 $0x1  }
0x17: {  	s4 =	simm.s32 $0x1BF5;
	[smem:$0x3FB0] =	sst s0  }
0x18: {  	s0 =	sld [smem:$0x3F93];
	_ =	swait.ge [sflag:s4], $0x0  }
0x19: {  	s7 =	sld [smem:$0x3F94]  }
0x1a: {  	s8 =	sadd.s32 $0xFFFFE003, lr  }
0x1b: {  	s9 =	sadd.s32 $0xFFFFFEF7, lr;
	s5 =	simm.s32 $0xFFFFFFFF;
	p2 =	slt.u32 s8, $0xFFFFF086  }
0x1c: {  	p1 =	slt.u32 s9, $0xF7A;
	s5 =	simm.s32 @!p2 $0x0  }
0x1d: {  	s5 =	simm.s32 @p1 $0x1;
	p0 =	seq.s32 s7, s2  }
0x1e: {  	s7 =	smul.u32 @!p0 $0xF7A, s2;
	p2 =	seq.s32 @!p0 s5, $0x0  }
0x1f: {  	s9 =	smul.u32 $0xF7A, s1;
	s8 =	simm.s32 @!p0 $0x1BF5;
	p2 =	por !p2, p0  }
0x20: {  	[sflag:s8] =	ssyncset.s32 @!p0 $0xFFFFF086;
	s6 =	sadd.s32 @!p0 s3, s7;
	s7 =	simm.s32 @!p0 $0x108  }
0x21: {  	s3 =	sadd.s32 s3, s9;
	s6 =	sadd.s32 @!p0 $0x88, s6;
	s7 =	simm.s32 @p2 $0x1082  }
0x22: {  	[simem:s7], [sflag:s8] =	dma.local @!p0 [hbm:s6], $0xF7A  }
0x23: {  	s9 =	sor.u32 $0xD0000000, s2;
	s6 =	simm.s32 $0x108;
	_ =	swait.ge @!p0 [sflag:s8], $0x0  }
0x24: {  	s3 =	sadd.s32 $0x88, s3;
	s6 =	simm.s32 @!p1 $0x1082;
	[sflag:s4] =	ssyncset.s32 $0xFFFFF086  }
0x25: {  	[simem:s6], [sflag:s4] =	dma.local [hbm:s3], $0xF7A  }
0x26: {  	[smem:$0x3F94] =	sst s1;
	(tag) =	ssettag s2;
	_ =	strace s9  }
0x27: {  	s1 =	sld [smem:$0x3FA4]  }
0x28: {  	s2 =	sld [smem:$0x3FA5]  }
0x29: {  	s4 =	sld [smem:$0x3FA7]  }
0x2a: {  	p0 =	seq.s32 s5, $0x0;
	s5 =	sld [smem:$0x3FA8]  }
0x2b: {  	s6 =	sld [smem:$0x3FA9]  }
0x2c: {  	s7 =	sld [smem:$0x3FAA]  }
0x2d: {  	s3 =	simm.s32 $0x108;
	s8 =	sld [smem:$0x3FAB]  }
0x2e: {  	s3 =	simm.s32 @!p0 $0x1082;
	s9 =	sld [smem:$0x3FAC]  }
0x2f: {  	lr =	sadd.s32 s0, s3;
	s0 =	sld [smem:$0x3FA3]  }
0x30: {  	s3 =	sld [smem:$0x3FA6]  }
0x31: {  	[smem:$0x3FAF] =	sst s10  }
0x32: {  	s10 =	sld [smem:$0x3FAD];
	_ =	sdelay $0x3  }
0x33: {  	p0 =	seq.s32 s10, $0x1;
	s10 =	sld [smem:$0x3FAF];
	_ =	sdelay $0x3  }
0x34: {  	[smem:$0x3FAF] =	sst s10  }
0x35: {  	s10 =	sld [smem:$0x3FAE];
	_ =	sdelay $0x3  }
0x36: {  	p1 =	seq.s32 s10, $0x1;
	s10 =	sld [smem:$0x3FAF];
	_ =	sdelay $0x3  }
0x37: {  	[smem:$0x3FAF] =	sst s10  }
0x38: {  	s10 =	sld [smem:$0x3FB0]  }
0x39: {  	_ = 	snop;
	(pc) =	sbr.ind lr, $3  }
0x3a: {  	_ = 	snop  }
0x3b: {  	_ = 	snop  }
0x3c: {  	p2 =	seq.s32 s10, $0x1;
	s10 =	sld [smem:$0x3FAF]  }
0x3d: {  	_ =	shalt  }
0x3e: {  	_ =	shalt  }
0x3f: {  	_ =	shalt  }
0x40: {  	_ =	shalt  }
0x41: {  	_ =	shalt  }
0x42: {  	_ =	shalt  }
0x43: {  	_ =	shalt  }
0x44: {  	_ =	shalt  }
0x45: {  	_ =	shalt  }
0x46: {  	_ =	shalt  }
0x47: {  	_ =	shalt  }
0x48: {  	_ =	shalt  }
0x49: {  	_ =	shalt  }
0x4a: {  	_ =	shalt  }
0x4b: {  	_ =	shalt  }
0x4c: {  	_ =	shalt  }
0x4d: {  	_ =	shalt  }
0x4e: {  	_ =	shalt  }
0x4f: {  	_ =	shalt  }
0x50: {  	_ =	shalt  }
0x51: {  	_ =	shalt  }
0x52: {  	_ =	shalt  }
0x53: {  	_ =	shalt  }
0x54: {  	_ =	shalt  }
0x55: {  	_ =	shalt  }
0x56: {  	_ =	shalt  }
0x57: {  	_ =	shalt  }
0x58: {  	_ =	shalt  }
0x59: {  	_ =	shalt  }
0x5a: {  	_ =	shalt  }
0x5b: {  	_ =	shalt  }
0x5c: {  	_ =	shalt  }
0x5d: {  	_ =	shalt  }
0x5e: {  	_ =	shalt  }
0x5f: {  	_ =	shalt  }
0x60: {  	_ =	shalt  }
0x61: {  	_ =	shalt  }
0x62: {  	_ =	shalt  }
0x63: {  	_ =	shalt  }
0x64: {  	_ =	shalt  }
0x65: {  	_ =	shalt  }
0x66: {  	_ =	shalt  }
0x67: {  	_ =	shalt  }
0x68: {  	_ =	shalt  }
0x69: {  	_ =	shalt  }
0x6a: {  	_ =	shalt  }
0x6b: {  	_ =	shalt  }
0x6c: {  	_ =	shalt  }
0x6d: {  	_ =	shalt  }
0x6e: {  	_ =	shalt  }
0x6f: {  	_ =	shalt  }
0x70: {  	_ =	shalt  }
0x71: {  	_ =	shalt  }
0x72: {  	_ =	shalt  }
0x73: {  	_ =	shalt  }
0x74: {  	_ =	shalt  }
0x75: {  	_ =	shalt  }
0x76: {  	_ =	shalt  }
0x77: {  	_ =	shalt  }
0x78: {  	_ =	shalt  }
0x79: {  	_ =	shalt  }
0x7a: {  	_ =	shalt  }
0x7b: {  	_ =	shalt  }
0x7c: {  	_ =	shalt  }
0x7d: {  	_ =	shalt  }
0x7e: {  	_ =	shalt  }
0x7f: {  	_ =	shalt  }
0x80: {  	_ =	shalt  }
0x81: {  	_ =	shalt  }
0x82: {  	_ =	shalt  }
0x83: {  	_ =	shalt  }
0x84: {  	_ =	shalt  }
0x85: {  	_ =	shalt  }
0x86: {  	_ =	shalt  }
0x87: {  	_ =	shalt  }
.Lfunc_end0:
.L_simem_size_0:
called_computation.2_lowered:
.L_overlay_start_0:
0x88: {  	s2 =	sld [smem:$0x3FD9]  }
0x89: {  	s3 =	sld [smem:$0x3FFE];
	_ =	sdelay $0x1  }
0x8a: {  	s1 =	srdreg.scid  }
0x8b: {  	s0 =	sand.u32 $0x1, s1  }
0x8c: {  	s17 =	sshll.u32 s0, $0xA;
	s2 =	sadd.s32 s3, s2  }
0x8d: {  	s2 =	sadd.s32 s2, s17  }
0x8e: {  	[smem:$0x3FBB] =	sst s2  }
0x8f: {  	_ = 	snop  }
0x90: {  	s2 =	sld [smem:$0x3FC8];
	(tm) =	ssettm $0x1  }
0x91: {  	s18 =	sld [smem:$0x3FFB];
	_ =	sdelay $0x3  }
0x92: {  	_ =	strace s18  }
0x93: {  	s3 =	sld [smem:$0x3FFC];
	_ =	sdelay $0x3  }
0x94: {  	_ =	strace s3  }
0x95: {  	s3 =	sld [smem:$0x3FFD];
	_ =	sdelay $0x3  }
0x96: {  	_ =	strace s3  }
0x97: {  	_ =	strace $0x8FFFFFFF  }
0x98: {  	s19 =	sld [smem:$0x3FDB];
	_ =	sdelay $0x1  }
0x99: {  	s4 =	simm.s32 $_scs_section_size  }
0x9a: {  	s5 =	simm.s32 $_size__tile_overlayer_lowered;
	s6 =	simm.s32 $_tile_overlayer_lowered  }
0x9b: {  	s22 =	simm.s32 $0x1BFF;
	s21 =	sshll.u32 s6, $0x1;
	s3 =	sadd.s32 s4, s19  }
0x9c: {  	s7 =	simm.s32 $0x0;
	s20 =	sshll.u32 s5, $0x1;
	s5 =	sadd.s32 s21, s3  }
0x9d: {  	[timem:s7], [sflag:s22] =	dma.local [hbm:s5], s20  }
0x9e: {  	_ =	swait.ge [sflag:s22], s20  }
0x9f: {  	s4 =	ssub.s32 $0x0, s20;
	[sflag:s22] =	ssyncset.done $0x0  }
0xa0: {  	[sflag:s22] =	ssyncadd.s32 s4;
	_ =	sdelay $0x1  }
0xa1: {  	s23 =	simm.s32 $0x1B8B  }
0xa2: {  	_ =	swait.ge [sflag:s23], $0x1  }
0xa3: {  	[sflag:s23] =	ssyncset.done $0x0  }
0xa4: {  	s25 =	simm.s32 $0x1B8E;
	s24 =	sld [smem:$0x3FFE];
	[sflag:s23] =	ssyncadd.s32 $0xFFFFFFFF  }
0xa5: {  	s26 =	simm.s32 $execute0_lowered;
	[smem:$0x3FD2] =	sst s25  }
0xa6: {  	s5 =	sshll.u32 s26, $0x1;
	_ =	strace $0x8000004C;
	[dreg:$0x1] =	wrdreg $0xFFFFFFFF  }
0xa7: {  	s28 =	simm.s32 $_size_execute0_lowered;
	s3 =	sadd.s32 s3, s5;
	[dreg:$0x0] =	wrdreg $0x0  }
0xa8: {  	s5 =	sshll.u32 s28, $0x1;
	[dreg:$0x2] =	wrdreg s3  }
0xa9: {  	[dreg:$0x3] =	wrdreg s5  }
0xaa: {  	[dreg:$0x4] =	wrdreg $0xC0  }
0xab: {  	_ =	task [dreg:s7], $0x5FFFF  }
0xac: {  	[dreg:$0x1] =	wrdreg $0xFFFFFFFF  }
0xad: {  	[dreg:$0x0] =	wrdreg $0x60  }
0xae: {  	[dreg:$0x2] =	wrdreg s24  }
0xaf: {  	[dreg:$0x3] =	wrdreg s2  }
0xb0: {  	[dreg:$0x4] =	wrdreg $0x0  }
0xb1: {  	[dreg:$0x5] =	wrdreg $0x9  }
0xb2: {  	_ =	task.clear_ibuf [dreg:s7], $0x6FFFF;
	_ =	strace $0x9000004C  }
0xb3: {  	s29 =	simm.s32 $0x9;
	_ =	strace $0x8000004E  }
0xb4: {  	_ =	swait.ge [sflag:s29], $0x1  }
0xb5: {  	[sflag:s29] =	ssyncadd.s32 $0xFFFFFFFF  }
0xb6: {  	_ =	strace $0x9000004E  }
0xb7: {  	_ =	sfence  }
0xb8: {  	s30 =	sld [smem:$0x0];
	_ =	sdelay $0x2  }
0xb9: {  	s31 =	sshll.u32 s1, $0xD;
	s1 =	sshrl.u32 s1, $0x2  }
0xba: {  	s3 =	sand.u32 $0x4000, s31;
	s1 =	sadd.s32 s1, s30  }
0xbb: {  	s0 =	sor.u32 s3, s0;
	s1 =	sshll.u32 s1, $0x11  }
0xbc: {  	s0 =	sor.u32 s1, s0  }
0xbd: {  	s0 =	sadd.s32 $0x8F2B, s0  }
0xbe: {  	[sflag:s0] =	ssyncadd.remote.s32 $0x1  }
0xbf: {  	_ =	sfence.sel $0xFFFF  }
0xc0: {  	[dreg:$0x0] =	wrdreg $0xFFFFFFFF;
	(pc) =	sbr.abs _section_cstart, $3  }
0xc1: {  	[dreg:$0x1] =	wrdreg $0xFFFFFFFF  }
0xc2: {  	_ =	task.clear_ibuf [dreg:s7], $0x2FFFF;
	_ =	strace $0x9FFFFFFF  }
0xc3: {  	(tm) =	ssettm $0x7FFFFFFF  }
tec
execute0_lowered:
.L_overlay_start_1:
0x0: {  	(tag) =	ssettag $0x1  }
0x1: {  	s0 =	rddreg [dreg:$0x0]  }
0x2: {  	s2 =	rddreg [dreg:$0x1];
	s1 =	srdreg.scid  }
0x3: {  	s3 =	rddreg [dreg:$0x2];
	s11 =	stileid.u32;
	s4 =	simm.s32 $0x0  }
0x4: {  	s10 =	simm.s32 $0x4F;
	s26 =	simm.s32 $0x14200;
	s28 =	simm.s32 $0x14280  }
0x5: {  	s29 =	simm.s32 $0x80;
	s30 =	simm.s32 $0x2;
	s6 =	smul.u32 $0x14000, s11  }
0x6: {  	s31 =	simm.s32 $0x4;
	s1 =	sand.u32 $0x1, s1;
	s7 =	smul.u32 $0x50000, s11  }
0x7: {  	[smem:$0x7FF] =	sst s4;
	s12 =	sadd.s32 $0x10, s2;
	s5 =	smul.u32 $0x140000, s1  }
0x8: {  	_ =	strace $0x8000004D;
	s8 =	ssub.s32 $0x2, s1;
	[dreg:$0x4] =	wrdreg s26  }
0x9: {  	s9 =	sshll.u32 s1, $0x4;
	s1 =	sshll.u32 s1, $0xC;
	[dreg:$0x5] =	wrdreg s28  }
0xa: {  	s26 =	simm.s32 $0x5;
	s14 =	sshrl.u32 s8, $0x1;
	s7 =	sshrl.u32 s7, $0x2  }
0xb: {  	s15 =	sor.u32 s11, s9;
	s11 =	sshll.u32 s11, $0x8;
	s6 =	sadd.s32 s6, s5  }
0xc: {  	s5 =	sadd.s32 $0x3000, s0;
	s8 =	ssub.s32 s8, s14;
	p0 =	slt.u32 s15, $0x4  }
0xd: {  	s20 =	sshll.u32 s15, $0x5;
	s1 =	sor.u32 s11, s1;
	s6 =	sshrl.u32 s6, $0x3  }
0xe: {  	s10 =	simm.s32 @!p0 $0x4E;
	s13 =	sadd.s32 s2, s20;
	s9 =	sadd.s32 s20, s12  }
0xf: {  	s23 =	sor.u32 $0x6000, s1;
	s24 =	smax.u32 s8, $0x1;
	[dreg:$0xb] =	wrdreg s9  }
0x10: {  	s14 =	sor.u32 $0x4000, s1;
	p0 =	sgt.u32 s15, $0x3;
	[dreg:$0xa] =	wrdreg s13  }
0x11: {  	s0 =	sadd.s32 s6, s0;
	s21 =	sadd.s32 $0x400, s13;
	[dreg:$0xf] =	wrdreg s24  }
0x12: {  	s6 =	sadd.s32 s7, s3;
	s22 =	sadd.s32 $0x410, s13;
	[dreg:$0xc] =	wrdreg s21  }
0x13: {  	s1 =	simm.s32 $0x0;
	s16 =	sadd.s32 $0x4000, s6;
	[dreg:$0xd] =	wrdreg s22  }
0x14: {  	s25 =	sshrl.u32 s23, $0x3;
	s17 =	sadd.s32 $0x8000, s6;
	[dreg:$0x6] =	wrdreg s16  }
0x15: {  	s24 =	simm.s32 $0x14080;
	s18 =	sadd.s32 $0xC000, s6;
	[dreg:$0x7] =	wrdreg s17  }
0x16: {  	s19 =	sadd.s32 $0x10000, s6;
	s0 =	sadd.s32 $0x2B000, s0;
	[dreg:$0x8] =	wrdreg s18  }
0x17: {  	s11 =	sadd.s32 s25, s12;
	s21 =	simm.s32 $0x14300;
	[dreg:$0x9] =	wrdreg s19  }
0x18: {  	v0 =	vimm.f32 $0.0e+00;
	s25 =	simm.s32 $0x9;
	[dreg:$0xe] =	wrdreg s0;
	s0 =	simm.s32 $0x18300  }
.LBB2_1:
0x19: {  	s7 =	sand.u32 $0xFE00, s4  }
0x1a: {  	s8 =	sand.u32 $0x70, s4;
	s9 =	sshrl.u32 s7, $0x2  }
0x1b: {  	s7 =	simm.s32 $0x40;
	s9 =	sor.u32 s8, s9;
	s8 =	simm.s32 $0x0  }
.LBB2_2:
0x1c: {  	p1 =	sne.s32 s7, $0xFFC0  }
0x1d: {  	[tilespmem:s9+$0x14300] =	vst v0;
	s8 =	sadd.s32 $0x10, s8;
	s9 =	smov.u32 s7;
	s7 =	sadd.s32 $0x40, s7  }
.Ltmp0:
0x1e: {  	(pc) =	sbr.rel @p1 .LBB2_2-.Ltmp0, $4  }
0x1f: {  	_ = 	snop  }
0x20: {  	s9 =	sand.u32 $0xFE00, s9  }
0x21: {  	s13 =	sand.u32 $0x70, s8;
	s9 =	sshrl.u32 s9, $0x2  }
0x22: {  	s9 =	sor.u32 s13, s9  }
0x23: {  	[tilespmem:s9+$0x14300] =	vst v0  }
0x24: {  	[spmem:s6] =	stream.linear.scatter [tilespmem:s21], [sflag:$0x5], $0x4000, $0x38;
	[tilespmem:$0x1C300] =	vst v63  }
0x25: {  	s7 =	rddreg [dreg:$0x6]  }
0x26: {  	[spmem:s7] =	stream.linear.scatter [tilespmem:s21], [sflag:$0x5], $0x4000, $0x38;
	[tilespmem:$0x1C300] =	vst v63  }
0x27: {  	s13 =	rddreg [dreg:$0x7]  }
0x28: {  	[spmem:s13] =	stream.linear.scatter [tilespmem:s21], [sflag:$0x5], $0x4000, $0x38;
	[tilespmem:$0x1C300] =	vst v63  }
0x29: {  	s15 =	rddreg [dreg:$0x8]  }
0x2a: {  	[spmem:s15] =	stream.linear.scatter [tilespmem:s21], [sflag:$0x5], $0x4000, $0x38;
	[tilespmem:$0x1C300] =	vst v63  }
0x2b: {  	s16 =	rddreg [dreg:$0x9]  }
0x2c: {  	[spmem:s16] =	stream.linear.scatter [tilespmem:s21], [sflag:$0x5], $0x4000, $0x38;
	[tilespmem:$0x1C300] =	vst v63  }
0x2d: {  	s17 =	rddreg [dreg:$0xa];
	s8 =	simm.s32 $0x14000  }
0x2e: {  	[tilespmem:s8], [sflag:$0x1] =	stream.linear.gather [hbm4b:s17+s4], $0x80, $0x38;
	[tilespmem:$0x1C300] =	vst v63  }
0x2f: {  	s18 =	rddreg [dreg:$0xb];
	s19 =	simm.s32 $0x14100  }
0x30: {  	[tilespmem:s19], [sflag:$0x3] =	stream.linear.gather [hbm4b:s18+s4], $0x80, $0x38;
	[tilespmem:$0x1C300] =	vst v63  }
0x31: {  	s20 =	rddreg [dreg:$0xc]  }
0x32: {  	[tilespmem:s24], [sflag:$0x2] =	stream.linear.gather [hbm4b:s20+s4], $0x80, $0x38;
	[tilespmem:$0x1C300] =	vst v63  }
0x33: {  	s22 =	rddreg [dreg:$0xd];
	s23 =	simm.s32 $0x14180  }
0x34: {  	[tilespmem:s23], [sflag:$0x4] =	stream.linear.gather [hbm4b:s22+s4], $0x80, $0x38;
	[tilespmem:$0x1C300] =	vst v63  }
0x35: {  	_ =	swait.ge [sflag:s26], $0x4000  }
0x36: {  	[sflag:s26] =	ssyncset.done $0x0  }
0x37: {  	[sflag:s26] =	ssyncadd.s32 $0xFFFFC000  }
0x38: {  	_ =	swait.ge [sflag:s26], $0x4000  }
0x39: {  	[sflag:s26] =	ssyncset.done $0x0  }
0x3a: {  	[sflag:s26] =	ssyncadd.s32 $0xFFFFC000  }
0x3b: {  	_ =	swait.ge [sflag:s26], $0x4000  }
0x3c: {  	[sflag:s26] =	ssyncset.done $0x0  }
0x3d: {  	[sflag:s26] =	ssyncadd.s32 $0xFFFFC000  }
0x3e: {  	_ =	swait.ge [sflag:s26], $0x4000  }
0x3f: {  	[sflag:s26] =	ssyncset.done $0x0  }
0x40: {  	[sflag:s26] =	ssyncadd.s32 $0xFFFFC000  }
0x41: {  	_ =	swait.ge [sflag:s26], $0x4000  }
0x42: {  	[sflag:s26] =	ssyncset.done $0x0  }
0x43: {  	[sflag:s26] =	ssyncadd.s32 $0xFFFFC000  }
0x44: {  	s28 =	simm.s32 $0x1;
	[bflag:$0x0] =	sbarrier.arrive $0xFFFF  }
0x45: {  	_ =	swait.ge [sflag:s28], $0x80  }
0x46: {  	[sflag:s28] =	ssyncset.done $0x0  }
0x47: {  	s7 =	simm.s32 $0x3;
	[sflag:s28] =	ssyncadd.s32 $0xFFFFFF80  }
0x48: {  	_ =	swait.ge [sflag:s7], $0x80  }
0x49: {  	[sflag:s7] =	ssyncset.done $0x0  }
0x4a: {  	[sflag:s7] =	ssyncadd.s32 $0xFFFFFF80  }
0x4b: {  	[tilespmem:s21], [sflag:$0x5] =	stream.indirect.gather [hbm4b:s5+s29], $0x80, s8, s29, $0xb8;
	[tilespmem:$0x1C300] =	vst v63  }
0x4c: {  	_ =	swait.ge [sflag:s26], $0x4000  }
0x4d: {  	p1 =	por $0x1, $0x1;
	[sflag:s26] =	ssyncset.done $0x0  }
0x4e: {  	s8 =	simm.s32 @!p1 $0x8;
	[sflag:s26] =	ssyncadd.s32 $0xFFFFC000  }
0x4f: {  	_ =	swait.ge @!p1 [sflag:s8], $0x4000  }
0x50: {  	[sflag:s8] =	ssyncset.done @!p1 $0x0  }
0x51: {  	[sflag:s8] =	ssyncadd.s32 @!p1 $0xFFFFC000  }
0x52: {  	_ =	swait.ge [sflag:s30], $0x80  }
0x53: {  	[sflag:s30] =	ssyncset.done $0x0  }
0x54: {  	[sflag:s30] =	ssyncadd.s32 $0xFFFFFF80  }
0x55: {  	_ =	swait.ge [sflag:s31], $0x80  }
0x56: {  	[sflag:s31] =	ssyncset.done $0x0  }
0x57: {  	[sflag:s31] =	ssyncadd.s32 $0xFFFFFF80  }
0x58: {  	[tilespmem:s0], [sflag:$0x6] =	stream.indirect.gather [hbm4b:s5+s29], $0x80, s24, s29, $0xb8;
	[tilespmem:$0x1C300] =	vst v63  }
0x59: {  	v1 =	vld [tilespmem:$0x14140]  }
0x5a: {  	v2 =	vld [tilespmem:$0x14150]  }
0x5b: {  	v3 =	vld [tilespmem:$0x14170]  }
0x5c: {  	v4 =	vld [tilespmem:$0x14130]  }
0x5d: {  	v5 =	vld [tilespmem:$0x14160]  }
0x5e: {  	[tilespmem:$0x14240] =	vst v1  }
0x5f: {  	s9 =	simm.s32 $0x5;
	p2 =	sle.u32 s10, $0x2;
	[tilespmem:$0x14250] =	vst v2  }
0x60: {  	s15 =	simm.s32 @!p2 $0x1;
	s16 =	simm.s32 @!p2 $0x3;
	s8 =	sshrl.u32 @!p2 s14, $0x3;
	v1 =	vld [tilespmem:$0x14110];
	[tilespmem:$0x14270] =	vst v3  }
0x61: {  	s19 =	smov.u32 s14;
	s20 =	smov.u32 s11;
	s22 =	sadd.s32 @!p2 s2, s8;
	v2 =	vld [tilespmem:$0x14120];
	[tilespmem:$0x14230] =	vst v4  }
0x62: {  	s18 =	sadd.s32 @!p2 s8, s12;
	s8 =	smov.u32 s11;
	s13 =	rddreg [dreg:$0x4];
	v3 =	vld [tilespmem:$0x14100];
	[tilespmem:$0x14260] =	vst v5  }
.LBB2_4:
0x63: {  	_ =	sdelay $0x1  }
0x64: {  	[tilespmem:$0x14210] =	vst v1  }
0x65: {  	[tilespmem:$0x14220] =	vst v2  }
0x66: {  	s28 =	simm.s32 @p2 $0x6;
	[tilespmem:$0x14200] =	vst v3  }
0x67: {  	[spmem:s3] =	stream.indirect.scatter.add.f32 [tilespmem:s21], [sflag:$0x7], $0x80, s13, s29, $0xb8;
	[tilespmem:$0x1C300] =	vst v63  }
0x68: {  	_ =	swait.ge @p2 [sflag:s28], $0x4000  }
0x69: {  	[sflag:s28] =	ssyncset.done @p2 $0x0  }
0x6a: {  	s13 =	simm.s32 @p2 $0x7;
	[sflag:s28] =	ssyncadd.s32 @p2 $0xFFFFC000  }
0x6b: {  	_ =	swait.ge @p2 [sflag:s13], $0x4000  }
0x6c: {  	[sflag:s13] =	ssyncset.done @p2 $0x0  }
0x6d: {  	s28 =	simm.s32 @!p2 $0x14000;
	[sflag:s13] =	ssyncadd.s32 @p2 $0xFFFFC000;
	s13 =	simm.s32 @!p2 $0x0  }
0x6e: {  	[tilespmem:s28], [sflag:$0x1] =	stream.linear.gather @!p2 [hbm4b:s22+s13], $0x80, $0x38;
	[tilespmem:$0x1C300] =	vst v63  }
0x6f: {  	s23 =	simm.s32 @!p2 $0x6;
	s22 =	simm.s32 @!p2 $0x14100  }
0x70: {  	[tilespmem:s22], [sflag:$0x3] =	stream.linear.gather @!p2 [hbm4b:s18+s13], $0x80, $0x38;
	[tilespmem:$0x1C300] =	vst v63  }
0x71: {  	_ =	swait.ge @!p2 [sflag:s23], $0x4000  }
0x72: {  	[sflag:s23] =	ssyncset.done @!p2 $0x0  }
0x73: {  	s13 =	simm.s32 @!p2 $0x7;
	[sflag:s23] =	ssyncadd.s32 @!p2 $0xFFFFC000  }
0x74: {  	_ =	swait.ge @!p2 [sflag:s13], $0x4000  }
0x75: {  	[sflag:s13] =	ssyncset.done @!p2 $0x0  }
0x76: {  	[sflag:s13] =	ssyncadd.s32 @!p2 $0xFFFFC000  }
0x77: {  	_ =	swait.ge @!p2 [sflag:s15], $0x80  }
0x78: {  	[sflag:s15] =	ssyncset.done @!p2 $0x0  }
0x79: {  	[sflag:s15] =	ssyncadd.s32 @!p2 $0xFFFFFF80  }
0x7a: {  	_ =	swait.ge @!p2 [sflag:s16], $0x80  }
0x7b: {  	[sflag:s16] =	ssyncset.done @!p2 $0x0  }
0x7c: {  	s13 =	simm.s32 @!p2 $0x80;
	s15 =	simm.s32 @!p2 $0x14300;
	[sflag:s16] =	ssyncadd.s32 @!p2 $0xFFFFFF80  }
0x7d: {  	[tilespmem:s15], [sflag:$0x5] =	stream.indirect.gather @!p2 [hbm4b:s5+s13], $0x80, s28, s13, $0xb8;
	[tilespmem:$0x1C300] =	vst v63  }
0x7e: {  	v1 =	vld [tilespmem:$0x14180]  }
0x7f: {  	v2 =	vld [tilespmem:$0x14190]  }
0x80: {  	v3 =	vld [tilespmem:$0x141A0]  }
0x81: {  	v4 =	vld [tilespmem:$0x141B0]  }
0x82: {  	v5 =	vld [tilespmem:$0x141D0]  }
0x83: {  	[tilespmem:$0x14280] =	vst v1;
	v1 =	vld [tilespmem:$0x141E0]  }
0x84: {  	[tilespmem:$0x14290] =	vst v2;
	v2 =	vld [tilespmem:$0x141F0]  }
0x85: {  	[tilespmem:$0x142A0] =	vst v3;
	v3 =	vld [tilespmem:$0x141C0]  }
0x86: {  	[tilespmem:$0x142B0] =	vst v4  }
0x87: {  	[tilespmem:$0x142D0] =	vst v5  }
0x88: {  	[tilespmem:$0x142E0] =	vst v1  }
0x89: {  	[tilespmem:$0x142F0] =	vst v2  }
0x8a: {  	s23 =	rddreg [dreg:$0x5];
	p2 =	sge.u32 s7, s10;
	[tilespmem:$0x142C0] =	vst v3  }
0x8b: {  	[spmem:s3] =	stream.indirect.scatter.add.f32 [tilespmem:s0], [sflag:$0x8], $0x80, s23, s29, $0xb8;
	[tilespmem:$0x1C300] =	vst v63  }
0x8c: {  	s13 =	sadd.s32 @!p2 $0xFFFFFFF0, s20;
	s15 =	simm.s32 @!p2 $0x0;
	s16 =	simm.s32 @!p2 $0x14080  }
0x8d: {  	[tilespmem:s16], [sflag:$0x2] =	stream.linear.gather @!p2 [hbm4b:s13+s15], $0x80, $0x38;
	[tilespmem:$0x1C300] =	vst v63  }
0x8e: {  	s17 =	smov.u32 s9;
	s13 =	simm.s32 @!p2 $0x14180  }
0x8f: {  	[tilespmem:s13], [sflag:$0x4] =	stream.linear.gather @!p2 [hbm4b:s20+s15], $0x80, $0x38;
	[tilespmem:$0x1C300] =	vst v63  }
0x90: {  	s7 =	smov.u32 s17;
	_ =	swait.ge [sflag:s26], $0x4000  }
0x91: {  	p2 =	seq.s32 s7, $0x3;
	[sflag:s26] =	ssyncset.done $0x0  }
0x92: {  	s13 =	simm.s32 @!p2 $0x8;
	[sflag:s26] =	ssyncadd.s32 $0xFFFFC000  }
0x93: {  	_ =	swait.ge @!p2 [sflag:s13], $0x4000  }
0x94: {  	[sflag:s13] =	ssyncset.done @!p2 $0x0  }
0x95: {  	[sflag:s13] =	ssyncadd.s32 @!p2 $0xFFFFC000  }
0x96: {  	_ =	swait.ge [sflag:s30], $0x80  }
0x97: {  	[sflag:s30] =	ssyncset.done $0x0  }
0x98: {  	[sflag:s30] =	ssyncadd.s32 $0xFFFFFF80  }
0x99: {  	_ =	swait.ge [sflag:s31], $0x80  }
0x9a: {  	[sflag:s31] =	ssyncset.done $0x0  }
0x9b: {  	[sflag:s31] =	ssyncadd.s32 $0xFFFFFF80  }
0x9c: {  	[tilespmem:s0], [sflag:$0x6] =	stream.indirect.gather [hbm4b:s5+s29], $0x80, s24, s29, $0xb8;
	[tilespmem:$0x1C300] =	vst v63  }
0x9d: {  	v2 =	vld [tilespmem:$0x14140]  }
0x9e: {  	v3 =	vld [tilespmem:$0x14150]  }
0x9f: {  	v4 =	vld [tilespmem:$0x14170]  }
0xa0: {  	s9 =	sadd.s32 $0x2, s9;
	v5 =	vld [tilespmem:$0x14130]  }
0xa1: {  	p1 =	sne.s32 s9, $0x51;
	v6 =	vld [tilespmem:$0x14160]  }
.Ltmp1:
0xa2: {  	s28 =	sadd.s32 $0xFFFFFFFF, s7;
	[tilespmem:$0x14240] =	vst v2;
	(pc) =	sbr.rel @p1 .LBB2_4-.Ltmp1, $4  }
0xa3: {  	s19 =	sadd.s32 $0x4000, s19;
	p2 =	sge.u32 s28, s10;
	[tilespmem:$0x14250] =	vst v3  }
0xa4: {  	s8 =	sadd.s32 $0x800, s8;
	s16 =	sshrl.u32 @!p2 s19, $0x3;
	v1 =	vld [tilespmem:$0x14110];
	[tilespmem:$0x14270] =	vst v4  }
0xa5: {  	s20 =	smov.u32 s8;
	s15 =	simm.s32 @!p2 $0x1;
	s22 =	sadd.s32 @!p2 s2, s16;
	v2 =	vld [tilespmem:$0x14120];
	[tilespmem:$0x14230] =	vst v5  }
0xa6: {  	s18 =	sadd.s32 @!p2 s16, s12;
	s16 =	simm.s32 @!p2 $0x3;
	s13 =	rddreg [dreg:$0x4];
	v3 =	vld [tilespmem:$0x14100];
	[tilespmem:$0x14260] =	vst v6  }
0xa7: {  	_ =	sdelay $0x1  }
0xa8: {  	[tilespmem:$0x14210] =	vst v1  }
0xa9: {  	[tilespmem:$0x14220] =	vst v2  }
0xaa: {  	s8 =	simm.s32 @p2 $0x6;
	[tilespmem:$0x14200] =	vst v3  }
0xab: {  	[spmem:s3] =	stream.indirect.scatter.add.f32 [tilespmem:s21], [sflag:$0x7], $0x80, s13, s29, $0xb8;
	[tilespmem:$0x1C300] =	vst v63  }
0xac: {  	_ =	swait.ge @p2 [sflag:s8], $0x4000  }
0xad: {  	[sflag:s8] =	ssyncset.done @p2 $0x0  }
0xae: {  	[sflag:s8] =	ssyncadd.s32 @p2 $0xFFFFC000;
	s8 =	simm.s32 @p2 $0x7  }
0xaf: {  	_ =	swait.ge @p2 [sflag:s8], $0x4000  }
0xb0: {  	[sflag:s8] =	ssyncset.done @p2 $0x0  }
0xb1: {  	s9 =	simm.s32 @!p2 $0x14000;
	[sflag:s8] =	ssyncadd.s32 @p2 $0xFFFFC000;
	s8 =	simm.s32 @!p2 $0x0  }
0xb2: {  	[tilespmem:s9], [sflag:$0x1] =	stream.linear.gather @!p2 [hbm4b:s22+s8], $0x80, $0x38;
	[tilespmem:$0x1C300] =	vst v63  }
0xb3: {  	s17 =	simm.s32 @!p2 $0x6;
	s13 =	simm.s32 @!p2 $0x14100  }
0xb4: {  	[tilespmem:s13], [sflag:$0x3] =	stream.linear.gather @!p2 [hbm4b:s18+s8], $0x80, $0x38;
	[tilespmem:$0x1C300] =	vst v63  }
0xb5: {  	_ =	swait.ge @!p2 [sflag:s17], $0x4000  }
0xb6: {  	[sflag:s17] =	ssyncset.done @!p2 $0x0  }
0xb7: {  	s8 =	simm.s32 @!p2 $0x7;
	[sflag:s17] =	ssyncadd.s32 @!p2 $0xFFFFC000  }
0xb8: {  	_ =	swait.ge @!p2 [sflag:s8], $0x4000  }
0xb9: {  	[sflag:s8] =	ssyncset.done @!p2 $0x0  }
0xba: {  	[sflag:s8] =	ssyncadd.s32 @!p2 $0xFFFFC000  }
0xbb: {  	_ =	swait.ge @!p2 [sflag:s15], $0x80  }
0xbc: {  	[sflag:s15] =	ssyncset.done @!p2 $0x0  }
0xbd: {  	[sflag:s15] =	ssyncadd.s32 @!p2 $0xFFFFFF80  }
0xbe: {  	_ =	swait.ge @!p2 [sflag:s16], $0x80  }
0xbf: {  	[sflag:s16] =	ssyncset.done @!p2 $0x0  }
0xc0: {  	s13 =	simm.s32 @!p2 $0x14300;
	s8 =	simm.s32 @!p2 $0x80;
	[sflag:s16] =	ssyncadd.s32 @!p2 $0xFFFFFF80  }
0xc1: {  	[tilespmem:s13], [sflag:$0x5] =	stream.indirect.gather @!p2 [hbm4b:s5+s8], $0x80, s9, s8, $0xb8;
	[tilespmem:$0x1C300] =	vst v63  }
0xc2: {  	v1 =	vld [tilespmem:$0x14180]  }
0xc3: {  	v2 =	vld [tilespmem:$0x14190]  }
0xc4: {  	v3 =	vld [tilespmem:$0x141A0]  }
0xc5: {  	v4 =	vld [tilespmem:$0x141B0]  }
0xc6: {  	v5 =	vld [tilespmem:$0x141D0]  }
0xc7: {  	[tilespmem:$0x14280] =	vst v1;
	v1 =	vld [tilespmem:$0x141E0]  }
0xc8: {  	[tilespmem:$0x14290] =	vst v2;
	v2 =	vld [tilespmem:$0x141F0]  }
0xc9: {  	[tilespmem:$0x142A0] =	vst v3;
	v3 =	vld [tilespmem:$0x141C0]  }
0xca: {  	[tilespmem:$0x142B0] =	vst v4  }
0xcb: {  	[tilespmem:$0x142D0] =	vst v5  }
0xcc: {  	[tilespmem:$0x142E0] =	vst v1  }
0xcd: {  	[tilespmem:$0x142F0] =	vst v2  }
0xce: {  	p1 =	sge.u32 s7, s10;
	s18 =	rddreg [dreg:$0x5];
	[tilespmem:$0x142C0] =	vst v3  }
0xcf: {  	[spmem:s3] =	stream.indirect.scatter.add.f32 [tilespmem:s0], [sflag:$0x8], $0x80, s18, s29, $0xb8;
	[tilespmem:$0x1C300] =	vst v63  }
0xd0: {  	s7 =	sadd.s32 @!p1 $0xFFFFFFF0, s20;
	s8 =	simm.s32 @!p1 $0x0;
	s9 =	simm.s32 @!p1 $0x14080  }
0xd1: {  	[tilespmem:s9], [sflag:$0x2] =	stream.linear.gather @!p1 [hbm4b:s7+s8], $0x80, $0x38;
	[tilespmem:$0x1C300] =	vst v63  }
0xd2: {  	s19 =	simm.s32 $0x8;
	s7 =	simm.s32 @!p1 $0x14180  }
0xd3: {  	[tilespmem:s7], [sflag:$0x4] =	stream.linear.gather @!p1 [hbm4b:s20+s8], $0x80, $0x38;
	[tilespmem:$0x1C300] =	vst v63  }
0xd4: {  	_ =	swait.ge [sflag:s19], $0x4000  }
0xd5: {  	[sflag:s19] =	ssyncset.done $0x0  }
0xd6: {  	s7 =	simm.s32 @!p0 $0x5;
	[sflag:s19] =	ssyncadd.s32 $0xFFFFC000  }
0xd7: {  	_ =	swait.ge @!p0 [sflag:s7], $0x4000  }
0xd8: {  	[sflag:s7] =	ssyncset.done @!p0 $0x0  }
0xd9: {  	[sflag:s7] =	ssyncadd.s32 @!p0 $0xFFFFC000  }
0xda: {  	v1 =	vld @!p0 [tilespmem:$0x14100]  }
0xdb: {  	v2 =	vld @!p0 [tilespmem:$0x14110]  }
0xdc: {  	v3 =	vld @!p0 [tilespmem:$0x14120]  }
0xdd: {  	v4 =	vld @!p0 [tilespmem:$0x14130]  }
0xde: {  	v5 =	vld @!p0 [tilespmem:$0x14140]  }
0xdf: {  	[tilespmem:$0x14200] =	vst @!p0 v1;
	v1 =	vld @!p0 [tilespmem:$0x14150]  }
0xe0: {  	[tilespmem:$0x14210] =	vst @!p0 v2;
	v2 =	vld @!p0 [tilespmem:$0x14160]  }
0xe1: {  	[tilespmem:$0x14220] =	vst @!p0 v3;
	v3 =	vld @!p0 [tilespmem:$0x14170]  }
0xe2: {  	[tilespmem:$0x14230] =	vst @!p0 v4  }
0xe3: {  	[tilespmem:$0x14240] =	vst @!p0 v5  }
0xe4: {  	[tilespmem:$0x14250] =	vst @!p0 v1  }
0xe5: {  	[tilespmem:$0x14260] =	vst @!p0 v2  }
0xe6: {  	s9 =	simm.s32 @!p0 $0x14300;
	s8 =	simm.s32 @!p0 $0x14200;
	s7 =	simm.s32 @!p0 $0x80;
	[tilespmem:$0x14270] =	vst @!p0 v3  }
0xe7: {  	[spmem:s3] =	stream.indirect.scatter.add.f32 @!p0 [tilespmem:s9], [sflag:$0x7], $0x80, s8, s7, $0xb8;
	[tilespmem:$0x1C300] =	vst v63  }
0xe8: {  	s7 =	simm.s32 @!p0 $0x7  }
0xe9: {  	_ =	swait.ge @!p0 [sflag:s7], $0x4000  }
0xea: {  	[sflag:s7] =	ssyncset.done @!p0 $0x0  }
0xeb: {  	s20 =	stileid.u32;
	[sflag:s7] =	ssyncadd.s32 @!p0 $0xFFFFC000  }
0xec: {  	s7 =	sshll.u32 s20, $0x6;
	[bflag:$0x0] =	sbarrier.arrive $0xFFFF  }
0xed: {  	s22 =	sshrl.u32 s6, $0x3;
	s7 =	sor.u32 $0x1C09, s7;
	s23 =	rddreg [dreg:$0xe]  }
0xee: {  	[hbm:s23], [sflag:s7] =	dma.local [spmem:s22], $0x2800  }
0xef: {  	_ =	swait.ge [sflag:s25], $0x2800  }
0xf0: {  	s1 =	sadd.s32 $0x1, s1;
	s28 =	rddreg [dreg:$0xf]  }
0xf1: {  	p1 =	sne.s32 s1, s28  }
.Ltmp2:
0xf2: {  	_ = 	snop;
	(pc) =	sbr.rel @p1 .LBB2_1-.Ltmp2, $3  }
0xf3: {  	_ =	sdelay $0x1  }
0xf4: {  	[sflag:s25] =	ssyncset.done $0x0  }
0xf5: {  	[sflag:s25] =	ssyncadd.s32 $0xFFFFD800  }
0xf6: {  	_ =	sfence.sel $0x180000  }
0xf7: {  	[bflag:$0x0] =	sbarrier.arrive $0xFFFF  }
0xf8: {  	_ =	strace $0x9000004D  }
0xf9: {  	s0 =	stileid.u32;
	[bflag:$0x2] =	sbarrier.arrive $0xFFFF  }
0xfa: {  	p0 =	sne.s32 s0, $0x0;
	s0 =	rddreg [dreg:$0x3]  }
0xfb: {  	s0 =	sadd.s32 @!p0 $0x100000, s0  }
0xfc: {  	[sflag:s0] =	ssyncadd.tile.s32 @!p0 $0x1;
	_ =	shalt  }
.Lfunc_end2:
_tile_overlayer_lowered:
.L_overlay_start_2:
0xfd: {  	(tag) =	ssettag $0x2  }
0xfe: {  	s0 =	rddreg [dreg:$0x0];
	s2 =	stileid.u32  }
0xff: {  	s1 =	rddreg [dreg:$0x1];
	p0 =	sne.s32 s2, $0x0  }
0x100: {  	s3 =	rddreg [dreg:$0x2];
	[bflag:$0x3] =	sbarrier.arrive $0xFFFF;
	s2 =	simm.s32 @!p0 $0x1C09  }
0x101: {  	[timem:s3], [sflag:s2] =	dma.local @!p0 [hbm:s0], s1  }
0x102: {  	s0 =	simm.s32 @!p0 $0x9  }
0x103: {  	_ =	swait.ge @!p0 [sflag:s0], s1  }
0x104: {  	s1 =	ssub.s32 @!p0 $0x0, s1;
	[sflag:s0] =	ssyncset.done @!p0 $0x0  }
0x105: {  	[sflag:s0] =	ssyncadd.s32 @!p0 s1  }
0x106: {  	[bflag:$0x3] =	sbarrier.arrive $0xFFFF  }
0x107: {  	_ =	shalt  }

// kernel: kernel.8.cloned.1.call-start
scs
__scs_entry_jumppad:
0x0: {  	(pc) =	sbr.rel $0x88, $3  }
0x1: {  	(tag) =	ssettag $0x0;
	lr =	simm.s32 $0x1  }
0x2: {  	[smem:$0x3F94] =	sst lr;
	_ =	strace $0xD0000000  }
0x3: {  	_ = 	snop  }
0x4: {  	_ = 	snop  }
0x5: {  	_ = 	snop  }
0x6: {  	_ = 	snop  }
0x7: {  	_ = 	snop  }
__scs_overlays_trampoline_lowered:
0x8: {  	[smem:$0x3FA3] =	sst s0  }
0x9: {  	[smem:$0x3FA4] =	sst s1  }
0xa: {  	[smem:$0x3FA5] =	sst s2  }
0xb: {  	[smem:$0x3FA6] =	sst s3  }
0xc: {  	[smem:$0x3FA7] =	sst s4  }
0xd: {  	[smem:$0x3FA8] =	sst s5  }
0xe: {  	[smem:$0x3FA9] =	sst s6  }
0xf: {  	[smem:$0x3FAA] =	sst s7  }
0x10: {  	[smem:$0x3FAB] =	sst s8  }
0x11: {  	[smem:$0x3FAC] =	sst s9;
	s0 =	simm.s32 @!p0 $0x0  }
0x12: {  	s1 =	sld [smem:$0x3F92];
	s0 =	simm.s32 @p0 $0x1  }
0x13: {  	[smem:$0x3FAD] =	sst s0;
	s0 =	simm.s32 @!p1 $0x0  }
0x14: {  	s2 =	sld [smem:$0x3F91];
	s0 =	simm.s32 @p1 $0x1  }
0x15: {  	[smem:$0x3FAE] =	sst s0;
	s0 =	simm.s32 @!p2 $0x0  }
0x16: {  	s3 =	sld [smem:$0x3FDB];
	s0 =	simm.s32 @p2 $0x1  }
0x17: {  	s4 =	simm.s32 $0x1BF5;
	[smem:$0x3FB0] =	sst s0  }
0x18: {  	s0 =	sld [smem:$0x3F93];
	_ =	swait.ge [sflag:s4], $0x0  }
0x19: {  	s7 =	sld [smem:$0x3F94]  }
0x1a: {  	s8 =	sadd.s32 $0xFFFFE003, lr  }
0x1b: {  	s9 =	sadd.s32 $0xFFFFFEF7, lr;
	s5 =	simm.s32 $0xFFFFFFFF;
	p2 =	slt.u32 s8, $0xFFFFF086  }
0x1c: {  	p1 =	slt.u32 s9, $0xF7A;
	s5 =	simm.s32 @!p2 $0x0  }
0x1d: {  	s5 =	simm.s32 @p1 $0x1;
	p0 =	seq.s32 s7, s2  }
0x1e: {  	s7 =	smul.u32 @!p0 $0xF7A, s2;
	p2 =	seq.s32 @!p0 s5, $0x0  }
0x1f: {  	s9 =	smul.u32 $0xF7A, s1;
	s8 =	simm.s32 @!p0 $0x1BF5;
	p2 =	por !p2, p0  }
0x20: {  	[sflag:s8] =	ssyncset.s32 @!p0 $0xFFFFF086;
	s6 =	sadd.s32 @!p0 s3, s7;
	s7 =	simm.s32 @!p0 $0x108  }
0x21: {  	s3 =	sadd.s32 s3, s9;
	s6 =	sadd.s32 @!p0 $0x88, s6;
	s7 =	simm.s32 @p2 $0x1082  }
0x22: {  	[simem:s7], [sflag:s8] =	dma.local @!p0 [hbm:s6], $0xF7A  }
0x23: {  	s9 =	sor.u32 $0xD0000000, s2;
	s6 =	simm.s32 $0x108;
	_ =	swait.ge @!p0 [sflag:s8], $0x0  }
0x24: {  	s3 =	sadd.s32 $0x88, s3;
	s6 =	simm.s32 @!p1 $0x1082;
	[sflag:s4] =	ssyncset.s32 $0xFFFFF086  }
0x25: {  	[simem:s6], [sflag:s4] =	dma.local [hbm:s3], $0xF7A  }
0x26: {  	[smem:$0x3F94] =	sst s1;
	(tag) =	ssettag s2;
	_ =	strace s9  }
0x27: {  	s1 =	sld [smem:$0x3FA4]  }
0x28: {  	s2 =	sld [smem:$0x3FA5]  }
0x29: {  	s4 =	sld [smem:$0x3FA7]  }
0x2a: {  	p0 =	seq.s32 s5, $0x0;
	s5 =	sld [smem:$0x3FA8]  }
0x2b: {  	s6 =	sld [smem:$0x3FA9]  }
0x2c: {  	s7 =	sld [smem:$0x3FAA]  }
0x2d: {  	s3 =	simm.s32 $0x108;
	s8 =	sld [smem:$0x3FAB]  }
0x2e: {  	s3 =	simm.s32 @!p0 $0x1082;
	s9 =	sld [smem:$0x3FAC]  }
0x2f: {  	lr =	sadd.s32 s0, s3;
	s0 =	sld [smem:$0x3FA3]  }
0x30: {  	s3 =	sld [smem:$0x3FA6]  }
0x31: {  	[smem:$0x3FAF] =	sst s10  }
0x32: {  	s10 =	sld [smem:$0x3FAD];
	_ =	sdelay $0x3  }
0x33: {  	p0 =	seq.s32 s10, $0x1;
	s10 =	sld [smem:$0x3FAF];
	_ =	sdelay $0x3  }
0x34: {  	[smem:$0x3FAF] =	sst s10  }
0x35: {  	s10 =	sld [smem:$0x3FAE];
	_ =	sdelay $0x3  }
0x36: {  	p1 =	seq.s32 s10, $0x1;
	s10 =	sld [smem:$0x3FAF];
	_ =	sdelay $0x3  }
0x37: {  	[smem:$0x3FAF] =	sst s10  }
0x38: {  	s10 =	sld [smem:$0x3FB0]  }
0x39: {  	_ = 	snop;
	(pc) =	sbr.ind lr, $3  }
0x3a: {  	_ = 	snop  }
0x3b: {  	_ = 	snop  }
0x3c: {  	p2 =	seq.s32 s10, $0x1;
	s10 =	sld [smem:$0x3FAF]  }
0x3d: {  	_ =	shalt  }
0x3e: {  	_ =	shalt  }
0x3f: {  	_ =	shalt  }
0x40: {  	_ =	shalt  }
0x41: {  	_ =	shalt  }
0x42: {  	_ =	shalt  }
0x43: {  	_ =	shalt  }
0x44: {  	_ =	shalt  }
0x45: {  	_ =	shalt  }
0x46: {  	_ =	shalt  }
0x47: {  	_ =	shalt  }
0x48: {  	_ =	shalt  }
0x49: {  	_ =	shalt  }
0x4a: {  	_ =	shalt  }
0x4b: {  	_ =	shalt  }
0x4c: {  	_ =	shalt  }
0x4d: {  	_ =	shalt  }
0x4e: {  	_ =	shalt  }
0x4f: {  	_ =	shalt  }
0x50: {  	_ =	shalt  }
0x51: {  	_ =	shalt  }
0x52: {  	_ =	shalt  }
0x53: {  	_ =	shalt  }
0x54: {  	_ =	shalt  }
0x55: {  	_ =	shalt  }
0x56: {  	_ =	shalt  }
0x57: {  	_ =	shalt  }
0x58: {  	_ =	shalt  }
0x59: {  	_ =	shalt  }
0x5a: {  	_ =	shalt  }
0x5b: {  	_ =	shalt  }
0x5c: {  	_ =	shalt  }
0x5d: {  	_ =	shalt  }
0x5e: {  	_ =	shalt  }
0x5f: {  	_ =	shalt  }
0x60: {  	_ =	shalt  }
0x61: {  	_ =	shalt  }
0x62: {  	_ =	shalt  }
0x63: {  	_ =	shalt  }
0x64: {  	_ =	shalt  }
0x65: {  	_ =	shalt  }
0x66: {  	_ =	shalt  }
0x67: {  	_ =	shalt  }
0x68: {  	_ =	shalt  }
0x69: {  	_ =	shalt  }
0x6a: {  	_ =	shalt  }
0x6b: {  	_ =	shalt  }
0x6c: {  	_ =	shalt  }
0x6d: {  	_ =	shalt  }
0x6e: {  	_ =	shalt  }
0x6f: {  	_ =	shalt  }
0x70: {  	_ =	shalt  }
0x71: {  	_ =	shalt  }
0x72: {  	_ =	shalt  }
0x73: {  	_ =	shalt  }
0x74: {  	_ =	shalt  }
0x75: {  	_ =	shalt  }
0x76: {  	_ =	shalt  }
0x77: {  	_ =	shalt  }
0x78: {  	_ =	shalt  }
0x79: {  	_ =	shalt  }
0x7a: {  	_ =	shalt  }
0x7b: {  	_ =	shalt  }
0x7c: {  	_ =	shalt  }
0x7d: {  	_ =	shalt  }
0x7e: {  	_ =	shalt  }
0x7f: {  	_ =	shalt  }
0x80: {  	_ =	shalt  }
0x81: {  	_ =	shalt  }
0x82: {  	_ =	shalt  }
0x83: {  	_ =	shalt  }
0x84: {  	_ =	shalt  }
0x85: {  	_ =	shalt  }
0x86: {  	_ =	shalt  }
0x87: {  	_ =	shalt  }
.Lfunc_end0:
.L_simem_size_0:
called_computation_lowered:
.L_overlay_start_0:
0x88: {  	s2 =	sld [smem:$0x3FD9]  }
0x89: {  	s3 =	sld [smem:$0x3FFE];
	_ =	sdelay $0x1  }
0x8a: {  	s1 =	srdreg.scid  }
0x8b: {  	s0 =	sand.u32 $0x1, s1  }
0x8c: {  	s17 =	sshll.u32 s0, $0xA;
	s2 =	sadd.s32 s3, s2  }
0x8d: {  	s2 =	sadd.s32 s2, s17  }
0x8e: {  	[smem:$0x3FBB] =	sst s2  }
0x8f: {  	_ = 	snop  }
0x90: {  	s2 =	sld [smem:$0x3FC8];
	(tm) =	ssettm $0x1  }
0x91: {  	s18 =	sld [smem:$0x3FFB];
	_ =	sdelay $0x3  }
0x92: {  	_ =	strace s18  }
0x93: {  	s3 =	sld [smem:$0x3FFC];
	_ =	sdelay $0x3  }
0x94: {  	_ =	strace s3  }
0x95: {  	s3 =	sld [smem:$0x3FFD];
	_ =	sdelay $0x3  }
0x96: {  	_ =	strace s3  }
0x97: {  	_ =	strace $0x8FFFFFFF  }
0x98: {  	s19 =	sld [smem:$0x3FDB];
	_ =	sdelay $0x1  }
0x99: {  	s4 =	simm.s32 $_scs_section_size  }
0x9a: {  	s5 =	simm.s32 $_size__tile_overlayer_lowered;
	s6 =	simm.s32 $_tile_overlayer_lowered  }
0x9b: {  	s22 =	simm.s32 $0x1BFF;
	s21 =	sshll.u32 s6, $0x1;
	s3 =	sadd.s32 s4, s19  }
0x9c: {  	s7 =	simm.s32 $0x0;
	s20 =	sshll.u32 s5, $0x1;
	s5 =	sadd.s32 s21, s3  }
0x9d: {  	[timem:s7], [sflag:s22] =	dma.local [hbm:s5], s20  }
0x9e: {  	_ =	swait.ge [sflag:s22], s20  }
0x9f: {  	s4 =	ssub.s32 $0x0, s20;
	[sflag:s22] =	ssyncset.done $0x0  }
0xa0: {  	[sflag:s22] =	ssyncadd.s32 s4;
	_ =	sdelay $0x1  }
0xa1: {  	s23 =	simm.s32 $0x1B8B  }
0xa2: {  	_ =	swait.ge [sflag:s23], $0x1  }
0xa3: {  	[sflag:s23] =	ssyncset.done $0x0  }
0xa4: {  	s25 =	simm.s32 $0x1B8E;
	s24 =	sld [smem:$0x3FFE];
	[sflag:s23] =	ssyncadd.s32 $0xFFFFFFFF  }
0xa5: {  	s26 =	simm.s32 $execute0_lowered;
	[smem:$0x3FD2] =	sst s25  }
0xa6: {  	s5 =	sshll.u32 s26, $0x1;
	_ =	strace $0x80000046;
	[dreg:$0x1] =	wrdreg $0xFFFFFFFF  }
0xa7: {  	s28 =	simm.s32 $_size_execute0_lowered;
	s3 =	sadd.s32 s3, s5;
	[dreg:$0x0] =	wrdreg $0x0  }
0xa8: {  	s5 =	sshll.u32 s28, $0x1;
	[dreg:$0x2] =	wrdreg s3  }
0xa9: {  	[dreg:$0x3] =	wrdreg s5  }
0xaa: {  	[dreg:$0x4] =	wrdreg $0xC0  }
0xab: {  	_ =	task [dreg:s7], $0x5FFFF  }
0xac: {  	[dreg:$0x1] =	wrdreg $0xFFFFFFFF  }
0xad: {  	[dreg:$0x0] =	wrdreg $0x60  }
0xae: {  	[dreg:$0x2] =	wrdreg s2  }
0xaf: {  	[dreg:$0x3] =	wrdreg s24  }
0xb0: {  	[dreg:$0x4] =	wrdreg $0x0  }
0xb1: {  	[dreg:$0x5] =	wrdreg $0x9  }
0xb2: {  	_ =	task.clear_ibuf [dreg:s7], $0x6FFFF;
	_ =	strace $0x90000046  }
0xb3: {  	s29 =	simm.s32 $0x9;
	_ =	strace $0x80000048  }
0xb4: {  	_ =	swait.ge [sflag:s29], $0x1  }
0xb5: {  	[sflag:s29] =	ssyncadd.s32 $0xFFFFFFFF  }
0xb6: {  	_ =	strace $0x90000048  }
0xb7: {  	_ =	sfence  }
0xb8: {  	s30 =	sld [smem:$0x0];
	_ =	sdelay $0x2  }
0xb9: {  	s31 =	sshll.u32 s1, $0xD;
	s1 =	sshrl.u32 s1, $0x2  }
0xba: {  	s3 =	sand.u32 $0x4000, s31;
	s1 =	sadd.s32 s1, s30  }
0xbb: {  	s0 =	sor.u32 s3, s0;
	s1 =	sshll.u32 s1, $0x11  }
0xbc: {  	s0 =	sor.u32 s1, s0  }
0xbd: {  	s0 =	sadd.s32 $0x8F2B, s0  }
0xbe: {  	[sflag:s0] =	ssyncadd.remote.s32 $0x1  }
0xbf: {  	_ =	sfence.sel $0xFFFF  }
0xc0: {  	[dreg:$0x0] =	wrdreg $0xFFFFFFFF;
	(pc) =	sbr.abs _section_cstart, $3  }
0xc1: {  	[dreg:$0x1] =	wrdreg $0xFFFFFFFF  }
0xc2: {  	_ =	task.clear_ibuf [dreg:s7], $0x2FFFF;
	_ =	strace $0x9FFFFFFF  }
0xc3: {  	(tm) =	ssettm $0x7FFFFFFF  }
tec
execute0_lowered:
.L_overlay_start_1:
0x0: {  	(tag) =	ssettag $0x1  }
0x1: {  	s1 =	rddreg [dreg:$0x0]  }
0x2: {  	s4 =	rddreg [dreg:$0x1];
	s3 =	srdreg.scid  }
0x3: {  	s0 =	stileid.u32;
	s2 =	rddreg [dreg:$0x2]  }
0x4: {  	s13 =	simm.s32 $0x580;
	s14 =	simm.s32 $0x600;
	s15 =	simm.s32 $0x300  }
0x5: {  	s16 =	simm.s32 $0x5;
	s17 =	simm.s32 $0x1;
	s18 =	simm.s32 $0x80  }
0x6: {  	s19 =	simm.s32 $0x680;
	s20 =	simm.s32 $0x280;
	s21 =	simm.s32 $0x2  }
0x7: {  	s28 =	simm.s32 $0x10;
	s29 =	simm.s32 $0x0;
	s5 =	smul.u32 $0x500, s0  }
0x8: {  	s9 =	sand.u32 $0x1, s3;
	s3 =	simm.s32 $0x0;
	s23 =	smul.u32 $0xA00, s0  }
0x9: {  	s12 =	sshll.u32 s0, $0x5;
	s31 =	sshll.u32 s0, $0x6;
	s6 =	sshll.u32 s9, $0x7  }
0xa: {  	[smem:$0x7FF] =	sst s3;
	s22 =	sshll.u32 s9, $0x4;
	s7 =	ssub.s32 $0x2, s9  }
0xb: {  	s30 =	sshll.u32 s9, $0x9;
	s5 =	sor.u32 s6, s5;
	_ =	strace $0x80000047  }
0xc: {  	s24 =	sor.u32 s0, s22;
	s25 =	sshrl.u32 s7, $0x1;
	s6 =	sshrl.u32 s23, $0x2  }
0xd: {  	s22 =	simm.s32 $0x700;
	s23 =	simm.s32 $0x3;
	s5 =	sshrl.u32 s5, $0x3  }
0xe: {  	s26 =	sshll.u32 s24, $0x5;
	s10 =	ssub.s32 s7, s25;
	s6 =	sadd.s32 s6, s2  }
0xf: {  	p0 =	sgt.u32 s24, $0x3;
	s24 =	simm.s32 $0x4;
	s25 =	sor.u32 $0x1C05, s31  }
0x10: {  	s8 =	sadd.s32 s5, s4;
	s11 =	sadd.s32 s26, s1;
	s1 =	sadd.s32 s30, s1  }
0x11: {  	s26 =	simm.s32 $0x20;
	s4 =	sadd.s32 $0x10, s11;
	s5 =	sadd.s32 $0x410, s11  }
0x12: {  	s7 =	sadd.s32 $0x3000, s8;
	s8 =	smax.u32 s10, $0x1;
	s9 =	sadd.s32 $0x810, s11  }
0x13: {  	v0 =	vimm.f32 $1.000000000e+00;
	v1 =	vimm.f32 $0.0e+00;
	s10 =	sadd.s32 $0xC10, s11;
	s11 =	sadd.s32 $0x13810, s11;
	s12 =	sadd.s32 s12, s1  }
.LBB2_1:
0x14: {  	[tilespmem:$0x280] =	vst v0  }
0x15: {  	[tilespmem:$0x290] =	vst v0  }
0x16: {  	[tilespmem:$0x2A0] =	vst v0  }
0x17: {  	[tilespmem:$0x2B0] =	vst v0  }
0x18: {  	[tilespmem:$0x2C0] =	vst v0  }
0x19: {  	[tilespmem:$0x2D0] =	vst v0  }
0x1a: {  	[tilespmem:$0x2E0] =	vst v0  }
0x1b: {  	[tilespmem:$0x2F0] =	vst v0  }
0x1c: {  	[tilespmem:$0x300] =	vst v1  }
0x1d: {  	[tilespmem:$0x310] =	vst v1  }
0x1e: {  	[tilespmem:$0x320] =	vst v1  }
0x1f: {  	[tilespmem:$0x330] =	vst v1  }
0x20: {  	[tilespmem:$0x340] =	vst v1  }
0x21: {  	[tilespmem:$0x350] =	vst v1  }
0x22: {  	[tilespmem:$0x360] =	vst v1  }
0x23: {  	[tilespmem:$0x370] =	vst v1  }
0x24: {  	[tilespmem:$0x380] =	vst v1  }
0x25: {  	[tilespmem:$0x390] =	vst v1  }
0x26: {  	[tilespmem:$0x3A0] =	vst v1  }
0x27: {  	[tilespmem:$0x3B0] =	vst v1  }
0x28: {  	[tilespmem:$0x3C0] =	vst v1  }
0x29: {  	[tilespmem:$0x3D0] =	vst v1  }
0x2a: {  	[tilespmem:$0x3E0] =	vst v1  }
0x2b: {  	[tilespmem:$0x3F0] =	vst v1  }
0x2c: {  	[tilespmem:$0x400] =	vst v1  }
0x2d: {  	[tilespmem:$0x410] =	vst v1  }
0x2e: {  	[tilespmem:$0x420] =	vst v1  }
0x2f: {  	[tilespmem:$0x430] =	vst v1  }
0x30: {  	[tilespmem:$0x440] =	vst v1  }
0x31: {  	[tilespmem:$0x450] =	vst v1  }
0x32: {  	[tilespmem:$0x460] =	vst v1  }
0x33: {  	[tilespmem:$0x470] =	vst v1  }
0x34: {  	[tilespmem:$0x480] =	vst v1  }
0x35: {  	[tilespmem:$0x490] =	vst v1  }
0x36: {  	[tilespmem:$0x4A0] =	vst v1  }
0x37: {  	[tilespmem:$0x4B0] =	vst v1  }
0x38: {  	[tilespmem:$0x4C0] =	vst v1  }
0x39: {  	[tilespmem:$0x4D0] =	vst v1  }
0x3a: {  	[tilespmem:$0x4E0] =	vst v1  }
0x3b: {  	[tilespmem:$0x4F0] =	vst v1  }
0x3c: {  	[tilespmem:$0x500] =	vst v1  }
0x3d: {  	[tilespmem:$0x510] =	vst v1  }
0x3e: {  	[tilespmem:$0x520] =	vst v1  }
0x3f: {  	[tilespmem:$0x530] =	vst v1  }
0x40: {  	[tilespmem:$0x540] =	vst v1  }
0x41: {  	[tilespmem:$0x550] =	vst v1  }
0x42: {  	[tilespmem:$0x560] =	vst v1  }
0x43: {  	[tilespmem:$0x570] =	vst v1  }
0x44: {  	[tilespmem:s13], [sflag:$0x1] =	stream.linear.gather [hbm4b:s4+s3], $0x80, $0x38;
	[tilespmem:$0x780] =	vst v63  }
0x45: {  	_ = 	snop  }
0x46: {  	[tilespmem:s14], [sflag:$0x2] =	stream.linear.gather [hbm4b:s5+s3], $0x80, $0x38;
	[tilespmem:$0x780] =	vst v63  }
0x47: {  	_ = 	snop  }
0x48: {  	[spmem:s6] =	stream.linear.scatter [tilespmem:s15], [sflag:$0x5], $0x280, $0x38;
	[tilespmem:$0x780] =	vst v63  }
0x49: {  	_ =	swait.ge [sflag:s16], $0x280  }
0x4a: {  	[sflag:s16] =	ssyncset.done $0x0  }
0x4b: {  	[sflag:s16] =	ssyncadd.s32 $0xFFFFFD80  }
0x4c: {  	[bflag:$0x0] =	sbarrier.arrive $0xFFFF  }
0x4d: {  	_ =	swait.ge [sflag:s17], $0x80  }
0x4e: {  	[sflag:s17] =	ssyncset.done $0x0  }
0x4f: {  	[sflag:s17] =	ssyncadd.s32 $0xFFFFFF80  }
0x50: {  	v2 =	vld [tilespmem:$0x580]  }
0x51: {  	v3 =	vld [tilespmem:$0x590]  }
0x52: {  	v4 =	vld [tilespmem:$0x5A0]  }
0x53: {  	v5 =	vld [tilespmem:$0x5B0]  }
0x54: {  	v6 =	vld [tilespmem:$0x5C0]  }
0x55: {  	v56 =	vld [tilespmem:$0x5F0];
	[tilespmem:$0x680] =	vst v2  }
0x56: {  	v2 =	vld [tilespmem:$0x5D0];
	[tilespmem:$0x690] =	vst v3  }
0x57: {  	v3 =	vld [tilespmem:$0x5E0];
	[tilespmem:$0x6A0] =	vst v4  }
0x58: {  	[tilespmem:$0x6B0] =	vst v5  }
0x59: {  	[tilespmem:$0x6C0] =	vst v6  }
0x5a: {  	[tilespmem:$0x6F0] =	vst v56  }
0x5b: {  	[tilespmem:$0x6D0] =	vst v2  }
0x5c: {  	[tilespmem:$0x6E0] =	vst v3  }
0x5d: {  	[spmem:s2] =	stream.indirect.scatter.add.f32 [tilespmem:s20], [sflag:$0x3], $0x1, s19, s18, $0xb8;
	[tilespmem:$0x780] =	vst v63  }
0x5e: {  	_ = 	snop  }
0x5f: {  	[tilespmem:s13], [sflag:$0x1] =	stream.linear.gather [hbm4b:s9+s3], $0x80, $0x38;
	[tilespmem:$0x780] =	vst v63  }
0x60: {  	_ =	swait.ge [sflag:s21], $0x80  }
0x61: {  	[sflag:s21] =	ssyncset.done $0x0  }
0x62: {  	[sflag:s21] =	ssyncadd.s32 $0xFFFFFF80  }
0x63: {  	v2 =	vld [tilespmem:$0x600]  }
0x64: {  	v3 =	vld [tilespmem:$0x610]  }
0x65: {  	v57 =	vld [tilespmem:$0x620]  }
0x66: {  	v58 =	vld [tilespmem:$0x630]  }
0x67: {  	v59 =	vld [tilespmem:$0x640]  }
0x68: {  	v60 =	vld [tilespmem:$0x670];
	[tilespmem:$0x700] =	vst v2  }
0x69: {  	v2 =	vld [tilespmem:$0x650];
	[tilespmem:$0x710] =	vst v3  }
0x6a: {  	v3 =	vld [tilespmem:$0x660];
	[tilespmem:$0x720] =	vst v57  }
0x6b: {  	[tilespmem:$0x730] =	vst v58  }
0x6c: {  	[tilespmem:$0x740] =	vst v59  }
0x6d: {  	[tilespmem:$0x770] =	vst v60  }
0x6e: {  	[tilespmem:$0x750] =	vst v2  }
0x6f: {  	[tilespmem:$0x760] =	vst v3  }
0x70: {  	[spmem:s2] =	stream.indirect.scatter.add.f32 [tilespmem:s20], [sflag:$0x4], $0x1, s22, s18, $0xb8;
	[tilespmem:$0x780] =	vst v63  }
0x71: {  	_ = 	snop  }
0x72: {  	[tilespmem:s14], [sflag:$0x2] =	stream.linear.gather [hbm4b:s10+s3], $0x80, $0x38;
	[tilespmem:$0x780] =	vst v63  }
0x73: {  	_ =	swait.ge [sflag:s17], $0x80  }
0x74: {  	[sflag:s17] =	ssyncset.done $0x0  }
0x75: {  	[sflag:s17] =	ssyncadd.s32 $0xFFFFFF80  }
0x76: {  	_ =	swait.ge [sflag:s23], $0x80  }
0x77: {  	[sflag:s23] =	ssyncset.done $0x0  }
0x78: {  	[sflag:s23] =	ssyncadd.s32 $0xFFFFFF80  }
0x79: {  	v2 =	vld [tilespmem:$0x5F0]  }
0x7a: {  	v3 =	vld [tilespmem:$0x5D0]  }
0x7b: {  	v61 =	vld [tilespmem:$0x5E0]  }
0x7c: {  	v62 =	vld [tilespmem:$0x5B0]  }
0x7d: {  	v63 =	vld [tilespmem:$0x5C0]  }
0x7e: {  	v7 =	vld [tilespmem:$0x580];
	[tilespmem:$0x6F0] =	vst v2  }
0x7f: {  	v2 =	vld [tilespmem:$0x5A0];
	[tilespmem:$0x6D0] =	vst v3  }
0x80: {  	v3 =	vld [tilespmem:$0x590];
	[tilespmem:$0x6E0] =	vst v61  }
0x81: {  	[tilespmem:$0x6B0] =	vst v62  }
0x82: {  	[tilespmem:$0x6C0] =	vst v63  }
0x83: {  	[tilespmem:$0x680] =	vst v7  }
0x84: {  	[tilespmem:$0x6A0] =	vst v2  }
0x85: {  	s31 =	sadd.s32 $0xFFFED800, s12;
	[tilespmem:$0x690] =	vst v3  }
0x86: {  	[spmem:s2] =	stream.indirect.scatter.add.f32 [tilespmem:s20], [sflag:$0x3], $0x1, s19, s18, $0xb8;
	[tilespmem:$0x780] =	vst v63  }
0x87: {  	s1 =	sadd.s32 $0x13810, s31  }
0x88: {  	[tilespmem:s13], [sflag:$0x1] =	stream.linear.gather [hbm4b:s1+s3], $0x80, $0x38;
	[tilespmem:$0x780] =	vst v63  }
0x89: {  	_ =	swait.ge [sflag:s21], $0x80  }
0x8a: {  	[sflag:s21] =	ssyncset.done $0x0  }
0x8b: {  	[sflag:s21] =	ssyncadd.s32 $0xFFFFFF80  }
0x8c: {  	_ =	swait.ge [sflag:s24], $0x80  }
0x8d: {  	[sflag:s24] =	ssyncset.done $0x0  }
0x8e: {  	[sflag:s24] =	ssyncadd.s32 $0xFFFFFF80  }
0x8f: {  	s30 =	simm.s32 $0xFFFEE000;
	v2 =	vld [tilespmem:$0x600]  }
.LBB2_2:
0x90: {  	p1 =	sne.s32 s30, $0xFFFFF800;
	v3 =	vld [tilespmem:$0x650];
	s1 =	smov.u32 s30;
	s30 =	sadd.s32 $0x800, s30  }
0x91: {  	v4 =	vld [tilespmem:$0x670]  }
0x92: {  	v5 =	vld [tilespmem:$0x660]  }
0x93: {  	v6 =	vld [tilespmem:$0x620]  }
0x94: {  	[tilespmem:$0x700] =	vst v2;
	v2 =	vld [tilespmem:$0x610]  }
0x95: {  	v7 =	vld [tilespmem:$0x630];
	[tilespmem:$0x750] =	vst v3  }
0x96: {  	v3 =	vld [tilespmem:$0x640];
	[tilespmem:$0x770] =	vst v4  }
0x97: {  	[tilespmem:$0x760] =	vst v5  }
0x98: {  	[tilespmem:$0x720] =	vst v6  }
0x99: {  	[tilespmem:$0x710] =	vst v2  }
0x9a: {  	[tilespmem:$0x730] =	vst v7  }
0x9b: {  	s31 =	sadd.s32 $0x13C10, s31;
	[tilespmem:$0x740] =	vst v3  }
0x9c: {  	[spmem:s2] =	stream.indirect.scatter.add.f32 [tilespmem:s20], [sflag:$0x4], $0x1, s22, s18, $0xb8;
	[tilespmem:$0x780] =	vst v63  }
0x9d: {  	_ = 	snop  }
0x9e: {  	[tilespmem:s14], [sflag:$0x2] =	stream.linear.gather [hbm4b:s31+s3], $0x80, $0x38;
	[tilespmem:$0x780] =	vst v63  }
0x9f: {  	_ =	swait.ge [sflag:s17], $0x80  }
0xa0: {  	[sflag:s17] =	ssyncset.done $0x0  }
0xa1: {  	[sflag:s17] =	ssyncadd.s32 $0xFFFFFF80  }
0xa2: {  	_ =	swait.ge [sflag:s23], $0x80  }
0xa3: {  	[sflag:s23] =	ssyncset.done $0x0  }
0xa4: {  	[sflag:s23] =	ssyncadd.s32 $0xFFFFFF80  }
0xa5: {  	v2 =	vld [tilespmem:$0x5F0]  }
0xa6: {  	v3 =	vld [tilespmem:$0x5D0]  }
0xa7: {  	v4 =	vld [tilespmem:$0x5E0]  }
0xa8: {  	v5 =	vld [tilespmem:$0x5B0]  }
0xa9: {  	v6 =	vld [tilespmem:$0x5C0]  }
0xaa: {  	v7 =	vld [tilespmem:$0x580];
	[tilespmem:$0x6F0] =	vst v2  }
0xab: {  	v2 =	vld [tilespmem:$0x5A0];
	[tilespmem:$0x6D0] =	vst v3  }
0xac: {  	v3 =	vld [tilespmem:$0x590];
	[tilespmem:$0x6E0] =	vst v4  }
0xad: {  	[tilespmem:$0x6B0] =	vst v5  }
0xae: {  	[tilespmem:$0x6C0] =	vst v6  }
0xaf: {  	[tilespmem:$0x680] =	vst v7  }
0xb0: {  	[tilespmem:$0x6A0] =	vst v2  }
0xb1: {  	s31 =	sadd.s32 s1, s12;
	[tilespmem:$0x690] =	vst v3  }
0xb2: {  	[spmem:s2] =	stream.indirect.scatter.add.f32 [tilespmem:s20], [sflag:$0x3], $0x1, s19, s18, $0xb8;
	[tilespmem:$0x780] =	vst v63  }
0xb3: {  	s1 =	sadd.s32 $0x13810, s31  }
0xb4: {  	[tilespmem:s13], [sflag:$0x1] =	stream.linear.gather [hbm4b:s1+s3], $0x80, $0x38;
	[tilespmem:$0x780] =	vst v63  }
0xb5: {  	_ =	swait.ge [sflag:s21], $0x80  }
0xb6: {  	[sflag:s21] =	ssyncset.done $0x0  }
.Ltmp0:
0xb7: {  	[sflag:s21] =	ssyncadd.s32 $0xFFFFFF80;
	(pc) =	sbr.rel @p1 .LBB2_2-.Ltmp0, $4  }
0xb8: {  	_ =	swait.ge [sflag:s24], $0x80  }
0xb9: {  	[sflag:s24] =	ssyncset.done $0x0  }
0xba: {  	[sflag:s24] =	ssyncadd.s32 $0xFFFFFF80  }
0xbb: {  	v2 =	vld [tilespmem:$0x600]  }
0xbc: {  	v3 =	vld [tilespmem:$0x650]  }
0xbd: {  	v4 =	vld [tilespmem:$0x670]  }
0xbe: {  	v5 =	vld [tilespmem:$0x660]  }
0xbf: {  	v6 =	vld [tilespmem:$0x620]  }
0xc0: {  	v7 =	vld [tilespmem:$0x630];
	[tilespmem:$0x700] =	vst v2  }
0xc1: {  	v2 =	vld [tilespmem:$0x610];
	[tilespmem:$0x750] =	vst v3  }
0xc2: {  	v3 =	vld [tilespmem:$0x640];
	[tilespmem:$0x770] =	vst v4  }
0xc3: {  	[tilespmem:$0x760] =	vst v5  }
0xc4: {  	[tilespmem:$0x720] =	vst v6  }
0xc5: {  	[tilespmem:$0x730] =	vst v7  }
0xc6: {  	[tilespmem:$0x710] =	vst v2  }
0xc7: {  	[tilespmem:$0x740] =	vst v3  }
0xc8: {  	[spmem:s2] =	stream.indirect.scatter.add.f32 [tilespmem:s20], [sflag:$0x4], $0x1, s22, s18, $0xb8;
	[tilespmem:$0x780] =	vst v63  }
0xc9: {  	s1 =	sadd.s32 $0x13C10, s31  }
0xca: {  	[tilespmem:s14], [sflag:$0x2] =	stream.linear.gather [hbm4b:s1+s3], $0x80, $0x38;
	[tilespmem:$0x780] =	vst v63  }
0xcb: {  	_ =	swait.ge [sflag:s17], $0x80  }
0xcc: {  	[sflag:s17] =	ssyncset.done $0x0  }
0xcd: {  	[sflag:s17] =	ssyncadd.s32 $0xFFFFFF80  }
0xce: {  	_ =	swait.ge [sflag:s23], $0x80  }
0xcf: {  	[sflag:s23] =	ssyncset.done $0x0  }
0xd0: {  	[sflag:s23] =	ssyncadd.s32 $0xFFFFFF80  }
0xd1: {  	v2 =	vld [tilespmem:$0x580]  }
0xd2: {  	v3 =	vld [tilespmem:$0x590]  }
0xd3: {  	v56 =	vld [tilespmem:$0x5A0]  }
0xd4: {  	v57 =	vld [tilespmem:$0x5B0]  }
0xd5: {  	v58 =	vld [tilespmem:$0x5C0]  }
0xd6: {  	v59 =	vld [tilespmem:$0x5F0];
	[tilespmem:$0x680] =	vst v2  }
0xd7: {  	v2 =	vld [tilespmem:$0x5D0];
	[tilespmem:$0x690] =	vst v3  }
0xd8: {  	v3 =	vld [tilespmem:$0x5E0];
	[tilespmem:$0x6A0] =	vst v56  }
0xd9: {  	[tilespmem:$0x6B0] =	vst v57  }
0xda: {  	[tilespmem:$0x6C0] =	vst v58  }
0xdb: {  	[tilespmem:$0x6F0] =	vst v59  }
0xdc: {  	[tilespmem:$0x6D0] =	vst v2  }
0xdd: {  	[tilespmem:$0x6E0] =	vst v3  }
0xde: {  	[spmem:s2] =	stream.indirect.scatter.add.f32 [tilespmem:s20], [sflag:$0x3], $0x1, s19, s18, $0xb8;
	[tilespmem:$0x780] =	vst v63  }
0xdf: {  	s30 =	simm.s32 @!p0 $0x580;
	s1 =	simm.s32 @!p0 $0x0  }
0xe0: {  	[tilespmem:s30], [sflag:$0x1] =	stream.linear.gather @!p0 [hbm4b:s11+s1], $0x80, $0x38;
	[tilespmem:$0x780] =	vst v63  }
0xe1: {  	_ =	swait.ge [sflag:s21], $0x80  }
0xe2: {  	[sflag:s21] =	ssyncset.done $0x0  }
0xe3: {  	[sflag:s21] =	ssyncadd.s32 $0xFFFFFF80  }
0xe4: {  	_ =	swait.ge [sflag:s24], $0x80  }
0xe5: {  	[sflag:s24] =	ssyncset.done $0x0  }
0xe6: {  	[sflag:s24] =	ssyncadd.s32 $0xFFFFFF80  }
0xe7: {  	v2 =	vld [tilespmem:$0x600]  }
0xe8: {  	v3 =	vld [tilespmem:$0x610]  }
0xe9: {  	v60 =	vld [tilespmem:$0x620]  }
0xea: {  	v61 =	vld [tilespmem:$0x630]  }
0xeb: {  	v62 =	vld [tilespmem:$0x640]  }
0xec: {  	v63 =	vld [tilespmem:$0x670];
	[tilespmem:$0x700] =	vst v2  }
0xed: {  	v2 =	vld [tilespmem:$0x650];
	[tilespmem:$0x710] =	vst v3  }
0xee: {  	v3 =	vld [tilespmem:$0x660];
	[tilespmem:$0x720] =	vst v60  }
0xef: {  	[tilespmem:$0x730] =	vst v61  }
0xf0: {  	[tilespmem:$0x740] =	vst v62  }
0xf1: {  	[tilespmem:$0x770] =	vst v63  }
0xf2: {  	[tilespmem:$0x750] =	vst v2  }
0xf3: {  	[tilespmem:$0x760] =	vst v3  }
0xf4: {  	[spmem:s2] =	stream.indirect.scatter.add.f32 [tilespmem:s20], [sflag:$0x4], $0x1, s22, s18, $0xb8;
	[tilespmem:$0x780] =	vst v63  }
0xf5: {  	_ =	swait.ge [sflag:s23], $0x80  }
0xf6: {  	[sflag:s23] =	ssyncset.done $0x0  }
0xf7: {  	[sflag:s23] =	ssyncadd.s32 $0xFFFFFF80  }
0xf8: {  	_ =	swait.ge [sflag:s24], $0x80  }
0xf9: {  	[sflag:s24] =	ssyncset.done $0x0  }
0xfa: {  	s1 =	simm.s32 @!p0 $0x1;
	[sflag:s24] =	ssyncadd.s32 $0xFFFFFF80  }
0xfb: {  	_ =	swait.ge @!p0 [sflag:s1], $0x80  }
0xfc: {  	[sflag:s1] =	ssyncset.done @!p0 $0x0  }
0xfd: {  	[sflag:s1] =	ssyncadd.s32 @!p0 $0xFFFFFF80  }
0xfe: {  	v2 =	vld @!p0 [tilespmem:$0x580]  }
0xff: {  	v3 =	vld @!p0 [tilespmem:$0x590]  }
0x100: {  	v4 =	vld @!p0 [tilespmem:$0x5A0]  }
0x101: {  	v5 =	vld @!p0 [tilespmem:$0x5B0]  }
0x102: {  	v6 =	vld @!p0 [tilespmem:$0x5C0]  }
0x103: {  	[tilespmem:$0x680] =	vst @!p0 v2;
	v2 =	vld @!p0 [tilespmem:$0x5D0]  }
0x104: {  	[tilespmem:$0x690] =	vst @!p0 v3;
	v3 =	vld @!p0 [tilespmem:$0x5E0]  }
0x105: {  	[tilespmem:$0x6A0] =	vst @!p0 v4;
	v4 =	vld @!p0 [tilespmem:$0x5F0]  }
0x106: {  	[tilespmem:$0x6B0] =	vst @!p0 v5  }
0x107: {  	[tilespmem:$0x6C0] =	vst @!p0 v6  }
0x108: {  	[tilespmem:$0x6D0] =	vst @!p0 v2  }
0x109: {  	[tilespmem:$0x6E0] =	vst @!p0 v3  }
0x10a: {  	s31 =	simm.s32 @!p0 $0x280;
	s30 =	simm.s32 @!p0 $0x680;
	s1 =	simm.s32 @!p0 $0x80;
	[tilespmem:$0x6F0] =	vst @!p0 v4  }
0x10b: {  	[spmem:s2] =	stream.indirect.scatter.add.f32 @!p0 [tilespmem:s31], [sflag:$0x3], $0x1, s30, s1, $0xb8;
	[tilespmem:$0x780] =	vst v63  }
0x10c: {  	s1 =	simm.s32 @!p0 $0x3  }
0x10d: {  	_ =	swait.ge @!p0 [sflag:s1], $0x80  }
0x10e: {  	s29 =	sadd.s32 $0x1, s29;
	[sflag:s1] =	ssyncset.done @!p0 $0x0  }
0x10f: {  	p1 =	sne.s32 s29, s8;
	[sflag:s1] =	ssyncadd.s32 @!p0 $0xFFFFFF80  }
.Ltmp1:
0x110: {  	s31 =	sshrl.u32 s6, $0x3;
	[bflag:$0x0] =	sbarrier.arrive $0xFFFF;
	(pc) =	sbr.rel @p1 .LBB2_1-.Ltmp1, $4  }
0x111: {  	[hbm:s7@s26], [sflag:s25] =	dma.strided [spmem:s31@s28], $0x50, s17, $0x10   }
0x112: {  	_ =	swait.ge [sflag:s16], $0x50  }
0x113: {  	[sflag:s16] =	ssyncset.done $0x0  }
0x114: {  	[sflag:s16] =	ssyncadd.s32 $0xFFFFFFB0  }
0x115: {  	_ =	sfence.sel $0x180000  }
0x116: {  	[bflag:$0x0] =	sbarrier.arrive $0xFFFF  }
0x117: {  	_ =	strace $0x90000047  }
0x118: {  	[bflag:$0x2] =	sbarrier.arrive $0xFFFF  }
0x119: {  	p0 =	sne.s32 s0, $0x0;
	s0 =	rddreg [dreg:$0x3]  }
0x11a: {  	s0 =	sadd.s32 @!p0 $0x100000, s0  }
0x11b: {  	[sflag:s0] =	ssyncadd.tile.s32 @!p0 $0x1;
	_ =	shalt  }
.Lfunc_end2:
_tile_overlayer_lowered:
.L_overlay_start_2:
0x11c: {  	(tag) =	ssettag $0x2  }
0x11d: {  	s0 =	rddreg [dreg:$0x0];
	s2 =	stileid.u32  }
0x11e: {  	s1 =	rddreg [dreg:$0x1];
	p0 =	sne.s32 s2, $0x0  }
0x11f: {  	s3 =	rddreg [dreg:$0x2];
	[bflag:$0x3] =	sbarrier.arrive $0xFFFF;
	s2 =	simm.s32 @!p0 $0x1C05  }
0x120: {  	[timem:s3], [sflag:s2] =	dma.local @!p0 [hbm:s0], s1  }
0x121: {  	s0 =	simm.s32 @!p0 $0x5  }
0x122: {  	_ =	swait.ge @!p0 [sflag:s0], s1  }
0x123: {  	s1 =	ssub.s32 @!p0 $0x0, s1;
	[sflag:s0] =	ssyncset.done @!p0 $0x0  }
0x124: {  	[sflag:s0] =	ssyncadd.s32 @!p0 s1  }
0x125: {  	[bflag:$0x3] =	sbarrier.arrive $0xFFFF  }
0x126: {  	_ =	shalt  }

</sc_bundles>
